<compile_context>
chip_gen: v7x
topology: tpu7x:2x2x1
jax: 0.10.2.dev20260603
libtpu: 0.0.44.dev20260713+nightly
codegen_flags: <defaults>
</compile_context>

<pallas_src>
import functools

import numpy as np
import jax
import jax.numpy as jnp
from jax import lax
from jax.experimental import pallas as pl
from jax.experimental.pallas import tpu as pltpu
from jax.experimental.pallas import tpu_sc as plsc

_D, _H, _W = 16, 192, 192
_N = _D * _H * _W
_LANES = 128
_ROWS = _N // _LANES
_B = 2
_NID = 7
_PAIRS = _B * _NID
_K = 1024
_HIST = 2 * _PAIRS * _K
_NW = 32
_M = _PAIRS * _N
_MW = _M // _NW
_CH = 16128
_NCHK = 16
_UNR = 6
_RCHUNK = 576
_NCH = _ROWS // _RCHUNK


def _coords(ch):
    rows = lax.broadcasted_iota(jnp.int32, (_RCHUNK, _LANES), 0)
    cols = lax.broadcasted_iota(jnp.int32, (_RCHUNK, _LANES), 1)
    n = (ch * _RCHUNK + rows) * _LANES + cols
    x = n % _W
    y = (n // _W) % _H
    z = n // (_W * _H)
    xm = x.astype(jnp.float32) * np.float32(1.0 / (256 - 1))
    ym = y.astype(jnp.float32) * np.float32(1.0 / (256 - 1))
    zm = z.astype(jnp.float32) * np.float32(1.0 / (32 - 1))
    return xm, ym, zm


def _stats_body(pred_ref, inst_ref, lab_ref, out_ref):
    xm, ym, zm = _coords(pl.program_id(1))
    s0 = pred_ref[0, 3]
    s1 = pred_ref[0, 4]
    s2 = pred_ref[0, 5]
    inst = inst_ref[0]
    vals = (xm, ym, zm, s0, s1, s2, s0 * s0, s1 * s1, s2 * s2)
    for iid in range(1, _NID + 1):
        mf = (inst == iid).astype(jnp.float32)
        r0 = (iid - 1) * 10
        out_ref[0, 0, r0, :] = jnp.sum(mf, axis=0)
        for j, v in enumerate(vals):
            out_ref[0, 0, r0 + 1 + j, :] = jnp.sum(v * mf, axis=0)
    seedm = jax.nn.sigmoid(pred_ref[0, 6])
    bg = (lab_ref[0] == 0).astype(jnp.float32)
    out_ref[0, 0, 70, :] = jnp.sum(seedm * seedm * bg, axis=0)
    out_ref[0, 0, 71, :] = jnp.zeros((_LANES,), jnp.float32)


def _stats_call(pred4, inst, lab):
    return pl.pallas_call(
        _stats_body,
        grid=(_B, _NCH),
        in_specs=[
            pl.BlockSpec((1, 7, _RCHUNK, _LANES), lambda b, c: (b, 0, c, 0)),
            pl.BlockSpec((1, _RCHUNK, _LANES), lambda b, c: (b, c, 0)),
            pl.BlockSpec((1, _RCHUNK, _LANES), lambda b, c: (b, c, 0)),
        ],
        out_specs=pl.BlockSpec((1, 1, 72, _LANES), lambda b, c: (b, c, 0, 0)),
        out_shape=jax.ShapeDtypeStruct((_B, _NCH, 72, _LANES), jnp.float32),
    )(pred4, inst, lab)


def _bins_body(pred_ref, inst_ref, prm_ref, bins_ref, sf_ref):
    xm, ym, zm = _coords(pl.program_id(1))
    e0 = jnp.tanh(pred_ref[0, 0]) + xm
    e1 = jnp.tanh(pred_ref[0, 1]) + ym
    e2 = jnp.tanh(pred_ref[0, 2]) + zm
    seedm = jax.nn.sigmoid(pred_ref[0, 6])
    inst = inst_ref[0]
    pair0 = pl.program_id(0) * _NID
    for iid in range(1, _NID + 1):
        cx = prm_ref[0, iid - 1, 0]
        cy = prm_ref[0, iid - 1, 1]
        cz = prm_ref[0, iid - 1, 2]
        sx = prm_ref[0, iid - 1, 3]
        sy = prm_ref[0, iid - 1, 4]
        sz = prm_ref[0, iid - 1, 5]
        q = (e0 - cx) ** 2 * sx + (e1 - cy) ** 2 * sy + (e2 - cz) ** 2 * sz
        dd = jnp.exp(-q)
        mb = inst == iid
        t = dd * np.float32(_K)
        bin_ = jnp.minimum(
            jnp.where(mb, np.float32(_K) - t, t).astype(jnp.int32), _K - 1)
        flat = (jnp.where(mb, _PAIRS * _K, 0)
                + (pair0 + (iid - 1)) * _K + bin_)
        bins_ref[0, iid - 1] = flat.astype(jnp.int16)
        sf_ref[0, 0, iid - 1, :] = jnp.sum(
            jnp.where(mb, (seedm - dd) ** 2, 0.0), axis=0)
    sf_ref[0, 0, _NID, :] = jnp.zeros((_LANES,), jnp.float32)


def _bins_call(pred4, inst, prm):
    return pl.pallas_call(
        _bins_body,
        grid=(_B, _NCH),
        in_specs=[
            pl.BlockSpec((1, 7, _RCHUNK, _LANES), lambda b, c: (b, 0, c, 0)),
            pl.BlockSpec((1, _RCHUNK, _LANES), lambda b, c: (b, c, 0)),
            pl.BlockSpec((1, _NID, 8), lambda b, c: (b, 0, 0),
                         memory_space=pltpu.SMEM),
        ],
        out_specs=[
            pl.BlockSpec((1, _NID, _RCHUNK, _LANES), lambda b, c: (b, 0, c, 0)),
            pl.BlockSpec((1, 1, _NID + 1, _LANES), lambda b, c: (b, c, 0, 0)),
        ],
        out_shape=[
            jax.ShapeDtypeStruct((_B, _NID, _ROWS, _LANES), jnp.int16),
            jax.ShapeDtypeStruct((_B, _NCH, _NID + 1, _LANES), jnp.float32),
        ],
    )(pred4, inst, prm)


@functools.cache
def _make_sc_hist():
    mesh = plsc.VectorSubcoreMesh(core_axis_name="c", subcore_axis_name="s")

    @functools.partial(
        pl.kernel,
        out_type=jax.ShapeDtypeStruct((_NW, _HIST), jnp.int32),
        mesh=mesh,
        scratch_types=[
            pltpu.VMEM((_CH,), jnp.int16),
            pltpu.VMEM((_CH,), jnp.int16),
            pltpu.VMEM((_HIST,), jnp.int32),
            pltpu.SemaphoreType.DMA,
            pltpu.SemaphoreType.DMA,
        ],
        compiler_params=pltpu.CompilerParams(needs_layout_passes=False),
    )
    def _sc_hist_kernel(bins_hbm, out_hbm, stage0, stage1, hist, sem0, sem1):
        wid = lax.axis_index("s") * 2 + lax.axis_index("c")
        base = wid * _MW
        stages = (stage0, stage1)
        sems = (sem0, sem1)
        zero16 = jnp.zeros((16,), jnp.int32)

        def zbody(i, carry):
            for u in range(8):
                hist[pl.ds((i * 8 + u) * 16, 16)] = zero16
            return carry

        lax.fori_loop(0, _HIST // 16 // 8, zbody, 0)

        def start(j, b):
            pltpu.async_copy(
                bins_hbm.at[pl.ds(base + j * _CH, _CH)], stages[b], sems[b])

        def wait(b):
            pltpu.make_async_copy(
                bins_hbm.at[pl.ds(base, _CH)], stages[b], sems[b]).wait()

        start(0, 0)

        def obody(jo, carry):
            for b in range(2):
                j = jo * 2 + b
                wait(b)
                nxt = j + 1

                @pl.when(nxt < _NCHK)
                def _pref():
                    start(nxt, 1 - b)

                @plsc.parallel_loop(0, _CH // 32, unroll=_UNR)
                def _scatter(i):
                    v16 = stages[b][pl.ds(i * 32, 32)]
                    lo, hi = plsc.unpack(
                        v16, format=plsc.PackFormat.INTERLEAVED,
                        preferred_element_type=jnp.int32)
                    for idx in (lo, hi):
                        cnt, last = plsc.scan_count(idx)
                        plsc.addupdate_scatter(hist, [idx], cnt, mask=last)
            return carry

        lax.fori_loop(0, _NCHK // 2, obody, 0)
        pltpu.sync_copy(hist, out_hbm.at[wid])

    return _sc_hist_kernel


def _sc_hist(bins_flat):
    return _make_sc_hist()(bins_flat)


def _lovasz_body(h_ref, out_ref, acc_ref):
    i = pl.program_id(0)

    @pl.when(i == 0)
    def _init():
        acc_ref[...] = jnp.zeros_like(acc_ref)

    h = h_ref[...].astype(jnp.float32)
    acc_ref[...] += h[0] + h[1] + h[2] + h[3]

    @pl.when(i == _NW // 4 - 1)
    def _final():
        nn = acc_ref[0]
        pp = acc_ref[1]

        def suffix(x):
            s = 1
            while s < _K:
                x = x + jnp.concatenate(
                    [x[:, s:], jnp.zeros((_PAIRS, s), jnp.float32)], axis=1)
                s *= 2
            return x

        p_suf = suffix(pp)
        i_suf = suffix(pp + nn)
        ptot = p_suf[:, 0:1]
        jac = 1.0 - (ptot - p_suf) / jnp.maximum(ptot + i_suf - p_suf, 1.0)
        jend = 1.0 - ptot / jnp.maximum(ptot, 1.0)
        jnxt = jnp.concatenate([jac[:, 1:], jend], axis=1)
        kk = lax.broadcasted_iota(jnp.int32, (_PAIRS, _K), 1).astype(jnp.float32)
        ec = (2.0 * kk + 1.0) * np.float32(1.0 / _K)
        lv = jnp.sum(ec * (jac - jnxt), axis=1)
        out_ref[...] = jnp.broadcast_to(lv[:, None], (_PAIRS, _LANES))


def _lovasz_call(hists):
    return pl.pallas_call(
        _lovasz_body,
        grid=(_NW // 4,),
        in_specs=[pl.BlockSpec((4, 2, _PAIRS, _K), lambda i: (i, 0, 0, 0))],
        out_specs=pl.BlockSpec((_PAIRS, _LANES), lambda i: (0, 0)),
        out_shape=jax.ShapeDtypeStruct((_PAIRS, _LANES), jnp.float32),
        scratch_shapes=[pltpu.VMEM((2, _PAIRS, _K), jnp.float32)],
    )(hists)


def kernel(prediction, instances, labels, center_images):
    pred4 = prediction.reshape(_B, 7, _ROWS, _LANES)
    inst = instances.reshape(_B, _ROWS, _LANES)
    lab = labels.reshape(_B, _ROWS, _LANES)

    stats = _stats_call(pred4, inst, lab)
    sums = jnp.sum(stats, axis=(1, 3))
    per = sums[:, :70].reshape(_B, _NID, 10)
    bg_seed = sums[:, 70]
    cnt = per[..., 0]
    present = (cnt > 0).astype(jnp.float32)
    safe = jnp.maximum(cnt, 1.0)
    center = per[..., 1:4] / safe[..., None]
    s_mean = per[..., 4:7] / safe[..., None]
    sq = per[..., 7:10]
    var_pair = jnp.sum(sq - cnt[..., None] * s_mean ** 2, axis=-1) / (3.0 * safe)
    s_exp = jnp.exp(10.0 * s_mean)
    prm = jnp.concatenate(
        [center, s_exp, jnp.zeros((_B, _NID, 2), jnp.float32)], axis=-1)

    bins, sf = _bins_call(pred4, inst, prm)
    seed_fg = jnp.sum(sf, axis=(1, 3))[:, :_NID]

    hists = _sc_hist(bins.reshape(_M))
    lov = _lovasz_call(hists.reshape(_NW, 2, _PAIRS, _K))[:, 0]
    lov = lov.reshape(_B, _NID)

    denom = jnp.maximum(jnp.sum(present, axis=1), 1.0)
    inst_b = jnp.sum(present * lov, axis=1) / denom
    var_b = jnp.sum(present * var_pair, axis=1) / denom
    seed_b = (bg_seed + jnp.sum(present * seed_fg, axis=1)) / np.float32(_N)
    li = jnp.sum(inst_b) * np.float32(1.0 / _B)
    lv = jnp.sum(var_b) * np.float32(10.0 / _B)
    ls = jnp.sum(seed_b) * np.float32(1.0 / _B)
    total = li + lv + ls
    return jnp.stack([li, lv, ls, total])

# --- scband reference (transcript-rebuilt; emitter-appended) ---
"""Pipeline reference for scband-spatial-emb-loss-3d-74191265071110 (READ-ONLY COPY).

The authoritative reference and input builder live on the scoring server;
editing this copy changes nothing except your own understanding.
"""

import jax, jax.numpy as jnp
import numpy as np

N_SIGMA = 3
FG_WEIGHT = 1.0
W_INST, W_VAR, W_SEED = 1.0, 10.0, 1.0
GRID_Z, GRID_Y, GRID_X = 32, 256, 256
MAX_ID = 8


def _make_xyzm():
    xm = jnp.broadcast_to(jnp.linspace(0.0, 1.0, GRID_X).reshape(1, 1, 1, -1), (1, GRID_Z, GRID_Y, GRID_X))
    ym = jnp.broadcast_to(jnp.linspace(0.0, 1.0, GRID_Y).reshape(1, 1, -1, 1), (1, GRID_Z, GRID_Y, GRID_X))
    zm = jnp.broadcast_to(jnp.linspace(0.0, 1.0, GRID_Z).reshape(1, -1, 1, 1), (1, GRID_Z, GRID_Y, GRID_X))
    return jnp.concatenate([xm, ym, zm], axis=0)


def _lovasz_hinge_flat(logits, labels):
    signs = 2.0 * labels - 1.0
    errors = 1.0 - logits * signs
    perm = jnp.argsort(-errors)
    errors_sorted = errors[perm]
    gt_sorted = labels[perm]
    gts = jnp.sum(gt_sorted)
    intersection = gts - jnp.cumsum(gt_sorted)
    union = gts + jnp.cumsum(1.0 - gt_sorted)
    jaccard = 1.0 - intersection / union
    grad = jnp.concatenate([jaccard[:1], jaccard[1:] - jaccard[:-1]])
    return jnp.dot(jax.nn.relu(errors_sorted), jax.lax.stop_gradient(grad))


def _forward(prediction, instances, labels, center_images):
    batch, _, depth, height, width = prediction.shape
    xyzm_s = _make_xyzm()[:, 0:depth, 0:height, 0:width]
    inst_losses = 0.0
    var_losses = 0.0
    seed_losses = 0.0
    for b in range(batch):
        spatial_emb = jnp.tanh(prediction[b, 0:3]) + xyzm_s
        sigma = prediction[b, 3:3 + N_SIGMA]
        seed_map = jax.nn.sigmoid(prediction[b, 3 + N_SIGMA:3 + N_SIGMA + 1])
        instance = instances[b][None]
        label = labels[b][None]
        var_loss = 0.0
        instance_loss = 0.0
        seed_loss = 0.0
        obj_count = 0.0
        bg_mask = (label == 0)
        seed_loss = seed_loss + jnp.sum(jnp.where(bg_mask, seed_map ** 2, 0.0))
        for iid in range(1, MAX_ID):
            in_mask = (instance == iid)
            maskf = in_mask.astype(jnp.float32)
            cnt = jnp.sum(maskf)
            present = (cnt > 0).astype(jnp.float32)
            safe = jnp.maximum(cnt, 1.0)
            center = jnp.sum(xyzm_s * maskf, axis=(1, 2, 3), keepdims=True) / safe
            s_mean = jnp.sum(sigma * maskf, axis=(1, 2, 3), keepdims=True) / safe
            var_loss = var_loss + present * jnp.sum(maskf * (sigma - jax.lax.stop_gradient(s_mean)) ** 2) / (N_SIGMA * safe)
            s = jnp.exp(s_mean * 10.0)
            dist = jnp.exp(-1.0 * jnp.sum(((spatial_emb - center) ** 2) * s, axis=0, keepdims=True))
            instance_loss = instance_loss + present * _lovasz_hinge_flat((dist * 2.0 - 1.0).reshape(-1), maskf.reshape(-1))
            seed_loss = seed_loss + present * FG_WEIGHT * jnp.sum(jnp.where(in_mask, (seed_map - jax.lax.stop_gradient(dist)) ** 2, 0.0))
            obj_count = obj_count + present
        denom = jnp.maximum(obj_count, 1.0)
        instance_loss = instance_loss / denom
        var_loss = var_loss / denom
        seed_loss = seed_loss / (depth * height * width)
        inst_losses = inst_losses + instance_loss
        var_losses = var_losses + var_loss
        seed_losses = seed_losses + seed_loss
    li = inst_losses * W_INST / batch
    lv = var_losses * W_VAR / batch
    ls = seed_losses * W_SEED / batch
    total = li + lv + ls + jnp.sum(prediction) * 0.0
    return jnp.stack([li, lv, ls, total])


def setup_inputs(seed: int = 0) -> dict:
    key = jax.random.key(seed)
    k1, k2, k3, k4 = jax.random.split(key, 4)
    prediction = jax.random.normal(k1, (2, 7, 16, 192, 192), dtype=jnp.float32)
    instances = jax.random.randint(k2, (2, 16, 192, 192), 0, 8, dtype=jnp.int32)
    labels = jax.random.randint(k3, (2, 16, 192, 192), 0, 2, dtype=jnp.int32)
    center_images = jax.random.randint(k4, (2, 16, 192, 192), 0, 2, dtype=jnp.int32).astype(bool)
    return {"prediction": prediction, "instances": instances, "labels": labels, "center_images": center_images}


def reference(prediction, instances, labels, center_images):
    return _forward(prediction, instances, labels, center_images)

if __name__ == "__main__":
    import jax
    _d = setup_inputs()
    print(jax.jit(kernel)(*tuple(_d.values())))

</pallas_src>

<mosaic_0001>
#map = affine_map<(d0, d1) -> (0)>
#map1 = affine_map<(d0, d1) -> (0, 0)>
module attributes {stable_mosaic.version = 14 : i64} {
  func.func @_sc_hist_kernel(%arg0: i32, %arg1: i32, %arg2: memref<8257536xi16, #tpu.memory_space<hbm>>, %arg3: memref<32x28672xi32, #tpu.memory_space<hbm>>, %arg4: memref<16128xi16, #tpu.memory_space<vmem>>, %arg5: memref<16128xi16, #tpu.memory_space<vmem>>, %arg6: memref<28672xi32, #tpu.memory_space<vmem>>, %arg7: memref<!tpu.dma_semaphore, #tpu.memory_space<semaphore_mem>>, %arg8: memref<!tpu.dma_semaphore, #tpu.memory_space<semaphore_mem>>) attributes {dimension_semantics = [#tpu.dimension_semantics<core_parallel>, #tpu.dimension_semantics<subcore_parallel>], iteration_bounds = array<i64: 2, 16>, scalar_prefetch = 0 : i64, scratch_operands = 5 : i64, tpu.core_type = #tpu.core_type<sc_vector_subcore>, window_params = [{transform_indices = #map}, {transform_indices = #map1}]} {
    %mul3A = arith.constant 2 : i32
    %mul3A_0 = arith.muli %arg1, %mul3A : i32
    %add3A = arith.addi %mul3A_0, %arg0 : i32
    %mul3A_1 = arith.constant 258048 : i32
    %mul3A_2 = arith.muli %add3A, %mul3A_1 : i32
    %broadcast_in_dim3A = arith.constant 0 : i32
    %broadcast_in_dim3A_3 = vector.broadcast %broadcast_in_dim3A : i32 to vector<16xi32>
    %scan3A = arith.constant 0 : i32
    %scan3A_4 = arith.constant 0 : i32
    %scan3A_5 = arith.constant 224 : i32
    %scan3A_6 = arith.addi %scan3A_4, %scan3A_5 : i32
    %scan3A_7 = arith.constant 1 : i32
    scf.for %scan3A_18 = %scan3A_4 to %scan3A_6 step %scan3A_7  : i32 {
      %mul3A_19 = arith.constant 8 : i32
      %mul3A_20 = arith.muli %scan3A_18, %mul3A_19 : i32
      %add3A_21 = arith.constant 0 : i32
      %add3A_22 = arith.addi %mul3A_20, %add3A_21 : i32
      %mul3A_23 = arith.constant 16 : i32
      %mul3A_24 = arith.muli %add3A_22, %mul3A_23 : i32
      %swap3A = arith.index_cast %mul3A_24 : i32 to index
      %swap3A_25 = tpu.vector_load %arg6[%swap3A] {strides = array<i32>} : memref<28672xi32, #tpu.memory_space<vmem>>, vector<16xi32>,
      tpu.vector_store %arg6[%swap3A], %broadcast_in_dim3A_3 {strides = array<i32>} : memref<28672xi32, #tpu.memory_space<vmem>>, vector<16xi32>,
      %mul3A_26 = arith.constant 8 : i32
      %mul3A_27 = arith.muli %scan3A_18, %mul3A_26 : i32
      %add3A_28 = arith.constant 1 : i32
      %add3A_29 = arith.addi %mul3A_27, %add3A_28 : i32
      %mul3A_30 = arith.constant 16 : i32
      %mul3A_31 = arith.muli %add3A_29, %mul3A_30 : i32
      %swap3A_32 = arith.index_cast %mul3A_31 : i32 to index
      %swap3A_33 = tpu.vector_load %arg6[%swap3A_32] {strides = array<i32>} : memref<28672xi32, #tpu.memory_space<vmem>>, vector<16xi32>,
      tpu.vector_store %arg6[%swap3A_32], %broadcast_in_dim3A_3 {strides = array<i32>} : memref<28672xi32, #tpu.memory_space<vmem>>, vector<16xi32>,
      %mul3A_34 = arith.constant 8 : i32
      %mul3A_35 = arith.muli %scan3A_18, %mul3A_34 : i32
      %add3A_36 = arith.constant 2 : i32
      %add3A_37 = arith.addi %mul3A_35, %add3A_36 : i32
      %mul3A_38 = arith.constant 16 : i32
      %mul3A_39 = arith.muli %add3A_37, %mul3A_38 : i32
      %swap3A_40 = arith.index_cast %mul3A_39 : i32 to index
      %swap3A_41 = tpu.vector_load %arg6[%swap3A_40] {strides = array<i32>} : memref<28672xi32, #tpu.memory_space<vmem>>, vector<16xi32>,
      tpu.vector_store %arg6[%swap3A_40], %broadcast_in_dim3A_3 {strides = array<i32>} : memref<28672xi32, #tpu.memory_space<vmem>>, vector<16xi32>,
      %mul3A_42 = arith.constant 8 : i32
      %mul3A_43 = arith.muli %scan3A_18, %mul3A_42 : i32
      %add3A_44 = arith.constant 3 : i32
      %add3A_45 = arith.addi %mul3A_43, %add3A_44 : i32
      %mul3A_46 = arith.constant 16 : i32
      %mul3A_47 = arith.muli %add3A_45, %mul3A_46 : i32
      %swap3A_48 = arith.index_cast %mul3A_47 : i32 to index
      %swap3A_49 = tpu.vector_load %arg6[%swap3A_48] {strides = array<i32>} : memref<28672xi32, #tpu.memory_space<vmem>>, vector<16xi32>,
      tpu.vector_store %arg6[%swap3A_48], %broadcast_in_dim3A_3 {strides = array<i32>} : memref<28672xi32, #tpu.memory_space<vmem>>, vector<16xi32>,
      %mul3A_50 = arith.constant 8 : i32
      %mul3A_51 = arith.muli %scan3A_18, %mul3A_50 : i32
      %add3A_52 = arith.constant 4 : i32
      %add3A_53 = arith.addi %mul3A_51, %add3A_52 : i32
      %mul3A_54 = arith.constant 16 : i32
      %mul3A_55 = arith.muli %add3A_53, %mul3A_54 : i32
      %swap3A_56 = arith.index_cast %mul3A_55 : i32 to index
      %swap3A_57 = tpu.vector_load %arg6[%swap3A_56] {strides = array<i32>} : memref<28672xi32, #tpu.memory_space<vmem>>, vector<16xi32>,
      tpu.vector_store %arg6[%swap3A_56], %broadcast_in_dim3A_3 {strides = array<i32>} : memref<28672xi32, #tpu.memory_space<vmem>>, vector<16xi32>,
      %mul3A_58 = arith.constant 8 : i32
      %mul3A_59 = arith.muli %scan3A_18, %mul3A_58 : i32
      %add3A_60 = arith.constant 5 : i32
      %add3A_61 = arith.addi %mul3A_59, %add3A_60 : i32
      %mul3A_62 = arith.constant 16 : i32
      %mul3A_63 = arith.muli %add3A_61, %mul3A_62 : i32
      %swap3A_64 = arith.index_cast %mul3A_63 : i32 to index
      %swap3A_65 = tpu.vector_load %arg6[%swap3A_64] {strides = array<i32>} : memref<28672xi32, #tpu.memory_space<vmem>>, vector<16xi32>,
      tpu.vector_store %arg6[%swap3A_64], %broadcast_in_dim3A_3 {strides = array<i32>} : memref<28672xi32, #tpu.memory_space<vmem>>, vector<16xi32>,
      %mul3A_66 = arith.constant 8 : i32
      %mul3A_67 = arith.muli %scan3A_18, %mul3A_66 : i32
      %add3A_68 = arith.constant 6 : i32
      %add3A_69 = arith.addi %mul3A_67, %add3A_68 : i32
      %mul3A_70 = arith.constant 16 : i32
      %mul3A_71 = arith.muli %add3A_69, %mul3A_70 : i32
      %swap3A_72 = arith.index_cast %mul3A_71 : i32 to index
      %swap3A_73 = tpu.vector_load %arg6[%swap3A_72] {strides = array<i32>} : memref<28672xi32, #tpu.memory_space<vmem>>, vector<16xi32>,
      tpu.vector_store %arg6[%swap3A_72], %broadcast_in_dim3A_3 {strides = array<i32>} : memref<28672xi32, #tpu.memory_space<vmem>>, vector<16xi32>,
      %mul3A_74 = arith.constant 8 : i32
      %mul3A_75 = arith.muli %scan3A_18, %mul3A_74 : i32
      %add3A_76 = arith.constant 7 : i32
      %add3A_77 = arith.addi %mul3A_75, %add3A_76 : i32
      %mul3A_78 = arith.constant 16 : i32
      %mul3A_79 = arith.muli %add3A_77, %mul3A_78 : i32
      %swap3A_80 = arith.index_cast %mul3A_79 : i32 to index
      %swap3A_81 = tpu.vector_load %arg6[%swap3A_80] {strides = array<i32>} : memref<28672xi32, #tpu.memory_space<vmem>>, vector<16xi32>,
      tpu.vector_store %arg6[%swap3A_80], %broadcast_in_dim3A_3 {strides = array<i32>} : memref<28672xi32, #tpu.memory_space<vmem>>, vector<16xi32>,
    }
    %scan3A_8 = arith.constant 224 : i32
    %add3A_9 = arith.constant 0 : i32
    %add3A_10 = arith.addi %mul3A_2, %add3A_9 : i32
    %dma_start3A = tpu.memref_slice %arg2[%add3A_10] : memref<8257536xi16, #tpu.memory_space<hbm>> -> memref<16128xi16, #tpu.memory_space<hbm>>
    %dma_start3A_11 = tpu.memref_slice %arg2[%add3A_10] : memref<8257536xi16, #tpu.memory_space<hbm>> -> memref<16128xi16, #tpu.memory_space<hbm>>
    tpu.enqueue_dma source(%dma_start3A_11 : memref<16128xi16, #tpu.memory_space<hbm>>) target(%arg4 : memref<16128xi16, #tpu.memory_space<vmem>>) target_semaphore(%arg7 : memref<!tpu.dma_semaphore, #tpu.memory_space<semaphore_mem>>)
    %scan3A_12 = arith.constant 0 : i32
    %scan3A_13 = arith.constant 0 : i32
    %scan3A_14 = arith.constant 8 : i32
    %scan3A_15 = arith.addi %scan3A_13, %scan3A_14 : i32
    %scan3A_16 = arith.constant 1 : i32
    scf.for %scan3A_18 = %scan3A_13 to %scan3A_15 step %scan3A_16  : i32 {
      %mul3A_19 = arith.constant 2 : i32
      %mul3A_20 = arith.muli %scan3A_18, %mul3A_19 : i32
      %add3A_21 = arith.constant 0 : i32
      %add3A_22 = arith.addi %mul3A_20, %add3A_21 : i32
      %dma_wait3A = tpu.memref_slice %arg2[%mul3A_2] : memref<8257536xi16, #tpu.memory_space<hbm>> -> memref<16128xi16, #tpu.memory_space<hbm>>
      %dma_wait3A_23 = tpu.memref_slice %arg2[%mul3A_2] : memref<8257536xi16, #tpu.memory_space<hbm>> -> memref<16128xi16, #tpu.memory_space<hbm>>
      tpu.wait_dma2 semaphore(%arg7 : memref<!tpu.dma_semaphore, #tpu.memory_space<semaphore_mem>>) src(%dma_wait3A_23 : memref<16128xi16, #tpu.memory_space<hbm>>) dst(%arg4 : memref<16128xi16, #tpu.memory_space<vmem>>)
      %add3A_24 = arith.constant 1 : i32
      %add3A_25 = arith.addi %add3A_22, %add3A_24 : i32
      %lt3A = arith.constant 16 : i32
      %lt3A_26 = arith.cmpi slt, %add3A_25, %lt3A : i32
      %convert_element_type3A = arith.extui %lt3A_26 : i1 to i32
      %cond3A = arith.constant 0 : i32
      %cond3A_27 = arith.cmpi ne, %convert_element_type3A, %cond3A : i32
      scf.if %cond3A_27 {
        %mul3A_46 = arith.constant 16128 : i32
        %mul3A_47 = arith.muli %add3A_25, %mul3A_46 : i32
        %add3A_48 = arith.addi %mul3A_2, %mul3A_47 : i32
        %dma_start3A_49 = tpu.memref_slice %arg2[%add3A_48] : memref<8257536xi16, #tpu.memory_space<hbm>> -> memref<16128xi16, #tpu.memory_space<hbm>>
        %dma_start3A_50 = tpu.memref_slice %arg2[%add3A_48] : memref<8257536xi16, #tpu.memory_space<hbm>> -> memref<16128xi16, #tpu.memory_space<hbm>>
        tpu.enqueue_dma source(%dma_start3A_50 : memref<16128xi16, #tpu.memory_space<hbm>>) target(%arg5 : memref<16128xi16, #tpu.memory_space<vmem>>) target_semaphore(%arg8 : memref<!tpu.dma_semaphore, #tpu.memory_space<semaphore_mem>>)
      } else {
      }
      %parallel_loop3A = arith.constant 0 : i32
      %parallel_loop3A_28 = arith.constant 504 : i32
      %parallel_loop3A_29 = arith.constant 1 : i32
      scf.for %parallel_loop3A_46 = %parallel_loop3A to %parallel_loop3A_28 step %parallel_loop3A_29  : i32 {
        %parallel_loop3A_47 = arith.constant 32 : i32
        %parallel_loop3A_48 = arith.muli %parallel_loop3A_46, %parallel_loop3A_47 : i32
        %parallel_loop3A_49 = arith.index_cast %parallel_loop3A_48 : i32 to index
        %parallel_loop3A_50 = tpu.vector_load %arg4[%parallel_loop3A_49] {strides = array<i32>} : memref<16128xi16, #tpu.memory_space<vmem>>, vector<32xi16>,
        %parallel_loop3A_51 = tpu.unpack_subelements %parallel_loop3A_50, 0 {pack_format = #tpu.pack_format<interleaved>} : vector<32xi16> -> vector<16xi32>
        %parallel_loop3A_52 = tpu.unpack_subelements %parallel_loop3A_50, 1 {pack_format = #tpu.pack_format<interleaved>} : vector<32xi16> -> vector<16xi32>
        %parallel_loop3A_53 = arith.constant true
        %parallel_loop3A_54 = vector.broadcast %parallel_loop3A_53 : i1 to vector<16xi1>
        %parallel_loop3A_55, %parallel_loop3A_56 = tpu.scan_count mask(%parallel_loop3A_54 : vector<16xi1>) value(%parallel_loop3A_51 : vector<16xi32>) : vector<16xi1>, vector<16xi32>
        tpu.vector_store_idx %arg6[%parallel_loop3A_51], %parallel_loop3A_56 masked %parallel_loop3A_55 {add = true} : memref<28672xi32, #tpu.memory_space<vmem>>[vector<16xi32>], vector<16xi32>, vector<16xi1>
        %parallel_loop3A_57 = arith.constant true
        %parallel_loop3A_58 = vector.broadcast %parallel_loop3A_57 : i1 to vector<16xi1>
        %parallel_loop3A_59, %parallel_loop3A_60 = tpu.scan_count mask(%parallel_loop3A_58 : vector<16xi1>) value(%parallel_loop3A_52 : vector<16xi32>) : vector<16xi1>, vector<16xi32>
        tpu.vector_store_idx %arg6[%parallel_loop3A_52], %parallel_loop3A_60 masked %parallel_loop3A_59 {add = true} : memref<28672xi32, #tpu.memory_space<vmem>>[vector<16xi32>], vector<16xi32>, vector<16xi1>
      } {sc.loop_unroll_factor = 6 : i64, sc.parallel_access}
      %mul3A_30 = arith.constant 2 : i32
      %mul3A_31 = arith.muli %scan3A_18, %mul3A_30 : i32
      %add3A_32 = arith.constant 1 : i32
      %add3A_33 = arith.addi %mul3A_31, %add3A_32 : i32
      %dma_wait3A_34 = tpu.memref_slice %arg2[%mul3A_2] : memref<8257536xi16, #tpu.memory_space<hbm>> -> memref<16128xi16, #tpu.memory_space<hbm>>
      %dma_wait3A_35 = tpu.memref_slice %arg2[%mul3A_2] : memref<8257536xi16, #tpu.memory_space<hbm>> -> memref<16128xi16, #tpu.memory_space<hbm>>
      tpu.wait_dma2 semaphore(%arg8 : memref<!tpu.dma_semaphore, #tpu.memory_space<semaphore_mem>>) src(%dma_wait3A_35 : memref<16128xi16, #tpu.memory_space<hbm>>) dst(%arg5 : memref<16128xi16, #tpu.memory_space<vmem>>)
      %add3A_36 = arith.constant 1 : i32
      %add3A_37 = arith.addi %add3A_33, %add3A_36 : i32
      %lt3A_38 = arith.constant 16 : i32
      %lt3A_39 = arith.cmpi slt, %add3A_37, %lt3A_38 : i32
      %convert_element_type3A_40 = arith.extui %lt3A_39 : i1 to i32
      %cond3A_41 = arith.constant 0 : i32
      %cond3A_42 = arith.cmpi ne, %convert_element_type3A_40, %cond3A_41 : i32
      scf.if %cond3A_42 {
        %mul3A_46 = arith.constant 16128 : i32
        %mul3A_47 = arith.muli %add3A_37, %mul3A_46 : i32
        %add3A_48 = arith.addi %mul3A_2, %mul3A_47 : i32
        %dma_start3A_49 = tpu.memref_slice %arg2[%add3A_48] : memref<8257536xi16, #tpu.memory_space<hbm>> -> memref<16128xi16, #tpu.memory_space<hbm>>
        %dma_start3A_50 = tpu.memref_slice %arg2[%add3A_48] : memref<8257536xi16, #tpu.memory_space<hbm>> -> memref<16128xi16, #tpu.memory_space<hbm>>
        tpu.enqueue_dma source(%dma_start3A_50 : memref<16128xi16, #tpu.memory_space<hbm>>) target(%arg4 : memref<16128xi16, #tpu.memory_space<vmem>>) target_semaphore(%arg7 : memref<!tpu.dma_semaphore, #tpu.memory_space<semaphore_mem>>)
      } else {
      }
      %parallel_loop3A_43 = arith.constant 0 : i32
      %parallel_loop3A_44 = arith.constant 504 : i32
      %parallel_loop3A_45 = arith.constant 1 : i32
      scf.for %parallel_loop3A_46 = %parallel_loop3A_43 to %parallel_loop3A_44 step %parallel_loop3A_45  : i32 {
        %parallel_loop3A_47 = arith.constant 32 : i32
        %parallel_loop3A_48 = arith.muli %parallel_loop3A_46, %parallel_loop3A_47 : i32
        %parallel_loop3A_49 = arith.index_cast %parallel_loop3A_48 : i32 to index
        %parallel_loop3A_50 = tpu.vector_load %arg5[%parallel_loop3A_49] {strides = array<i32>} : memref<16128xi16, #tpu.memory_space<vmem>>, vector<32xi16>,
        %parallel_loop3A_51 = tpu.unpack_subelements %parallel_loop3A_50, 0 {pack_format = #tpu.pack_format<interleaved>} : vector<32xi16> -> vector<16xi32>
        %parallel_loop3A_52 = tpu.unpack_subelements %parallel_loop3A_50, 1 {pack_format = #tpu.pack_format<interleaved>} : vector<32xi16> -> vector<16xi32>
        %parallel_loop3A_53 = arith.constant true
        %parallel_loop3A_54 = vector.broadcast %parallel_loop3A_53 : i1 to vector<16xi1>
        %parallel_loop3A_55, %parallel_loop3A_56 = tpu.scan_count mask(%parallel_loop3A_54 : vector<16xi1>) value(%parallel_loop3A_51 : vector<16xi32>) : vector<16xi1>, vector<16xi32>
        tpu.vector_store_idx %arg6[%parallel_loop3A_51], %parallel_loop3A_56 masked %parallel_loop3A_55 {add = true} : memref<28672xi32, #tpu.memory_space<vmem>>[vector<16xi32>], vector<16xi32>, vector<16xi1>
        %parallel_loop3A_57 = arith.constant true
        %parallel_loop3A_58 = vector.broadcast %parallel_loop3A_57 : i1 to vector<16xi1>
        %parallel_loop3A_59, %parallel_loop3A_60 = tpu.scan_count mask(%parallel_loop3A_58 : vector<16xi1>) value(%parallel_loop3A_52 : vector<16xi32>) : vector<16xi1>, vector<16xi32>
        tpu.vector_store_idx %arg6[%parallel_loop3A_52], %parallel_loop3A_60 masked %parallel_loop3A_59 {add = true} : memref<28672xi32, #tpu.memory_space<vmem>>[vector<16xi32>], vector<16xi32>, vector<16xi1>
      } {sc.loop_unroll_factor = 6 : i64, sc.parallel_access}
    }
    %scan3A_17 = arith.constant 8 : i32
    "tpu.region"() ({
      %run_scoped3A = tpu.sem_alloc : memref<!tpu.dma_semaphore, #tpu.memory_space<semaphore_mem>>
      %dma_start3A_18 = arith.constant 0 : i32
      %dma_start3A_19 = tpu.memref_slice %arg3[%add3A, %dma_start3A_18] : memref<32x28672xi32, #tpu.memory_space<hbm>> -> memref<1x28672xi32, #tpu.memory_space<hbm>>
      %dma_start3A_20 = tpu.memref_squeeze %dma_start3A_19 : memref<1x28672xi32, #tpu.memory_space<hbm>> -> memref<28672xi32, #tpu.memory_space<hbm>>
      %dma_start3A_21 = arith.constant 0 : i32
      %dma_start3A_22 = tpu.memref_slice %arg3[%add3A, %dma_start3A_21] : memref<32x28672xi32, #tpu.memory_space<hbm>> -> memref<1x28672xi32, #tpu.memory_space<hbm>>
      %dma_start3A_23 = tpu.memref_squeeze %dma_start3A_22 : memref<1x28672xi32, #tpu.memory_space<hbm>> -> memref<28672xi32, #tpu.memory_space<hbm>>
      tpu.enqueue_dma source(%arg6 : memref<28672xi32, #tpu.memory_space<vmem>>) target(%dma_start3A_23 : memref<28672xi32, #tpu.memory_space<hbm>>) target_semaphore(%run_scoped3A : memref<!tpu.dma_semaphore, #tpu.memory_space<semaphore_mem>>)
      %dma_wait3A = arith.constant 0 : i32
      %dma_wait3A_24 = tpu.memref_slice %arg3[%add3A, %dma_wait3A] : memref<32x28672xi32, #tpu.memory_space<hbm>> -> memref<1x28672xi32, #tpu.memory_space<hbm>>
      %dma_wait3A_25 = tpu.memref_squeeze %dma_wait3A_24 : memref<1x28672xi32, #tpu.memory_space<hbm>> -> memref<28672xi32, #tpu.memory_space<hbm>>
      %dma_wait3A_26 = arith.constant 0 : i32
      %dma_wait3A_27 = tpu.memref_slice %arg3[%add3A, %dma_wait3A_26] : memref<32x28672xi32, #tpu.memory_space<hbm>> -> memref<1x28672xi32, #tpu.memory_space<hbm>>
      %dma_wait3A_28 = tpu.memref_squeeze %dma_wait3A_27 : memref<1x28672xi32, #tpu.memory_space<hbm>> -> memref<28672xi32, #tpu.memory_space<hbm>>
      tpu.wait_dma2 semaphore(%run_scoped3A : memref<!tpu.dma_semaphore, #tpu.memory_space<semaphore_mem>>) src(%arg6 : memref<28672xi32, #tpu.memory_space<vmem>>) dst(%dma_wait3A_28 : memref<28672xi32, #tpu.memory_space<hbm>>)
      tpu.yield
    }) : () -> ()
    return
  }
}

module attributes {stable_mosaic.version = 14 : i64} {
  func.func @_stats_body(%arg0: i32, %arg1: i32, %arg2: memref<1x7x576x128xf32, #tpu.memory_space<vmem>>, %arg3: memref<1x576x128xi32, #tpu.memory_space<vmem>>, %arg4: memref<1x576x128xi32, #tpu.memory_space<vmem>>, %arg5: memref<1x1x72x128xf32, #tpu.memory_space<vmem>>) attributes {dimension_semantics = [#tpu.dimension_semantics<arbitrary>, #tpu.dimension_semantics<arbitrary>], iteration_bounds = array<i64: 2, 8>, scalar_prefetch = 0 : i64, scratch_operands = 0 : i64, tpu.core_type = #tpu.core_type<tc>, window_params = [{transform_indices = @transform_0, window_bounds = array<i64: 1, 7, 576, 128>}, {transform_indices = @transform_1, window_bounds = array<i64: 1, 576, 128>}, {transform_indices = @transform_2, window_bounds = array<i64: 1, 576, 128>}, {transform_indices = @transform_3, window_bounds = array<i64: 1, 1, 72, 128>}]} {
    %iota3A = tpu.iota {dimensions = array<i32: 0>} : vector<576x128xi32>
    %iota3A_0 = tpu.iota {dimensions = array<i32: 1>} : vector<576x128xi32>
    %mul3A = arith.constant 576 : i32
    %mul3A_1 = arith.muli %arg1, %mul3A : i32
    %add3A = vector.broadcast %mul3A_1 : i32 to vector<576x128xi32>
    %add3A_2 = arith.addi %add3A, %iota3A : vector<576x128xi32>
    %mul3A_3 = arith.constant 128 : i32
    %mul3A_4 = vector.broadcast %mul3A_3 : i32 to vector<576x128xi32>
    %mul3A_5 = arith.muli %add3A_2, %mul3A_4 : vector<576x128xi32>
    %add3A_6 = arith.addi %mul3A_5, %iota3A_0 : vector<576x128xi32>
    %jit3A = arith.constant 192 : i32
    %eq3A = arith.constant 0 : i32
    %eq3A_7 = arith.cmpi eq, %jit3A, %eq3A : i32
    %jit3A_8 = arith.constant 1 : i32
    %select_n3A = arith.select %eq3A_7, %jit3A_8, %jit3A : i32
    %rem3A = vector.broadcast %select_n3A : i32 to vector<576x128xi32>
    %rem3A_9 = arith.remsi %add3A_6, %rem3A : vector<576x128xi32>
    %ne3A = arith.constant 0 : i32
    %ne3A_10 = vector.broadcast %ne3A : i32 to vector<576x128xi32>
    %ne3A_11 = arith.cmpi ne, %rem3A_9, %ne3A_10 : vector<576x128xi32>
    %lt3A = arith.constant 0 : i32
    %lt3A_12 = vector.broadcast %lt3A : i32 to vector<576x128xi32>
    %lt3A_13 = arith.cmpi slt, %rem3A_9, %lt3A_12 : vector<576x128xi32>
    %lt3A_14 = arith.constant 0 : i32
    %lt3A_15 = arith.cmpi slt, %select_n3A, %lt3A_14 : i32
    %ne3A_16 = vector.broadcast %lt3A_15 : i1 to vector<576x128xi1>
    %ne3A_17 = vector.broadcast %ne3A_16 : vector<576x128xi1> to vector<576x128xi1>
    %ne3A_18 = arith.xori %lt3A_13, %ne3A_17 : vector<576x128xi1>
    %and3A = arith.andi %ne3A_18, %ne3A_11 : vector<576x128xi1>
    %add3A_19 = vector.broadcast %select_n3A : i32 to vector<576x128xi32>
    %add3A_20 = arith.addi %rem3A_9, %add3A_19 : vector<576x128xi32>
    %select_n3A_21 = arith.select %and3A, %add3A_20, %rem3A_9 : vector<576x128xi1>, vector<576x128xi32>
    %jit3A_22 = arith.constant 192 : i32
    %div3A = vector.broadcast %jit3A_22 : i32 to vector<576x128xi32>
    %div3A_23 = arith.divsi %add3A_6, %div3A : vector<576x128xi32>
    %sign3A = arith.constant 0 : i32
    %sign3A_24 = vector.broadcast %sign3A : i32 to vector<576x128xi32>
    %sign3A_25 = arith.cmpi sgt, %add3A_6, %sign3A_24 : vector<576x128xi32>
    %sign3A_26 = arith.extui %sign3A_25 : vector<576x128xi1> to vector<576x128xi32>
    %sign3A_27 = arith.constant 0 : i32
    %sign3A_28 = vector.broadcast %sign3A_27 : i32 to vector<576x128xi32>
    %sign3A_29 = arith.cmpi slt, %add3A_6, %sign3A_28 : vector<576x128xi32>
    %sign3A_30 = arith.extui %sign3A_29 : vector<576x128xi1> to vector<576x128xi32>
    %sign3A_31 = arith.subi %sign3A_26, %sign3A_30 : vector<576x128xi32>
    %sign3A_32 = arith.constant 0 : i32
    %sign3A_33 = arith.cmpi sgt, %jit3A_22, %sign3A_32 : i32
    %sign3A_34 = arith.extui %sign3A_33 : i1 to i32
    %sign3A_35 = arith.constant 0 : i32
    %sign3A_36 = arith.cmpi slt, %jit3A_22, %sign3A_35 : i32
    %sign3A_37 = arith.extui %sign3A_36 : i1 to i32
    %sign3A_38 = arith.subi %sign3A_34, %sign3A_37 : i32
    %ne3A_39 = vector.broadcast %sign3A_38 : i32 to vector<576x128xi32>
    %ne3A_40 = arith.cmpi ne, %sign3A_31, %ne3A_39 : vector<576x128xi32>
    %rem3A_41 = vector.broadcast %jit3A_22 : i32 to vector<576x128xi32>
    %rem3A_42 = arith.remsi %add3A_6, %rem3A_41 : vector<576x128xi32>
    %ne3A_43 = arith.constant 0 : i32
    %ne3A_44 = vector.broadcast %ne3A_43 : i32 to vector<576x128xi32>
    %ne3A_45 = arith.cmpi ne, %rem3A_42, %ne3A_44 : vector<576x128xi32>
    %and3A_46 = arith.andi %ne3A_40, %ne3A_45 : vector<576x128xi1>
    %sub3A = arith.constant 1 : i32
    %sub3A_47 = vector.broadcast %sub3A : i32 to vector<576x128xi32>
    %sub3A_48 = arith.subi %div3A_23, %sub3A_47 : vector<576x128xi32>
    %select_n3A_49 = arith.select %and3A_46, %sub3A_48, %div3A_23 : vector<576x128xi1>, vector<576x128xi32>
    %jit3A_50 = arith.constant 192 : i32
    %eq3A_51 = arith.constant 0 : i32
    %eq3A_52 = arith.cmpi eq, %jit3A_50, %eq3A_51 : i32
    %jit3A_53 = arith.constant 1 : i32
    %select_n3A_54 = arith.select %eq3A_52, %jit3A_53, %jit3A_50 : i32
    %rem3A_55 = vector.broadcast %select_n3A_54 : i32 to vector<576x128xi32>
    %rem3A_56 = arith.remsi %select_n3A_49, %rem3A_55 : vector<576x128xi32>
    %ne3A_57 = arith.constant 0 : i32
    %ne3A_58 = vector.broadcast %ne3A_57 : i32 to vector<576x128xi32>
    %ne3A_59 = arith.cmpi ne, %rem3A_56, %ne3A_58 : vector<576x128xi32>
    %lt3A_60 = arith.constant 0 : i32
    %lt3A_61 = vector.broadcast %lt3A_60 : i32 to vector<576x128xi32>
    %lt3A_62 = arith.cmpi slt, %rem3A_56, %lt3A_61 : vector<576x128xi32>
    %lt3A_63 = arith.constant 0 : i32
    %lt3A_64 = arith.cmpi slt, %select_n3A_54, %lt3A_63 : i32
    %ne3A_65 = vector.broadcast %lt3A_64 : i1 to vector<576x128xi1>
    %ne3A_66 = vector.broadcast %ne3A_65 : vector<576x128xi1> to vector<576x128xi1>
    %ne3A_67 = arith.xori %lt3A_62, %ne3A_66 : vector<576x128xi1>
    %and3A_68 = arith.andi %ne3A_67, %ne3A_59 : vector<576x128xi1>
    %add3A_69 = vector.broadcast %select_n3A_54 : i32 to vector<576x128xi32>
    %add3A_70 = arith.addi %rem3A_56, %add3A_69 : vector<576x128xi32>
    %select_n3A_71 = arith.select %and3A_68, %add3A_70, %rem3A_56 : vector<576x128xi1>, vector<576x128xi32>
    %jit3A_72 = arith.constant 36864 : i32
    %div3A_73 = vector.broadcast %jit3A_72 : i32 to vector<576x128xi32>
    %div3A_74 = arith.divsi %add3A_6, %div3A_73 : vector<576x128xi32>
    %sign3A_75 = arith.constant 0 : i32
    %sign3A_76 = vector.broadcast %sign3A_75 : i32 to vector<576x128xi32>
    %sign3A_77 = arith.cmpi sgt, %add3A_6, %sign3A_76 : vector<576x128xi32>
    %sign3A_78 = arith.extui %sign3A_77 : vector<576x128xi1> to vector<576x128xi32>
    %sign3A_79 = arith.constant 0 : i32
    %sign3A_80 = vector.broadcast %sign3A_79 : i32 to vector<576x128xi32>
    %sign3A_81 = arith.cmpi slt, %add3A_6, %sign3A_80 : vector<576x128xi32>
    %sign3A_82 = arith.extui %sign3A_81 : vector<576x128xi1> to vector<576x128xi32>
    %sign3A_83 = arith.subi %sign3A_78, %sign3A_82 : vector<576x128xi32>
    %sign3A_84 = arith.constant 0 : i32
    %sign3A_85 = arith.cmpi sgt, %jit3A_72, %sign3A_84 : i32
    %sign3A_86 = arith.extui %sign3A_85 : i1 to i32
    %sign3A_87 = arith.constant 0 : i32
    %sign3A_88 = arith.cmpi slt, %jit3A_72, %sign3A_87 : i32
    %sign3A_89 = arith.extui %sign3A_88 : i1 to i32
    %sign3A_90 = arith.subi %sign3A_86, %sign3A_89 : i32
    %ne3A_91 = vector.broadcast %sign3A_90 : i32 to vector<576x128xi32>
    %ne3A_92 = arith.cmpi ne, %sign3A_83, %ne3A_91 : vector<576x128xi32>
    %rem3A_93 = vector.broadcast %jit3A_72 : i32 to vector<576x128xi32>
    %rem3A_94 = arith.remsi %add3A_6, %rem3A_93 : vector<576x128xi32>
    %ne3A_95 = arith.constant 0 : i32
    %ne3A_96 = vector.broadcast %ne3A_95 : i32 to vector<576x128xi32>
    %ne3A_97 = arith.cmpi ne, %rem3A_94, %ne3A_96 : vector<576x128xi32>
    %and3A_98 = arith.andi %ne3A_92, %ne3A_97 : vector<576x128xi1>
    %sub3A_99 = arith.constant 1 : i32
    %sub3A_100 = vector.broadcast %sub3A_99 : i32 to vector<576x128xi32>
    %sub3A_101 = arith.subi %div3A_74, %sub3A_100 : vector<576x128xi32>
    %select_n3A_102 = arith.select %and3A_98, %sub3A_101, %div3A_74 : vector<576x128xi1>, vector<576x128xi32>
    %convert_element_type3A = arith.sitofp %select_n3A_21 : vector<576x128xi32> to vector<576x128xf32>
    %mul3A_103 = arith.constant 0.00392156886 : f32
    %mul3A_104 = vector.broadcast %mul3A_103 : f32 to vector<576x128xf32>
    %mul3A_105 = arith.mulf %convert_element_type3A, %mul3A_104 : vector<576x128xf32>
    %convert_element_type3A_106 = arith.sitofp %select_n3A_71 : vector<576x128xi32> to vector<576x128xf32>
    %mul3A_107 = arith.constant 0.00392156886 : f32
    %mul3A_108 = vector.broadcast %mul3A_107 : f32 to vector<576x128xf32>
    %mul3A_109 = arith.mulf %convert_element_type3A_106, %mul3A_108 : vector<576x128xf32>
    %convert_element_type3A_110 = arith.sitofp %select_n3A_102 : vector<576x128xi32> to vector<576x128xf32>
    %mul3A_111 = arith.constant 0.0322580636 : f32
    %mul3A_112 = vector.broadcast %mul3A_111 : f32 to vector<576x128xf32>
    %mul3A_113 = arith.mulf %convert_element_type3A_110, %mul3A_112 : vector<576x128xf32>
    %get3A = arith.constant 0 : index
    %get3A_114 = arith.constant 3 : index
    %get3A_115 = arith.constant 0 : index
    %get3A_116 = arith.constant 0 : index
    %get3A_117 = vector.load %arg2[%get3A, %get3A_114, %get3A_115, %get3A_116] : memref<1x7x576x128xf32, #tpu.memory_space<vmem>>, vector<1x1x576x128xf32>
    %get3A_118 = vector.shape_cast %get3A_117 : vector<1x1x576x128xf32> to vector<576x128xf32>
    %get3A_119 = arith.constant 0 : index
    %get3A_120 = arith.constant 4 : index
    %get3A_121 = arith.constant 0 : index
    %get3A_122 = arith.constant 0 : index
    %get3A_123 = vector.load %arg2[%get3A_119, %get3A_120, %get3A_121, %get3A_122] : memref<1x7x576x128xf32, #tpu.memory_space<vmem>>, vector<1x1x576x128xf32>
    %get3A_124 = vector.shape_cast %get3A_123 : vector<1x1x576x128xf32> to vector<576x128xf32>
    %get3A_125 = arith.constant 0 : index
    %get3A_126 = arith.constant 5 : index
    %get3A_127 = arith.constant 0 : index
    %get3A_128 = arith.constant 0 : index
    %get3A_129 = vector.load %arg2[%get3A_125, %get3A_126, %get3A_127, %get3A_128] : memref<1x7x576x128xf32, #tpu.memory_space<vmem>>, vector<1x1x576x128xf32>
    %get3A_130 = vector.shape_cast %get3A_129 : vector<1x1x576x128xf32> to vector<576x128xf32>
    %get3A_131 = arith.constant 0 : index
    %get3A_132 = arith.constant 0 : index
    %get3A_133 = arith.constant 0 : index
    %get3A_134 = vector.load %arg3[%get3A_131, %get3A_132, %get3A_133] : memref<1x576x128xi32, #tpu.memory_space<vmem>>, vector<1x576x128xi32>
    %get3A_135 = vector.shape_cast %get3A_134 : vector<1x576x128xi32> to vector<576x128xi32>
    %mul3A_136 = arith.mulf %get3A_118, %get3A_118 : vector<576x128xf32>
    %mul3A_137 = arith.mulf %get3A_124, %get3A_124 : vector<576x128xf32>
    %mul3A_138 = arith.mulf %get3A_130, %get3A_130 : vector<576x128xf32>
    %eq3A_139 = arith.constant 1 : i32
    %eq3A_140 = vector.broadcast %eq3A_139 : i32 to vector<576x128xi32>
    %eq3A_141 = arith.cmpi eq, %get3A_135, %eq3A_140 : vector<576x128xi32>
    %convert_element_type3A_142 = arith.extui %eq3A_141 : vector<576x128xi1> to vector<576x128xi32>
    %convert_element_type3A_143 = arith.sitofp %convert_element_type3A_142 : vector<576x128xi32> to vector<576x128xf32>
    %reduce_sum3A = arith.constant dense<0.000000e+00> : vector<128xf32>
    %reduce_sum3A_144 = vector.multi_reduction <add>, %convert_element_type3A_143, %reduce_sum3A [0] : vector<576x128xf32> to vector<128xf32>
    %swap3A = arith.constant 0 : index
    %swap3A_145 = arith.constant 0 : index
    %swap3A_146 = arith.constant 0 : index
    %swap3A_147 = arith.constant 0 : index
    %swap3A_148 = vector.load %arg5[%swap3A, %swap3A_145, %swap3A_146, %swap3A_147] : memref<1x1x72x128xf32, #tpu.memory_space<vmem>>, vector<1x1x1x128xf32>
    %swap3A_149 = vector.shape_cast %swap3A_148 : vector<1x1x1x128xf32> to vector<128xf32>
    %swap3A_150 = vector.shape_cast %reduce_sum3A_144 : vector<128xf32> to vector<1x1x1x128xf32>
    tpu.vector_store %arg5[%swap3A, %swap3A_145, %swap3A_146, %swap3A_147], %swap3A_150 {strides = array<i32>} : memref<1x1x72x128xf32, #tpu.memory_space<vmem>>, vector<1x1x1x128xf32>,
    %mul3A_151 = arith.mulf %mul3A_105, %convert_element_type3A_143 : vector<576x128xf32>
    %reduce_sum3A_152 = arith.constant dense<0.000000e+00> : vector<128xf32>
    %reduce_sum3A_153 = vector.multi_reduction <add>, %mul3A_151, %reduce_sum3A_152 [0] : vector<576x128xf32> to vector<128xf32>
    %swap3A_154 = arith.constant 0 : index
    %swap3A_155 = arith.constant 0 : index
    %swap3A_156 = arith.constant 1 : index
    %swap3A_157 = arith.constant 0 : index
    %swap3A_158 = vector.load %arg5[%swap3A_154, %swap3A_155, %swap3A_156, %swap3A_157] : memref<1x1x72x128xf32, #tpu.memory_space<vmem>>, vector<1x1x1x128xf32>
    %swap3A_159 = vector.shape_cast %swap3A_158 : vector<1x1x1x128xf32> to vector<128xf32>
    %swap3A_160 = vector.shape_cast %reduce_sum3A_153 : vector<128xf32> to vector<1x1x1x128xf32>
    tpu.vector_store %arg5[%swap3A_154, %swap3A_155, %swap3A_156, %swap3A_157], %swap3A_160 {strides = array<i32>} : memref<1x1x72x128xf32, #tpu.memory_space<vmem>>, vector<1x1x1x128xf32>,
    %mul3A_161 = arith.mulf %mul3A_109, %convert_element_type3A_143 : vector<576x128xf32>
    %reduce_sum3A_162 = arith.constant dense<0.000000e+00> : vector<128xf32>
    %reduce_sum3A_163 = vector.multi_reduction <add>, %mul3A_161, %reduce_sum3A_162 [0] : vector<576x128xf32> to vector<128xf32>
    %swap3A_164 = arith.constant 0 : index
    %swap3A_165 = arith.constant 0 : index
    %swap3A_166 = arith.constant 2 : index
    %swap3A_167 = arith.constant 0 : index
    %swap3A_168 = vector.load %arg5[%swap3A_164, %swap3A_165, %swap3A_166, %swap3A_167] : memref<1x1x72x128xf32, #tpu.memory_space<vmem>>, vector<1x1x1x128xf32>
    %swap3A_169 = vector.shape_cast %swap3A_168 : vector<1x1x1x128xf32> to vector<128xf32>
    %swap3A_170 = vector.shape_cast %reduce_sum3A_163 : vector<128xf32> to vector<1x1x1x128xf32>
    tpu.vector_store %arg5[%swap3A_164, %swap3A_165, %swap3A_166, %swap3A_167], %swap3A_170 {strides = array<i32>} : memref<1x1x72x128xf32, #tpu.memory_space<vmem>>, vector<1x1x1x128xf32>,
    %mul3A_171 = arith.mulf %mul3A_113, %convert_element_type3A_143 : vector<576x128xf32>
    %reduce_sum3A_172 = arith.constant dense<0.000000e+00> : vector<128xf32>
    %reduce_sum3A_173 = vector.multi_reduction <add>, %mul3A_171, %reduce_sum3A_172 [0] : vector<576x128xf32> to vector<128xf32>
    %swap3A_174 = arith.constant 0 : index
    %swap3A_175 = arith.constant 0 : index
    %swap3A_176 = arith.constant 3 : index
    %swap3A_177 = arith.constant 0 : index
    %swap3A_178 = vector.load %arg5[%swap3A_174, %swap3A_175, %swap3A_176, %swap3A_177] : memref<1x1x72x128xf32, #tpu.memory_space<vmem>>, vector<1x1x1x128xf32>
    %swap3A_179 = vector.shape_cast %swap3A_178 : vector<1x1x1x128xf32> to vector<128xf32>
    %swap3A_180 = vector.shape_cast %reduce_sum3A_173 : vector<128xf32> to vector<1x1x1x128xf32>
    tpu.vector_store %arg5[%swap3A_174, %swap3A_175, %swap3A_176, %swap3A_177], %swap3A_180 {strides = array<i32>} : memref<1x1x72x128xf32, #tpu.memory_space<vmem>>, vector<1x1x1x128xf32>,
    %mul3A_181 = arith.mulf %get3A_118, %convert_element_type3A_143 : vector<576x128xf32>
    %reduce_sum3A_182 = arith.constant dense<0.000000e+00> : vector<128xf32>
    %reduce_sum3A_183 = vector.multi_reduction <add>, %mul3A_181, %reduce_sum3A_182 [0] : vector<576x128xf32> to vector<128xf32>
    %swap3A_184 = arith.constant 0 : index
    %swap3A_185 = arith.constant 0 : index
    %swap3A_186 = arith.constant 4 : index
    %swap3A_187 = arith.constant 0 : index
    %swap3A_188 = vector.load %arg5[%swap3A_184, %swap3A_185, %swap3A_186, %swap3A_187] : memref<1x1x72x128xf32, #tpu.memory_space<vmem>>, vector<1x1x1x128xf32>
    %swap3A_189 = vector.shape_cast %swap3A_188 : vector<1x1x1x128xf32> to vector<128xf32>
    %swap3A_190 = vector.shape_cast %reduce_sum3A_183 : vector<128xf32> to vector<1x1x1x128xf32>
    tpu.vector_store %arg5[%swap3A_184, %swap3A_185, %swap3A_186, %swap3A_187], %swap3A_190 {strides = array<i32>} : memref<1x1x72x128xf32, #tpu.memory_space<vmem>>, vector<1x1x1x128xf32>,
    %mul3A_191 = arith.mulf %get3A_124, %convert_element_type3A_143 : vector<576x128xf32>
    %reduce_sum3A_192 = arith.constant dense<0.000000e+00> : vector<128xf32>
    %reduce_sum3A_193 = vector.multi_reduction <add>, %mul3A_191, %reduce_sum3A_192 [0] : vector<576x128xf32> to vector<128xf32>
    %swap3A_194 = arith.constant 0 : index
    %swap3A_195 = arith.constant 0 : index
    %swap3A_196 = arith.constant 5 : index
    %swap3A_197 = arith.constant 0 : index
    %swap3A_198 = vector.load %arg5[%swap3A_194, %swap3A_195, %swap3A_196, %swap3A_197] : memref<1x1x72x128xf32, #tpu.memory_space<vmem>>, vector<1x1x1x128xf32>
    %swap3A_199 = vector.shape_cast %swap3A_198 : vector<1x1x1x128xf32> to vector<128xf32>
    %swap3A_200 = vector.shape_cast %reduce_sum3A_193 : vector<128xf32> to vector<1x1x1x128xf32>
    tpu.vector_store %arg5[%swap3A_194, %swap3A_195, %swap3A_196, %swap3A_197], %swap3A_200 {strides = array<i32>} : memref<1x1x72x128xf32, #tpu.memory_space<vmem>>, vector<1x1x1x128xf32>,
    %mul3A_201 = arith.mulf %get3A_130, %convert_element_type3A_143 : vector<576x128xf32>
    %reduce_sum3A_202 = arith.constant dense<0.000000e+00> : vector<128xf32>
    %reduce_sum3A_203 = vector.multi_reduction <add>, %mul3A_201, %reduce_sum3A_202 [0] : vector<576x128xf32> to vector<128xf32>
    %swap3A_204 = arith.constant 0 : index
    %swap3A_205 = arith.constant 0 : index
    %swap3A_206 = arith.constant 6 : index
    %swap3A_207 = arith.constant 0 : index
    %swap3A_208 = vector.load %arg5[%swap3A_204, %swap3A_205, %swap3A_206, %swap3A_207] : memref<1x1x72x128xf32, #tpu.memory_space<vmem>>, vector<1x1x1x128xf32>
    %swap3A_209 = vector.shape_cast %swap3A_208 : vector<1x1x1x128xf32> to vector<128xf32>
    %swap3A_210 = vector.shape_cast %reduce_sum3A_203 : vector<128xf32> to vector<1x1x1x128xf32>
    tpu.vector_store %arg5[%swap3A_204, %swap3A_205, %swap3A_206, %swap3A_207], %swap3A_210 {strides = array<i32>} : memref<1x1x72x128xf32, #tpu.memory_space<vmem>>, vector<1x1x1x128xf32>,
    %mul3A_211 = arith.mulf %mul3A_136, %convert_element_type3A_143 : vector<576x128xf32>
    %reduce_sum3A_212 = arith.constant dense<0.000000e+00> : vector<128xf32>
    %reduce_sum3A_213 = vector.multi_reduction <add>, %mul3A_211, %reduce_sum3A_212 [0] : vector<576x128xf32> to vector<128xf32>
    %swap3A_214 = arith.constant 0 : index
    %swap3A_215 = arith.constant 0 : index
    %swap3A_216 = arith.constant 7 : index
    %swap3A_217 = arith.constant 0 : index
    %swap3A_218 = vector.load %arg5[%swap3A_214, %swap3A_215, %swap3A_216, %swap3A_217] : memref<1x1x72x128xf32, #tpu.memory_space<vmem>>, vector<1x1x1x128xf32>
    %swap3A_219 = vector.shape_cast %swap3A_218 : vector<1x1x1x128xf32> to vector<128xf32>
    %swap3A_220 = vector.shape_cast %reduce_sum3A_213 : vector<128xf32> to vector<1x1x1x128xf32>
    tpu.vector_store %arg5[%swap3A_214, %swap3A_215, %swap3A_216, %swap3A_217], %swap3A_220 {strides = array<i32>} : memref<1x1x72x128xf32, #tpu.memory_space<vmem>>, vector<1x1x1x128xf32>,
    %mul3A_221 = arith.mulf %mul3A_137, %convert_element_type3A_143 : vector<576x128xf32>
    %reduce_sum3A_222 = arith.constant dense<0.000000e+00> : vector<128xf32>
    %reduce_sum3A_223 = vector.multi_reduction <add>, %mul3A_221, %reduce_sum3A_222 [0] : vector<576x128xf32> to vector<128xf32>
    %swap3A_224 = arith.constant 0 : index
    %swap3A_225 = arith.constant 0 : index
    %swap3A_226 = arith.constant 8 : index
    %swap3A_227 = arith.constant 0 : index
    %swap3A_228 = vector.load %arg5[%swap3A_224, %swap3A_225, %swap3A_226, %swap3A_227] : memref<1x1x72x128xf32, #tpu.memory_space<vmem>>, vector<1x1x1x128xf32>
    %swap3A_229 = vector.shape_cast %swap3A_228 : vector<1x1x1x128xf32> to vector<128xf32>
    %swap3A_230 = vector.shape_cast %reduce_sum3A_223 : vector<128xf32> to vector<1x1x1x128xf32>
    tpu.vector_store %arg5[%swap3A_224, %swap3A_225, %swap3A_226, %swap3A_227], %swap3A_230 {strides = array<i32>} : memref<1x1x72x128xf32, #tpu.memory_space<vmem>>, vector<1x1x1x128xf32>,
    %mul3A_231 = arith.mulf %mul3A_138, %convert_element_type3A_143 : vector<576x128xf32>
    %reduce_sum3A_232 = arith.constant dense<0.000000e+00> : vector<128xf32>
    %reduce_sum3A_233 = vector.multi_reduction <add>, %mul3A_231, %reduce_sum3A_232 [0] : vector<576x128xf32> to vector<128xf32>
    %swap3A_234 = arith.constant 0 : index
    %swap3A_235 = arith.constant 0 : index
    %swap3A_236 = arith.constant 9 : index
    %swap3A_237 = arith.constant 0 : index
    %swap3A_238 = vector.load %arg5[%swap3A_234, %swap3A_235, %swap3A_236, %swap3A_237] : memref<1x1x72x128xf32, #tpu.memory_space<vmem>>, vector<1x1x1x128xf32>
    %swap3A_239 = vector.shape_cast %swap3A_238 : vector<1x1x1x128xf32> to vector<128xf32>
    %swap3A_240 = vector.shape_cast %reduce_sum3A_233 : vector<128xf32> to vector<1x1x1x128xf32>
    tpu.vector_store %arg5[%swap3A_234, %swap3A_235, %swap3A_236, %swap3A_237], %swap3A_240 {strides = array<i32>} : memref<1x1x72x128xf32, #tpu.memory_space<vmem>>, vector<1x1x1x128xf32>,
    %eq3A_241 = arith.constant 2 : i32
    %eq3A_242 = vector.broadcast %eq3A_241 : i32 to vector<576x128xi32>
    %eq3A_243 = arith.cmpi eq, %get3A_135, %eq3A_242 : vector<576x128xi32>
    %convert_element_type3A_244 = arith.extui %eq3A_243 : vector<576x128xi1> to vector<576x128xi32>
    %convert_element_type3A_245 = arith.sitofp %convert_element_type3A_244 : vector<576x128xi32> to vector<576x128xf32>
    %reduce_sum3A_246 = arith.constant dense<0.000000e+00> : vector<128xf32>
    %reduce_sum3A_247 = vector.multi_reduction <add>, %convert_element_type3A_245, %reduce_sum3A_246 [0] : vector<576x128xf32> to vector<128xf32>
    %swap3A_248 = arith.constant 0 : index
    %swap3A_249 = arith.constant 0 : index
    %swap3A_250 = arith.constant 10 : index
    %swap3A_251 = arith.constant 0 : index
    %swap3A_252 = vector.load %arg5[%swap3A_248, %swap3A_249, %swap3A_250, %swap3A_251] : memref<1x1x72x128xf32, #tpu.memory_space<vmem>>, vector<1x1x1x128xf32>
    %swap3A_253 = vector.shape_cast %swap3A_252 : vector<1x1x1x128xf32> to vector<128xf32>
    %swap3A_254 = vector.shape_cast %reduce_sum3A_247 : vector<128xf32> to vector<1x1x1x128xf32>
    tpu.vector_store %arg5[%swap3A_248, %swap3A_249, %swap3A_250, %swap3A_251], %swap3A_254 {strides = array<i32>} : memref<1x1x72x128xf32, #tpu.memory_space<vmem>>, vector<1x1x1x128xf32>,
    %mul3A_255 = arith.mulf %mul3A_105, %convert_element_type3A_245 : vector<576x128xf32>
    %reduce_sum3A_256 = arith.constant dense<0.000000e+00> : vector<128xf32>
    %reduce_sum3A_257 = vector.multi_reduction <add>, %mul3A_255, %reduce_sum3A_256 [0] : vector<576x128xf32> to vector<128xf32>
    %swap3A_258 = arith.constant 0 : index
    %swap3A_259 = arith.constant 0 : index
    %swap3A_260 = arith.constant 11 : index
    %swap3A_261 = arith.constant 0 : index
    %swap3A_262 = vector.load %arg5[%swap3A_258, %swap3A_259, %swap3A_260, %swap3A_261] : memref<1x1x72x128xf32, #tpu.memory_space<vmem>>, vector<1x1x1x128xf32>
    %swap3A_263 = vector.shape_cast %swap3A_262 : vector<1x1x1x128xf32> to vector<128xf32>
    %swap3A_264 = vector.shape_cast %reduce_sum3A_257 : vector<128xf32> to vector<1x1x1x128xf32>
    tpu.vector_store %arg5[%swap3A_258, %swap3A_259, %swap3A_260, %swap3A_261], %swap3A_264 {strides = array<i32>} : memref<1x1x72x128xf32, #tpu.memory_space<vmem>>, vector<1x1x1x128xf32>,
    %mul3A_265 = arith.mulf %mul3A_109, %convert_element_type3A_245 : vector<576x128xf32>
    %reduce_sum3A_266 = arith.constant dense<0.000000e+00> : vector<128xf32>
    %reduce_sum3A_267 = vector.multi_reduction <add>, %mul3A_265, %reduce_sum3A_266 [0] : vector<576x128xf32> to vector<128xf32>
    %swap3A_268 = arith.constant 0 : index
    %swap3A_269 = arith.constant 0 : index
    %swap3A_270 = arith.constant 12 : index
    %swap3A_271 = arith.constant 0 : index
    %swap3A_272 = vector.load %arg5[%swap3A_268, %swap3A_269, %swap3A_270, %swap3A_271] : memref<1x1x72x128xf32, #tpu.memory_space<vmem>>, vector<1x1x1x128xf32>
    %swap3A_273 = vector.shape_cast %swap3A_272 : vector<1x1x1x128xf32> to vector<128xf32>
    %swap3A_274 = vector.shape_cast %reduce_sum3A_267 : vector<128xf32> to vector<1x1x1x128xf32>
    tpu.vector_store %arg5[%swap3A_268, %swap3A_269, %swap3A_270, %swap3A_271], %swap3A_274 {strides = array<i32>} : memref<1x1x72x128xf32, #tpu.memory_space<vmem>>, vector<1x1x1x128xf32>,
    %mul3A_275 = arith.mulf %mul3A_113, %convert_element_type3A_245 : vector<576x128xf32>
    %reduce_sum3A_276 = arith.constant dense<0.000000e+00> : vector<128xf32>
    %reduce_sum3A_277 = vector.multi_reduction <add>, %mul3A_275, %reduce_sum3A_276 [0] : vector<576x128xf32> to vector<128xf32>
    %swap3A_278 = arith.constant 0 : index
    %swap3A_279 = arith.constant 0 : index
    %swap3A_280 = arith.constant 13 : index
    %swap3A_281 = arith.constant 0 : index
    %swap3A_282 = vector.load %arg5[%swap3A_278, %swap3A_279, %swap3A_280, %swap3A_281] : memref<1x1x72x128xf32, #tpu.memory_space<vmem>>, vector<1x1x1x128xf32>
    %swap3A_283 = vector.shape_cast %swap3A_282 : vector<1x1x1x128xf32> to vector<128xf32>
    %swap3A_284 = vector.shape_cast %reduce_sum3A_277 : vector<128xf32> to vector<1x1x1x128xf32>
    tpu.vector_store %arg5[%swap3A_278, %swap3A_279, %swap3A_280, %swap3A_281], %swap3A_284 {strides = array<i32>} : memref<1x1x72x128xf32, #tpu.memory_space<vmem>>, vector<1x1x1x128xf32>,
    %mul3A_285 = arith.mulf %get3A_118, %convert_element_type3A_245 : vector<576x128xf32>
    %reduce_sum3A_286 = arith.constant dense<0.000000e+00> : vector<128xf32>
    %reduce_sum3A_287 = vector.multi_reduction <add>, %mul3A_285, %reduce_sum3A_286 [0] : vector<576x128xf32> to vector<128xf32>
    %swap3A_288 = arith.constant 0 : index
    %swap3A_289 = arith.constant 0 : index
    %swap3A_290 = arith.constant 14 : index
    %swap3A_291 = arith.constant 0 : index
    %swap3A_292 = vector.load %arg5[%swap3A_288, %swap3A_289, %swap3A_290, %swap3A_291] : memref<1x1x72x128xf32, #tpu.memory_space<vmem>>, vector<1x1x1x128xf32>
    %swap3A_293 = vector.shape_cast %swap3A_292 : vector<1x1x1x128xf32> to vector<128xf32>
    %swap3A_294 = vector.shape_cast %reduce_sum3A_287 : vector<128xf32> to vector<1x1x1x128xf32>
    tpu.vector_store %arg5[%swap3A_288, %swap3A_289, %swap3A_290, %swap3A_291], %swap3A_294 {strides = array<i32>} : memref<1x1x72x128xf32, #tpu.memory_space<vmem>>, vector<1x1x1x128xf32>,
    %mul3A_295 = arith.mulf %get3A_124, %convert_element_type3A_245 : vector<576x128xf32>
    %reduce_sum3A_296 = arith.constant dense<0.000000e+00> : vector<128xf32>
    %reduce_sum3A_297 = vector.multi_reduction <add>, %mul3A_295, %reduce_sum3A_296 [0] : vector<576x128xf32> to vector<128xf32>
    %swap3A_298 = arith.constant 0 : index
    %swap3A_299 = arith.constant 0 : index
    %swap3A_300 = arith.constant 15 : index
    %swap3A_301 = arith.constant 0 : index
    %swap3A_302 = vector.load %arg5[%swap3A_298, %swap3A_299, %swap3A_300, %swap3A_301] : memref<1x1x72x128xf32, #tpu.memory_space<vmem>>, vector<1x1x1x128xf32>
    %swap3A_303 = vector.shape_cast %swap3A_302 : vector<1x1x1x128xf32> to vector<128xf32>
    %swap3A_304 = vector.shape_cast %reduce_sum3A_297 : vector<128xf32> to vector<1x1x1x128xf32>
    tpu.vector_store %arg5[%swap3A_298, %swap3A_299, %swap3A_300, %swap3A_301], %swap3A_304 {strides = array<i32>} : memref<1x1x72x128xf32, #tpu.memory_space<vmem>>, vector<1x1x1x128xf32>,
    %mul3A_305 = arith.mulf %get3A_130, %convert_element_type3A_245 : vector<576x128xf32>
    %reduce_sum3A_306 = arith.constant dense<0.000000e+00> : vector<128xf32>
    %reduce_sum3A_307 = vector.multi_reduction <add>, %mul3A_305, %reduce_sum3A_306 [0] : vector<576x128xf32> to vector<128xf32>
    %swap3A_308 = arith.constant 0 : index
    %swap3A_309 = arith.constant 0 : index
    %swap3A_310 = arith.constant 16 : index
    %swap3A_311 = arith.constant 0 : index
    %swap3A_312 = vector.load %arg5[%swap3A_308, %swap3A_309, %swap3A_310, %swap3A_311] : memref<1x1x72x128xf32, #tpu.memory_space<vmem>>, vector<1x1x1x128xf32>
    %swap3A_313 = vector.shape_cast %swap3A_312 : vector<1x1x1x128xf32> to vector<128xf32>
    %swap3A_314 = vector.shape_cast %reduce_sum3A_307 : vector<128xf32> to vector<1x1x1x128xf32>
    tpu.vector_store %arg5[%swap3A_308, %swap3A_309, %swap3A_310, %swap3A_311], %swap3A_314 {strides = array<i32>} : memref<1x1x72x128xf32, #tpu.memory_space<vmem>>, vector<1x1x1x128xf32>,
    %mul3A_315 = arith.mulf %mul3A_136, %convert_element_type3A_245 : vector<576x128xf32>
    %reduce_sum3A_316 = arith.constant dense<0.000000e+00> : vector<128xf32>
    %reduce_sum3A_317 = vector.multi_reduction <add>, %mul3A_315, %reduce_sum3A_316 [0] : vector<576x128xf32> to vector<128xf32>
    %swap3A_318 = arith.constant 0 : index
    %swap3A_319 = arith.constant 0 : index
    %swap3A_320 = arith.constant 17 : index
    %swap3A_321 = arith.constant 0 : index
    %swap3A_322 = vector.load %arg5[%swap3A_318, %swap3A_319, %swap3A_320, %swap3A_321] : memref<1x1x72x128xf32, #tpu.memory_space<vmem>>, vector<1x1x1x128xf32>
    %swap3A_323 = vector.shape_cast %swap3A_322 : vector<1x1x1x128xf32> to vector<128xf32>
    %swap3A_324 = vector.shape_cast %reduce_sum3A_317 : vector<128xf32> to vector<1x1x1x128xf32>
    tpu.vector_store %arg5[%swap3A_318, %swap3A_319, %swap3A_320, %swap3A_321], %swap3A_324 {strides = array<i32>} : memref<1x1x72x128xf32, #tpu.memory_space<vmem>>, vector<1x1x1x128xf32>,
    %mul3A_325 = arith.mulf %mul3A_137, %convert_element_type3A_245 : vector<576x128xf32>
    %reduce_sum3A_326 = arith.constant dense<0.000000e+00> : vector<128xf32>
    %reduce_sum3A_327 = vector.multi_reduction <add>, %mul3A_325, %reduce_sum3A_326 [0] : vector<576x128xf32> to vector<128xf32>
    %swap3A_328 = arith.constant 0 : index
    %swap3A_329 = arith.constant 0 : index
    %swap3A_330 = arith.constant 18 : index
    %swap3A_331 = arith.constant 0 : index
    %swap3A_332 = vector.load %arg5[%swap3A_328, %swap3A_329, %swap3A_330, %swap3A_331] : memref<1x1x72x128xf32, #tpu.memory_space<vmem>>, vector<1x1x1x128xf32>
    %swap3A_333 = vector.shape_cast %swap3A_332 : vector<1x1x1x128xf32> to vector<128xf32>
    %swap3A_334 = vector.shape_cast %reduce_sum3A_327 : vector<128xf32> to vector<1x1x1x128xf32>
    tpu.vector_store %arg5[%swap3A_328, %swap3A_329, %swap3A_330, %swap3A_331], %swap3A_334 {strides = array<i32>} : memref<1x1x72x128xf32, #tpu.memory_space<vmem>>, vector<1x1x1x128xf32>,
    %mul3A_335 = arith.mulf %mul3A_138, %convert_element_type3A_245 : vector<576x128xf32>
    %reduce_sum3A_336 = arith.constant dense<0.000000e+00> : vector<128xf32>
    %reduce_sum3A_337 = vector.multi_reduction <add>, %mul3A_335, %reduce_sum3A_336 [0] : vector<576x128xf32> to vector<128xf32>
    %swap3A_338 = arith.constant 0 : index
    %swap3A_339 = arith.constant 0 : index
    %swap3A_340 = arith.constant 19 : index
    %swap3A_341 = arith.constant 0 : index
    %swap3A_342 = vector.load %arg5[%swap3A_338, %swap3A_339, %swap3A_340, %swap3A_341] : memref<1x1x72x128xf32, #tpu.memory_space<vmem>>, vector<1x1x1x128xf32>
    %swap3A_343 = vector.shape_cast %swap3A_342 : vector<1x1x1x128xf32> to vector<128xf32>
    %swap3A_344 = vector.shape_cast %reduce_sum3A_337 : vector<128xf32> to vector<1x1x1x128xf32>
    tpu.vector_store %arg5[%swap3A_338, %swap3A_339, %swap3A_340, %swap3A_341], %swap3A_344 {strides = array<i32>} : memref<1x1x72x128xf32, #tpu.memory_space<vmem>>, vector<1x1x1x128xf32>,
    %eq3A_345 = arith.constant 3 : i32
    %eq3A_346 = vector.broadcast %eq3A_345 : i32 to vector<576x128xi32>
    %eq3A_347 = arith.cmpi eq, %get3A_135, %eq3A_346 : vector<576x128xi32>
    %convert_element_type3A_348 = arith.extui %eq3A_347 : vector<576x128xi1> to vector<576x128xi32>
    %convert_element_type3A_349 = arith.sitofp %convert_element_type3A_348 : vector<576x128xi32> to vector<576x128xf32>
    %reduce_sum3A_350 = arith.constant dense<0.000000e+00> : vector<128xf32>
    %reduce_sum3A_351 = vector.multi_reduction <add>, %convert_element_type3A_349, %reduce_sum3A_350 [0] : vector<576x128xf32> to vector<128xf32>
    %swap3A_352 = arith.constant 0 : index
    %swap3A_353 = arith.constant 0 : index
    %swap3A_354 = arith.constant 20 : index
    %swap3A_355 = arith.constant 0 : index
    %swap3A_356 = vector.load %arg5[%swap3A_352, %swap3A_353, %swap3A_354, %swap3A_355] : memref<1x1x72x128xf32, #tpu.memory_space<vmem>>, vector<1x1x1x128xf32>
    %swap3A_357 = vector.shape_cast %swap3A_356 : vector<1x1x1x128xf32> to vector<128xf32>
    %swap3A_358 = vector.shape_cast %reduce_sum3A_351 : vector<128xf32> to vector<1x1x1x128xf32>
    tpu.vector_store %arg5[%swap3A_352, %swap3A_353, %swap3A_354, %swap3A_355], %swap3A_358 {strides = array<i32>} : memref<1x1x72x128xf32, #tpu.memory_space<vmem>>, vector<1x1x1x128xf32>,
    %mul3A_359 = arith.mulf %mul3A_105, %convert_element_type3A_349 : vector<576x128xf32>
    %reduce_sum3A_360 = arith.constant dense<0.000000e+00> : vector<128xf32>
    %reduce_sum3A_361 = vector.multi_reduction <add>, %mul3A_359, %reduce_sum3A_360 [0] : vector<576x128xf32> to vector<128xf32>
    %swap3A_362 = arith.constant 0 : index
    %swap3A_363 = arith.constant 0 : index
    %swap3A_364 = arith.constant 21 : index
    %swap3A_365 = arith.constant 0 : index
    %swap3A_366 = vector.load %arg5[%swap3A_362, %swap3A_363, %swap3A_364, %swap3A_365] : memref<1x1x72x128xf32, #tpu.memory_space<vmem>>, vector<1x1x1x128xf32>
    %swap3A_367 = vector.shape_cast %swap3A_366 : vector<1x1x1x128xf32> to vector<128xf32>
    %swap3A_368 = vector.shape_cast %reduce_sum3A_361 : vector<128xf32> to vector<1x1x1x128xf32>
    tpu.vector_store %arg5[%swap3A_362, %swap3A_363, %swap3A_364, %swap3A_365], %swap3A_368 {strides = array<i32>} : memref<1x1x72x128xf32, #tpu.memory_space<vmem>>, vector<1x1x1x128xf32>,
    %mul3A_369 = arith.mulf %mul3A_109, %convert_element_type3A_349 : vector<576x128xf32>
    %reduce_sum3A_370 = arith.constant dense<0.000000e+00> : vector<128xf32>
    %reduce_sum3A_371 = vector.multi_reduction <add>, %mul3A_369, %reduce_sum3A_370 [0] : vector<576x128xf32> to vector<128xf32>
    %swap3A_372 = arith.constant 0 : index
    %swap3A_373 = arith.constant 0 : index
    %swap3A_374 = arith.constant 22 : index
    %swap3A_375 = arith.constant 0 : index
    %swap3A_376 = vector.load %arg5[%swap3A_372, %swap3A_373, %swap3A_374, %swap3A_375] : memref<1x1x72x128xf32, #tpu.memory_space<vmem>>, vector<1x1x1x128xf32>
    %swap3A_377 = vector.shape_cast %swap3A_376 : vector<1x1x1x128xf32> to vector<128xf32>
    %swap3A_378 = vector.shape_cast %reduce_sum3A_371 : vector<128xf32> to vector<1x1x1x128xf32>
    tpu.vector_store %arg5[%swap3A_372, %swap3A_373, %swap3A_374, %swap3A_375], %swap3A_378 {strides = array<i32>} : memref<1x1x72x128xf32, #tpu.memory_space<vmem>>, vector<1x1x1x128xf32>,
    %mul3A_379 = arith.mulf %mul3A_113, %convert_element_type3A_349 : vector<576x128xf32>
    %reduce_sum3A_380 = arith.constant dense<0.000000e+00> : vector<128xf32>
    %reduce_sum3A_381 = vector.multi_reduction <add>, %mul3A_379, %reduce_sum3A_380 [0] : vector<576x128xf32> to vector<128xf32>
    %swap3A_382 = arith.constant 0 : index
    %swap3A_383 = arith.constant 0 : index
    %swap3A_384 = arith.constant 23 : index
    %swap3A_385 = arith.constant 0 : index
    %swap3A_386 = vector.load %arg5[%swap3A_382, %swap3A_383, %swap3A_384, %swap3A_385] : memref<1x1x72x128xf32, #tpu.memory_space<vmem>>, vector<1x1x1x128xf32>
    %swap3A_387 = vector.shape_cast %swap3A_386 : vector<1x1x1x128xf32> to vector<128xf32>
    %swap3A_388 = vector.shape_cast %reduce_sum3A_381 : vector<128xf32> to vector<1x1x1x128xf32>
    tpu.vector_store %arg5[%swap3A_382, %swap3A_383, %swap3A_384, %swap3A_385], %swap3A_388 {strides = array<i32>} : memref<1x1x72x128xf32, #tpu.memory_space<vmem>>, vector<1x1x1x128xf32>,
    %mul3A_389 = arith.mulf %get3A_118, %convert_element_type3A_349 : vector<576x128xf32>
    %reduce_sum3A_390 = arith.constant dense<0.000000e+00> : vector<128xf32>
    %reduce_sum3A_391 = vector.multi_reduction <add>, %mul3A_389, %reduce_sum3A_390 [0] : vector<576x128xf32> to vector<128xf32>
    %swap3A_392 = arith.constant 0 : index
    %swap3A_393 = arith.constant 0 : index
    %swap3A_394 = arith.constant 24 : index
    %swap3A_395 = arith.constant 0 : index
    %swap3A_396 = vector.load %arg5[%swap3A_392, %swap3A_393, %swap3A_394, %swap3A_395] : memref<1x1x72x128xf32, #tpu.memory_space<vmem>>, vector<1x1x1x128xf32>
    %swap3A_397 = vector.shape_cast %swap3A_396 : vector<1x1x1x128xf32> to vector<128xf32>
    %swap3A_398 = vector.shape_cast %reduce_sum3A_391 : vector<128xf32> to vector<1x1x1x128xf32>
    tpu.vector_store %arg5[%swap3A_392, %swap3A_393, %swap3A_394, %swap3A_395], %swap3A_398 {strides = array<i32>} : memref<1x1x72x128xf32, #tpu.memory_space<vmem>>, vector<1x1x1x128xf32>,
    %mul3A_399 = arith.mulf %get3A_124, %convert_element_type3A_349 : vector<576x128xf32>
    %reduce_sum3A_400 = arith.constant dense<0.000000e+00> : vector<128xf32>
    %reduce_sum3A_401 = vector.multi_reduction <add>, %mul3A_399, %reduce_sum3A_400 [0] : vector<576x128xf32> to vector<128xf32>
    %swap3A_402 = arith.constant 0 : index
    %swap3A_403 = arith.constant 0 : index
    %swap3A_404 = arith.constant 25 : index
    %swap3A_405 = arith.constant 0 : index
    %swap3A_406 = vector.load %arg5[%swap3A_402, %swap3A_403, %swap3A_404, %swap3A_405] : memref<1x1x72x128xf32, #tpu.memory_space<vmem>>, vector<1x1x1x128xf32>
    %swap3A_407 = vector.shape_cast %swap3A_406 : vector<1x1x1x128xf32> to vector<128xf32>
    %swap3A_408 = vector.shape_cast %reduce_sum3A_401 : vector<128xf32> to vector<1x1x1x128xf32>
    tpu.vector_store %arg5[%swap3A_402, %swap3A_403, %swap3A_404, %swap3A_405], %swap3A_408 {strides = array<i32>} : memref<1x1x72x128xf32, #tpu.memory_space<vmem>>, vector<1x1x1x128xf32>,
    %mul3A_409 = arith.mulf %get3A_130, %convert_element_type3A_349 : vector<576x128xf32>
    %reduce_sum3A_410 = arith.constant dense<0.000000e+00> : vector<128xf32>
    %reduce_sum3A_411 = vector.multi_reduction <add>, %mul3A_409, %reduce_sum3A_410 [0] : vector<576x128xf32> to vector<128xf32>
    %swap3A_412 = arith.constant 0 : index
    %swap3A_413 = arith.constant 0 : index
    %swap3A_414 = arith.constant 26 : index
    %swap3A_415 = arith.constant 0 : index
    %swap3A_416 = vector.load %arg5[%swap3A_412, %swap3A_413, %swap3A_414, %swap3A_415] : memref<1x1x72x128xf32, #tpu.memory_space<vmem>>, vector<1x1x1x128xf32>
    %swap3A_417 = vector.shape_cast %swap3A_416 : vector<1x1x1x128xf32> to vector<128xf32>
    %swap3A_418 = vector.shape_cast %reduce_sum3A_411 : vector<128xf32> to vector<1x1x1x128xf32>
    tpu.vector_store %arg5[%swap3A_412, %swap3A_413, %swap3A_414, %swap3A_415], %swap3A_418 {strides = array<i32>} : memref<1x1x72x128xf32, #tpu.memory_space<vmem>>, vector<1x1x1x128xf32>,
    %mul3A_419 = arith.mulf %mul3A_136, %convert_element_type3A_349 : vector<576x128xf32>
    %reduce_sum3A_420 = arith.constant dense<0.000000e+00> : vector<128xf32>
    %reduce_sum3A_421 = vector.multi_reduction <add>, %mul3A_419, %reduce_sum3A_420 [0] : vector<576x128xf32> to vector<128xf32>
    %swap3A_422 = arith.constant 0 : index
    %swap3A_423 = arith.constant 0 : index
    %swap3A_424 = arith.constant 27 : index
    %swap3A_425 = arith.constant 0 : index
    %swap3A_426 = vector.load %arg5[%swap3A_422, %swap3A_423, %swap3A_424, %swap3A_425] : memref<1x1x72x128xf32, #tpu.memory_space<vmem>>, vector<1x1x1x128xf32>
    %swap3A_427 = vector.shape_cast %swap3A_426 : vector<1x1x1x128xf32> to vector<128xf32>
    %swap3A_428 = vector.shape_cast %reduce_sum3A_421 : vector<128xf32> to vector<1x1x1x128xf32>
    tpu.vector_store %arg5[%swap3A_422, %swap3A_423, %swap3A_424, %swap3A_425], %swap3A_428 {strides = array<i32>} : memref<1x1x72x128xf32, #tpu.memory_space<vmem>>, vector<1x1x1x128xf32>,
    %mul3A_429 = arith.mulf %mul3A_137, %convert_element_type3A_349 : vector<576x128xf32>
    %reduce_sum3A_430 = arith.constant dense<0.000000e+00> : vector<128xf32>
    %reduce_sum3A_431 = vector.multi_reduction <add>, %mul3A_429, %reduce_sum3A_430 [0] : vector<576x128xf32> to vector<128xf32>
    %swap3A_432 = arith.constant 0 : index
    %swap3A_433 = arith.constant 0 : index
    %swap3A_434 = arith.constant 28 : index
    %swap3A_435 = arith.constant 0 : index
    %swap3A_436 = vector.load %arg5[%swap3A_432, %swap3A_433, %swap3A_434, %swap3A_435] : memref<1x1x72x128xf32, #tpu.memory_space<vmem>>, vector<1x1x1x128xf32>
    %swap3A_437 = vector.shape_cast %swap3A_436 : vector<1x1x1x128xf32> to vector<128xf32>
    %swap3A_438 = vector.shape_cast %reduce_sum3A_431 : vector<128xf32> to vector<1x1x1x128xf32>
    tpu.vector_store %arg5[%swap3A_432, %swap3A_433, %swap3A_434, %swap3A_435], %swap3A_438 {strides = array<i32>} : memref<1x1x72x128xf32, #tpu.memory_space<vmem>>, vector<1x1x1x128xf32>,
    %mul3A_439 = arith.mulf %mul3A_138, %convert_element_type3A_349 : vector<576x128xf32>
    %reduce_sum3A_440 = arith.constant dense<0.000000e+00> : vector<128xf32>
    %reduce_sum3A_441 = vector.multi_reduction <add>, %mul3A_439, %reduce_sum3A_440 [0] : vector<576x128xf32> to vector<128xf32>
    %swap3A_442 = arith.constant 0 : index
    %swap3A_443 = arith.constant 0 : index
    %swap3A_444 = arith.constant 29 : index
    %swap3A_445 = arith.constant 0 : index
    %swap3A_446 = vector.load %arg5[%swap3A_442, %swap3A_443, %swap3A_444, %swap3A_445] : memref<1x1x72x128xf32, #tpu.memory_space<vmem>>, vector<1x1x1x128xf32>
    %swap3A_447 = vector.shape_cast %swap3A_446 : vector<1x1x1x128xf32> to vector<128xf32>
    %swap3A_448 = vector.shape_cast %reduce_sum3A_441 : vector<128xf32> to vector<1x1x1x128xf32>
    tpu.vector_store %arg5[%swap3A_442, %swap3A_443, %swap3A_444, %swap3A_445], %swap3A_448 {strides = array<i32>} : memref<1x1x72x128xf32, #tpu.memory_space<vmem>>, vector<1x1x1x128xf32>,
    %eq3A_449 = arith.constant 4 : i32
    %eq3A_450 = vector.broadcast %eq3A_449 : i32 to vector<576x128xi32>
    %eq3A_451 = arith.cmpi eq, %get3A_135, %eq3A_450 : vector<576x128xi32>
    %convert_element_type3A_452 = arith.extui %eq3A_451 : vector<576x128xi1> to vector<576x128xi32>
    %convert_element_type3A_453 = arith.sitofp %convert_element_type3A_452 : vector<576x128xi32> to vector<576x128xf32>
    %reduce_sum3A_454 = arith.constant dense<0.000000e+00> : vector<128xf32>
    %reduce_sum3A_455 = vector.multi_reduction <add>, %convert_element_type3A_453, %reduce_sum3A_454 [0] : vector<576x128xf32> to vector<128xf32>
    %swap3A_456 = arith.constant 0 : index
    %swap3A_457 = arith.constant 0 : index
    %swap3A_458 = arith.constant 30 : index
    %swap3A_459 = arith.constant 0 : index
    %swap3A_460 = vector.load %arg5[%swap3A_456, %swap3A_457, %swap3A_458, %swap3A_459] : memref<1x1x72x128xf32, #tpu.memory_space<vmem>>, vector<1x1x1x128xf32>
    %swap3A_461 = vector.shape_cast %swap3A_460 : vector<1x1x1x128xf32> to vector<128xf32>
    %swap3A_462 = vector.shape_cast %reduce_sum3A_455 : vector<128xf32> to vector<1x1x1x128xf32>
    tpu.vector_store %arg5[%swap3A_456, %swap3A_457, %swap3A_458, %swap3A_459], %swap3A_462 {strides = array<i32>} : memref<1x1x72x128xf32, #tpu.memory_space<vmem>>, vector<1x1x1x128xf32>,
    %mul3A_463 = arith.mulf %mul3A_105, %convert_element_type3A_453 : vector<576x128xf32>
    %reduce_sum3A_464 = arith.constant dense<0.000000e+00> : vector<128xf32>
    %reduce_sum3A_465 = vector.multi_reduction <add>, %mul3A_463, %reduce_sum3A_464 [0] : vector<576x128xf32> to vector<128xf32>
    %swap3A_466 = arith.constant 0 : index
    %swap3A_467 = arith.constant 0 : index
    %swap3A_468 = arith.constant 31 : index
    %swap3A_469 = arith.constant 0 : index
    %swap3A_470 = vector.load %arg5[%swap3A_466, %swap3A_467, %swap3A_468, %swap3A_469] : memref<1x1x72x128xf32, #tpu.memory_space<vmem>>, vector<1x1x1x128xf32>
    %swap3A_471 = vector.shape_cast %swap3A_470 : vector<1x1x1x128xf32> to vector<128xf32>
    %swap3A_472 = vector.shape_cast %reduce_sum3A_465 : vector<128xf32> to vector<1x1x1x128xf32>
    tpu.vector_store %arg5[%swap3A_466, %swap3A_467, %swap3A_468, %swap3A_469], %swap3A_472 {strides = array<i32>} : memref<1x1x72x128xf32, #tpu.memory_space<vmem>>, vector<1x1x1x128xf32>,
    %mul3A_473 = arith.mulf %mul3A_109, %convert_element_type3A_453 : vector<576x128xf32>
    %reduce_sum3A_474 = arith.constant dense<0.000000e+00> : vector<128xf32>
    %reduce_sum3A_475 = vector.multi_reduction <add>, %mul3A_473, %reduce_sum3A_474 [0] : vector<576x128xf32> to vector<128xf32>
    %swap3A_476 = arith.constant 0 : index
    %swap3A_477 = arith.constant 0 : index
    %swap3A_478 = arith.constant 32 : index
    %swap3A_479 = arith.constant 0 : index
    %swap3A_480 = vector.load %arg5[%swap3A_476, %swap3A_477, %swap3A_478, %swap3A_479] : memref<1x1x72x128xf32, #tpu.memory_space<vmem>>, vector<1x1x1x128xf32>
    %swap3A_481 = vector.shape_cast %swap3A_480 : vector<1x1x1x128xf32> to vector<128xf32>
    %swap3A_482 = vector.shape_cast %reduce_sum3A_475 : vector<128xf32> to vector<1x1x1x128xf32>
    tpu.vector_store %arg5[%swap3A_476, %swap3A_477, %swap3A_478, %swap3A_479], %swap3A_482 {strides = array<i32>} : memref<1x1x72x128xf32, #tpu.memory_space<vmem>>, vector<1x1x1x128xf32>,
    %mul3A_483 = arith.mulf %mul3A_113, %convert_element_type3A_453 : vector<576x128xf32>
    %reduce_sum3A_484 = arith.constant dense<0.000000e+00> : vector<128xf32>
    %reduce_sum3A_485 = vector.multi_reduction <add>, %mul3A_483, %reduce_sum3A_484 [0] : vector<576x128xf32> to vector<128xf32>
    %swap3A_486 = arith.constant 0 : index
    %swap3A_487 = arith.constant 0 : index
    %swap3A_488 = arith.constant 33 : index
    %swap3A_489 = arith.constant 0 : index
    %swap3A_490 = vector.load %arg5[%swap3A_486, %swap3A_487, %swap3A_488, %swap3A_489] : memref<1x1x72x128xf32, #tpu.memory_space<vmem>>, vector<1x1x1x128xf32>
    %swap3A_491 = vector.shape_cast %swap3A_490 : vector<1x1x1x128xf32> to vector<128xf32>
    %swap3A_492 = vector.shape_cast %reduce_sum3A_485 : vector<128xf32> to vector<1x1x1x128xf32>
    tpu.vector_store %arg5[%swap3A_486, %swap3A_487, %swap3A_488, %swap3A_489], %swap3A_492 {strides = array<i32>} : memref<1x1x72x128xf32, #tpu.memory_space<vmem>>, vector<1x1x1x128xf32>,
    %mul3A_493 = arith.mulf %get3A_118, %convert_element_type3A_453 : vector<576x128xf32>
    %reduce_sum3A_494 = arith.constant dense<0.000000e+00> : vector<128xf32>
    %reduce_sum3A_495 = vector.multi_reduction <add>, %mul3A_493, %reduce_sum3A_494 [0] : vector<576x128xf32> to vector<128xf32>
    %swap3A_496 = arith.constant 0 : index
    %swap3A_497 = arith.constant 0 : index
    %swap3A_498 = arith.constant 34 : index
    %swap3A_499 = arith.constant 0 : index
    %swap3A_500 = vector.load %arg5[%swap3A_496, %swap3A_497, %swap3A_498, %swap3A_499] : memref<1x1x72x128xf32, #tpu.memory_space<vmem>>, vector<1x1x1x128xf32>
    %swap3A_501 = vector.shape_cast %swap3A_500 : vector<1x1x1x128xf32> to vector<128xf32>
    %swap3A_502 = vector.shape_cast %reduce_sum3A_495 : vector<128xf32> to vector<1x1x1x128xf32>
    tpu.vector_store %arg5[%swap3A_496, %swap3A_497, %swap3A_498, %swap3A_499], %swap3A_502 {strides = array<i32>} : memref<1x1x72x128xf32, #tpu.memory_space<vmem>>, vector<1x1x1x128xf32>,
    %mul3A_503 = arith.mulf %get3A_124, %convert_element_type3A_453 : vector<576x128xf32>
    %reduce_sum3A_504 = arith.constant dense<0.000000e+00> : vector<128xf32>
    %reduce_sum3A_505 = vector.multi_reduction <add>, %mul3A_503, %reduce_sum3A_504 [0] : vector<576x128xf32> to vector<128xf32>
    %swap3A_506 = arith.constant 0 : index
    %swap3A_507 = arith.constant 0 : index
    %swap3A_508 = arith.constant 35 : index
    %swap3A_509 = arith.constant 0 : index
    %swap3A_510 = vector.load %arg5[%swap3A_506, %swap3A_507, %swap3A_508, %swap3A_509] : memref<1x1x72x128xf32, #tpu.memory_space<vmem>>, vector<1x1x1x128xf32>
    %swap3A_511 = vector.shape_cast %swap3A_510 : vector<1x1x1x128xf32> to vector<128xf32>
    %swap3A_512 = vector.shape_cast %reduce_sum3A_505 : vector<128xf32> to vector<1x1x1x128xf32>
    tpu.vector_store %arg5[%swap3A_506, %swap3A_507, %swap3A_508, %swap3A_509], %swap3A_512 {strides = array<i32>} : memref<1x1x72x128xf32, #tpu.memory_space<vmem>>, vector<1x1x1x128xf32>,
    %mul3A_513 = arith.mulf %get3A_130, %convert_element_type3A_453 : vector<576x128xf32>
    %reduce_sum3A_514 = arith.constant dense<0.000000e+00> : vector<128xf32>
    %reduce_sum3A_515 = vector.multi_reduction <add>, %mul3A_513, %reduce_sum3A_514 [0] : vector<576x128xf32> to vector<128xf32>
    %swap3A_516 = arith.constant 0 : index
    %swap3A_517 = arith.constant 0 : index
    %swap3A_518 = arith.constant 36 : index
    %swap3A_519 = arith.constant 0 : index
    %swap3A_520 = vector.load %arg5[%swap3A_516, %swap3A_517, %swap3A_518, %swap3A_519] : memref<1x1x72x128xf32, #tpu.memory_space<vmem>>, vector<1x1x1x128xf32>
    %swap3A_521 = vector.shape_cast %swap3A_520 : vector<1x1x1x128xf32> to vector<128xf32>
    %swap3A_522 = vector.shape_cast %reduce_sum3A_515 : vector<128xf32> to vector<1x1x1x128xf32>
    tpu.vector_store %arg5[%swap3A_516, %swap3A_517, %swap3A_518, %swap3A_519], %swap3A_522 {strides = array<i32>} : memref<1x1x72x128xf32, #tpu.memory_space<vmem>>, vector<1x1x1x128xf32>,
    %mul3A_523 = arith.mulf %mul3A_136, %convert_element_type3A_453 : vector<576x128xf32>
    %reduce_sum3A_524 = arith.constant dense<0.000000e+00> : vector<128xf32>
    %reduce_sum3A_525 = vector.multi_reduction <add>, %mul3A_523, %reduce_sum3A_524 [0] : vector<576x128xf32> to vector<128xf32>
    %swap3A_526 = arith.constant 0 : index
    %swap3A_527 = arith.constant 0 : index
    %swap3A_528 = arith.constant 37 : index
    %swap3A_529 = arith.constant 0 : index
    %swap3A_530 = vector.load %arg5[%swap3A_526, %swap3A_527, %swap3A_528, %swap3A_529] : memref<1x1x72x128xf32, #tpu.memory_space<vmem>>, vector<1x1x1x128xf32>
    %swap3A_531 = vector.shape_cast %swap3A_530 : vector<1x1x1x128xf32> to vector<128xf32>
    %swap3A_532 = vector.shape_cast %reduce_sum3A_525 : vector<128xf32> to vector<1x1x1x128xf32>
    tpu.vector_store %arg5[%swap3A_526, %swap3A_527, %swap3A_528, %swap3A_529], %swap3A_532 {strides = array<i32>} : memref<1x1x72x128xf32, #tpu.memory_space<vmem>>, vector<1x1x1x128xf32>,
    %mul3A_533 = arith.mulf %mul3A_137, %convert_element_type3A_453 : vector<576x128xf32>
    %reduce_sum3A_534 = arith.constant dense<0.000000e+00> : vector<128xf32>
    %reduce_sum3A_535 = vector.multi_reduction <add>, %mul3A_533, %reduce_sum3A_534 [0] : vector<576x128xf32> to vector<128xf32>
    %swap3A_536 = arith.constant 0 : index
    %swap3A_537 = arith.constant 0 : index
    %swap3A_538 = arith.constant 38 : index
    %swap3A_539 = arith.constant 0 : index
    %swap3A_540 = vector.load %arg5[%swap3A_536, %swap3A_537, %swap3A_538, %swap3A_539] : memref<1x1x72x128xf32, #tpu.memory_space<vmem>>, vector<1x1x1x128xf32>
    %swap3A_541 = vector.shape_cast %swap3A_540 : vector<1x1x1x128xf32> to vector<128xf32>
    %swap3A_542 = vector.shape_cast %reduce_sum3A_535 : vector<128xf32> to vector<1x1x1x128xf32>
    tpu.vector_store %arg5[%swap3A_536, %swap3A_537, %swap3A_538, %swap3A_539], %swap3A_542 {strides = array<i32>} : memref<1x1x72x128xf32, #tpu.memory_space<vmem>>, vector<1x1x1x128xf32>,
    %mul3A_543 = arith.mulf %mul3A_138, %convert_element_type3A_453 : vector<576x128xf32>
    %reduce_sum3A_544 = arith.constant dense<0.000000e+00> : vector<128xf32>
    %reduce_sum3A_545 = vector.multi_reduction <add>, %mul3A_543, %reduce_sum3A_544 [0] : vector<576x128xf32> to vector<128xf32>
    %swap3A_546 = arith.constant 0 : index
    %swap3A_547 = arith.constant 0 : index
    %swap3A_548 = arith.constant 39 : index
    %swap3A_549 = arith.constant 0 : index
    %swap3A_550 = vector.load %arg5[%swap3A_546, %swap3A_547, %swap3A_548, %swap3A_549] : memref<1x1x72x128xf32, #tpu.memory_space<vmem>>, vector<1x1x1x128xf32>
    %swap3A_551 = vector.shape_cast %swap3A_550 : vector<1x1x1x128xf32> to vector<128xf32>
    %swap3A_552 = vector.shape_cast %reduce_sum3A_545 : vector<128xf32> to vector<1x1x1x128xf32>
    tpu.vector_store %arg5[%swap3A_546, %swap3A_547, %swap3A_548, %swap3A_549], %swap3A_552 {strides = array<i32>} : memref<1x1x72x128xf32, #tpu.memory_space<vmem>>, vector<1x1x1x128xf32>,
    %eq3A_553 = arith.constant 5 : i32
    %eq3A_554 = vector.broadcast %eq3A_553 : i32 to vector<576x128xi32>
    %eq3A_555 = arith.cmpi eq, %get3A_135, %eq3A_554 : vector<576x128xi32>
    %convert_element_type3A_556 = arith.extui %eq3A_555 : vector<576x128xi1> to vector<576x128xi32>
    %convert_element_type3A_557 = arith.sitofp %convert_element_type3A_556 : vector<576x128xi32> to vector<576x128xf32>
    %reduce_sum3A_558 = arith.constant dense<0.000000e+00> : vector<128xf32>
    %reduce_sum3A_559 = vector.multi_reduction <add>, %convert_element_type3A_557, %reduce_sum3A_558 [0] : vector<576x128xf32> to vector<128xf32>
    %swap3A_560 = arith.constant 0 : index
    %swap3A_561 = arith.constant 0 : index
    %swap3A_562 = arith.constant 40 : index
    %swap3A_563 = arith.constant 0 : index
    %swap3A_564 = vector.load %arg5[%swap3A_560, %swap3A_561, %swap3A_562, %swap3A_563] : memref<1x1x72x128xf32, #tpu.memory_space<vmem>>, vector<1x1x1x128xf32>
    %swap3A_565 = vector.shape_cast %swap3A_564 : vector<1x1x1x128xf32> to vector<128xf32>
    %swap3A_566 = vector.shape_cast %reduce_sum3A_559 : vector<128xf32> to vector<1x1x1x128xf32>
    tpu.vector_store %arg5[%swap3A_560, %swap3A_561, %swap3A_562, %swap3A_563], %swap3A_566 {strides = array<i32>} : memref<1x1x72x128xf32, #tpu.memory_space<vmem>>, vector<1x1x1x128xf32>,
    %mul3A_567 = arith.mulf %mul3A_105, %convert_element_type3A_557 : vector<576x128xf32>
    %reduce_sum3A_568 = arith.constant dense<0.000000e+00> : vector<128xf32>
    %reduce_sum3A_569 = vector.multi_reduction <add>, %mul3A_567, %reduce_sum3A_568 [0] : vector<576x128xf32> to vector<128xf32>
    %swap3A_570 = arith.constant 0 : index
    %swap3A_571 = arith.constant 0 : index
    %swap3A_572 = arith.constant 41 : index
    %swap3A_573 = arith.constant 0 : index
    %swap3A_574 = vector.load %arg5[%swap3A_570, %swap3A_571, %swap3A_572, %swap3A_573] : memref<1x1x72x128xf32, #tpu.memory_space<vmem>>, vector<1x1x1x128xf32>
    %swap3A_575 = vector.shape_cast %swap3A_574 : vector<1x1x1x128xf32> to vector<128xf32>
    %swap3A_576 = vector.shape_cast %reduce_sum3A_569 : vector<128xf32> to vector<1x1x1x128xf32>
    tpu.vector_store %arg5[%swap3A_570, %swap3A_571, %swap3A_572, %swap3A_573], %swap3A_576 {strides = array<i32>} : memref<1x1x72x128xf32, #tpu.memory_space<vmem>>, vector<1x1x1x128xf32>,
    %mul3A_577 = arith.mulf %mul3A_109, %convert_element_type3A_557 : vector<576x128xf32>
    %reduce_sum3A_578 = arith.constant dense<0.000000e+00> : vector<128xf32>
    %reduce_sum3A_579 = vector.multi_reduction <add>, %mul3A_577, %reduce_sum3A_578 [0] : vector<576x128xf32> to vector<128xf32>
    %swap3A_580 = arith.constant 0 : index
    %swap3A_581 = arith.constant 0 : index
    %swap3A_582 = arith.constant 42 : index
    %swap3A_583 = arith.constant 0 : index
    %swap3A_584 = vector.load %arg5[%swap3A_580, %swap3A_581, %swap3A_582, %swap3A_583] : memref<1x1x72x128xf32, #tpu.memory_space<vmem>>, vector<1x1x1x128xf32>
    %swap3A_585 = vector.shape_cast %swap3A_584 : vector<1x1x1x128xf32> to vector<128xf32>
    %swap3A_586 = vector.shape_cast %reduce_sum3A_579 : vector<128xf32> to vector<1x1x1x128xf32>
    tpu.vector_store %arg5[%swap3A_580, %swap3A_581, %swap3A_582, %swap3A_583], %swap3A_586 {strides = array<i32>} : memref<1x1x72x128xf32, #tpu.memory_space<vmem>>, vector<1x1x1x128xf32>,
    %mul3A_587 = arith.mulf %mul3A_113, %convert_element_type3A_557 : vector<576x128xf32>
    %reduce_sum3A_588 = arith.constant dense<0.000000e+00> : vector<128xf32>
    %reduce_sum3A_589 = vector.multi_reduction <add>, %mul3A_587, %reduce_sum3A_588 [0] : vector<576x128xf32> to vector<128xf32>
    %swap3A_590 = arith.constant 0 : index
    %swap3A_591 = arith.constant 0 : index
    %swap3A_592 = arith.constant 43 : index
    %swap3A_593 = arith.constant 0 : index
    %swap3A_594 = vector.load %arg5[%swap3A_590, %swap3A_591, %swap3A_592, %swap3A_593] : memref<1x1x72x128xf32, #tpu.memory_space<vmem>>, vector<1x1x1x128xf32>
    %swap3A_595 = vector.shape_cast %swap3A_594 : vector<1x1x1x128xf32> to vector<128xf32>
    %swap3A_596 = vector.shape_cast %reduce_sum3A_589 : vector<128xf32> to vector<1x1x1x128xf32>
    tpu.vector_store %arg5[%swap3A_590, %swap3A_591, %swap3A_592, %swap3A_593], %swap3A_596 {strides = array<i32>} : memref<1x1x72x128xf32, #tpu.memory_space<vmem>>, vector<1x1x1x128xf32>,
    %mul3A_597 = arith.mulf %get3A_118, %convert_element_type3A_557 : vector<576x128xf32>
    %reduce_sum3A_598 = arith.constant dense<0.000000e+00> : vector<128xf32>
    %reduce_sum3A_599 = vector.multi_reduction <add>, %mul3A_597, %reduce_sum3A_598 [0] : vector<576x128xf32> to vector<128xf32>
    %swap3A_600 = arith.constant 0 : index
    %swap3A_601 = arith.constant 0 : index
    %swap3A_602 = arith.constant 44 : index
    %swap3A_603 = arith.constant 0 : index
    %swap3A_604 = vector.load %arg5[%swap3A_600, %swap3A_601, %swap3A_602, %swap3A_603] : memref<1x1x72x128xf32, #tpu.memory_space<vmem>>, vector<1x1x1x128xf32>
    %swap3A_605 = vector.shape_cast %swap3A_604 : vector<1x1x1x128xf32> to vector<128xf32>
    %swap3A_606 = vector.shape_cast %reduce_sum3A_599 : vector<128xf32> to vector<1x1x1x128xf32>
    tpu.vector_store %arg5[%swap3A_600, %swap3A_601, %swap3A_602, %swap3A_603], %swap3A_606 {strides = array<i32>} : memref<1x1x72x128xf32, #tpu.memory_space<vmem>>, vector<1x1x1x128xf32>,
    %mul3A_607 = arith.mulf %get3A_124, %convert_element_type3A_557 : vector<576x128xf32>
    %reduce_sum3A_608 = arith.constant dense<0.000000e+00> : vector<128xf32>
    %reduce_sum3A_609 = vector.multi_reduction <add>, %mul3A_607, %reduce_sum3A_608 [0] : vector<576x128xf32> to vector<128xf32>
    %swap3A_610 = arith.constant 0 : index
    %swap3A_611 = arith.constant 0 : index
    %swap3A_612 = arith.constant 45 : index
    %swap3A_613 = arith.constant 0 : index
    %swap3A_614 = vector.load %arg5[%swap3A_610, %swap3A_611, %swap3A_612, %swap3A_613] : memref<1x1x72x128xf32, #tpu.memory_space<vmem>>, vector<1x1x1x128xf32>
    %swap3A_615 = vector.shape_cast %swap3A_614 : vector<1x1x1x128xf32> to vector<128xf32>
    %swap3A_616 = vector.shape_cast %reduce_sum3A_609 : vector<128xf32> to vector<1x1x1x128xf32>
    tpu.vector_store %arg5[%swap3A_610, %swap3A_611, %swap3A_612, %swap3A_613], %swap3A_616 {strides = array<i32>} : memref<1x1x72x128xf32, #tpu.memory_space<vmem>>, vector<1x1x1x128xf32>,
    %mul3A_617 = arith.mulf %get3A_130, %convert_element_type3A_557 : vector<576x128xf32>
    %reduce_sum3A_618 = arith.constant dense<0.000000e+00> : vector<128xf32>
    %reduce_sum3A_619 = vector.multi_reduction <add>, %mul3A_617, %reduce_sum3A_618 [0] : vector<576x128xf32> to vector<128xf32>
    %swap3A_620 = arith.constant 0 : index
    %swap3A_621 = arith.constant 0 : index
    %swap3A_622 = arith.constant 46 : index
    %swap3A_623 = arith.constant 0 : index
    %swap3A_624 = vector.load %arg5[%swap3A_620, %swap3A_621, %swap3A_622, %swap3A_623] : memref<1x1x72x128xf32, #tpu.memory_space<vmem>>, vector<1x1x1x128xf32>
    %swap3A_625 = vector.shape_cast %swap3A_624 : vector<1x1x1x128xf32> to vector<128xf32>
    %swap3A_626 = vector.shape_cast %reduce_sum3A_619 : vector<128xf32> to vector<1x1x1x128xf32>
    tpu.vector_store %arg5[%swap3A_620, %swap3A_621, %swap3A_622, %swap3A_623], %swap3A_626 {strides = array<i32>} : memref<1x1x72x128xf32, #tpu.memory_space<vmem>>, vector<1x1x1x128xf32>,
    %mul3A_627 = arith.mulf %mul3A_136, %convert_element_type3A_557 : vector<576x128xf32>
    %reduce_sum3A_628 = arith.constant dense<0.000000e+00> : vector<128xf32>
    %reduce_sum3A_629 = vector.multi_reduction <add>, %mul3A_627, %reduce_sum3A_628 [0] : vector<576x128xf32> to vector<128xf32>
    %swap3A_630 = arith.constant 0 : index
    %swap3A_631 = arith.constant 0 : index
    %swap3A_632 = arith.constant 47 : index
    %swap3A_633 = arith.constant 0 : index
    %swap3A_634 = vector.load %arg5[%swap3A_630, %swap3A_631, %swap3A_632, %swap3A_633] : memref<1x1x72x128xf32, #tpu.memory_space<vmem>>, vector<1x1x1x128xf32>
    %swap3A_635 = vector.shape_cast %swap3A_634 : vector<1x1x1x128xf32> to vector<128xf32>
    %swap3A_636 = vector.shape_cast %reduce_sum3A_629 : vector<128xf32> to vector<1x1x1x128xf32>
    tpu.vector_store %arg5[%swap3A_630, %swap3A_631, %swap3A_632, %swap3A_633], %swap3A_636 {strides = array<i32>} : memref<1x1x72x128xf32, #tpu.memory_space<vmem>>, vector<1x1x1x128xf32>,
    %mul3A_637 = arith.mulf %mul3A_137, %convert_element_type3A_557 : vector<576x128xf32>
    %reduce_sum3A_638 = arith.constant dense<0.000000e+00> : vector<128xf32>
    %reduce_sum3A_639 = vector.multi_reduction <add>, %mul3A_637, %reduce_sum3A_638 [0] : vector<576x128xf32> to vector<128xf32>
    %swap3A_640 = arith.constant 0 : index
    %swap3A_641 = arith.constant 0 : index
    %swap3A_642 = arith.constant 48 : index
    %swap3A_643 = arith.constant 0 : index
    %swap3A_644 = vector.load %arg5[%swap3A_640, %swap3A_641, %swap3A_642, %swap3A_643] : memref<1x1x72x128xf32, #tpu.memory_space<vmem>>, vector<1x1x1x128xf32>
    %swap3A_645 = vector.shape_cast %swap3A_644 : vector<1x1x1x128xf32> to vector<128xf32>
    %swap3A_646 = vector.shape_cast %reduce_sum3A_639 : vector<128xf32> to vector<1x1x1x128xf32>
    tpu.vector_store %arg5[%swap3A_640, %swap3A_641, %swap3A_642, %swap3A_643], %swap3A_646 {strides = array<i32>} : memref<1x1x72x128xf32, #tpu.memory_space<vmem>>, vector<1x1x1x128xf32>,
    %mul3A_647 = arith.mulf %mul3A_138, %convert_element_type3A_557 : vector<576x128xf32>
    %reduce_sum3A_648 = arith.constant dense<0.000000e+00> : vector<128xf32>
    %reduce_sum3A_649 = vector.multi_reduction <add>, %mul3A_647, %reduce_sum3A_648 [0] : vector<576x128xf32> to vector<128xf32>
    %swap3A_650 = arith.constant 0 : index
    %swap3A_651 = arith.constant 0 : index
    %swap3A_652 = arith.constant 49 : index
    %swap3A_653 = arith.constant 0 : index
    %swap3A_654 = vector.load %arg5[%swap3A_650, %swap3A_651, %swap3A_652, %swap3A_653] : memref<1x1x72x128xf32, #tpu.memory_space<vmem>>, vector<1x1x1x128xf32>
    %swap3A_655 = vector.shape_cast %swap3A_654 : vector<1x1x1x128xf32> to vector<128xf32>
    %swap3A_656 = vector.shape_cast %reduce_sum3A_649 : vector<128xf32> to vector<1x1x1x128xf32>
    tpu.vector_store %arg5[%swap3A_650, %swap3A_651, %swap3A_652, %swap3A_653], %swap3A_656 {strides = array<i32>} : memref<1x1x72x128xf32, #tpu.memory_space<vmem>>, vector<1x1x1x128xf32>,
    %eq3A_657 = arith.constant 6 : i32
    %eq3A_658 = vector.broadcast %eq3A_657 : i32 to vector<576x128xi32>
    %eq3A_659 = arith.cmpi eq, %get3A_135, %eq3A_658 : vector<576x128xi32>
    %convert_element_type3A_660 = arith.extui %eq3A_659 : vector<576x128xi1> to vector<576x128xi32>
    %convert_element_type3A_661 = arith.sitofp %convert_element_type3A_660 : vector<576x128xi32> to vector<576x128xf32>
    %reduce_sum3A_662 = arith.constant dense<0.000000e+00> : vector<128xf32>
    %reduce_sum3A_663 = vector.multi_reduction <add>, %convert_element_type3A_661, %reduce_sum3A_662 [0] : vector<576x128xf32> to vector<128xf32>
    %swap3A_664 = arith.constant 0 : index
    %swap3A_665 = arith.constant 0 : index
    %swap3A_666 = arith.constant 50 : index
    %swap3A_667 = arith.constant 0 : index
    %swap3A_668 = vector.load %arg5[%swap3A_664, %swap3A_665, %swap3A_666, %swap3A_667] : memref<1x1x72x128xf32, #tpu.memory_space<vmem>>, vector<1x1x1x128xf32>
    %swap3A_669 = vector.shape_cast %swap3A_668 : vector<1x1x1x128xf32> to vector<128xf32>
    %swap3A_670 = vector.shape_cast %reduce_sum3A_663 : vector<128xf32> to vector<1x1x1x128xf32>
    tpu.vector_store %arg5[%swap3A_664, %swap3A_665, %swap3A_666, %swap3A_667], %swap3A_670 {strides = array<i32>} : memref<1x1x72x128xf32, #tpu.memory_space<vmem>>, vector<1x1x1x128xf32>,
    %mul3A_671 = arith.mulf %mul3A_105, %convert_element_type3A_661 : vector<576x128xf32>
    %reduce_sum3A_672 = arith.constant dense<0.000000e+00> : vector<128xf32>
    %reduce_sum3A_673 = vector.multi_reduction <add>, %mul3A_671, %reduce_sum3A_672 [0] : vector<576x128xf32> to vector<128xf32>
    %swap3A_674 = arith.constant 0 : index
    %swap3A_675 = arith.constant 0 : index
    %swap3A_676 = arith.constant 51 : index
    %swap3A_677 = arith.constant 0 : index
    %swap3A_678 = vector.load %arg5[%swap3A_674, %swap3A_675, %swap3A_676, %swap3A_677] : memref<1x1x72x128xf32, #tpu.memory_space<vmem>>, vector<1x1x1x128xf32>
    %swap3A_679 = vector.shape_cast %swap3A_678 : vector<1x1x1x128xf32> to vector<128xf32>
    %swap3A_680 = vector.shape_cast %reduce_sum3A_673 : vector<128xf32> to vector<1x1x1x128xf32>
    tpu.vector_store %arg5[%swap3A_674, %swap3A_675, %swap3A_676, %swap3A_677], %swap3A_680 {strides = array<i32>} : memref<1x1x72x128xf32, #tpu.memory_space<vmem>>, vector<1x1x1x128xf32>,
    %mul3A_681 = arith.mulf %mul3A_109, %convert_element_type3A_661 : vector<576x128xf32>
    %reduce_sum3A_682 = arith.constant dense<0.000000e+00> : vector<128xf32>
    %reduce_sum3A_683 = vector.multi_reduction <add>, %mul3A_681, %reduce_sum3A_682 [0] : vector<576x128xf32> to vector<128xf32>
    %swap3A_684 = arith.constant 0 : index
    %swap3A_685 = arith.constant 0 : index
    %swap3A_686 = arith.constant 52 : index
    %swap3A_687 = arith.constant 0 : index
    %swap3A_688 = vector.load %arg5[%swap3A_684, %swap3A_685, %swap3A_686, %swap3A_687] : memref<1x1x72x128xf32, #tpu.memory_space<vmem>>, vector<1x1x1x128xf32>
    %swap3A_689 = vector.shape_cast %swap3A_688 : vector<1x1x1x128xf32> to vector<128xf32>
    %swap3A_690 = vector.shape_cast %reduce_sum3A_683 : vector<128xf32> to vector<1x1x1x128xf32>
    tpu.vector_store %arg5[%swap3A_684, %swap3A_685, %swap3A_686, %swap3A_687], %swap3A_690 {strides = array<i32>} : memref<1x1x72x128xf32, #tpu.memory_space<vmem>>, vector<1x1x1x128xf32>,
    %mul3A_691 = arith.mulf %mul3A_113, %convert_element_type3A_661 : vector<576x128xf32>
    %reduce_sum3A_692 = arith.constant dense<0.000000e+00> : vector<128xf32>
    %reduce_sum3A_693 = vector.multi_reduction <add>, %mul3A_691, %reduce_sum3A_692 [0] : vector<576x128xf32> to vector<128xf32>
    %swap3A_694 = arith.constant 0 : index
    %swap3A_695 = arith.constant 0 : index
    %swap3A_696 = arith.constant 53 : index
    %swap3A_697 = arith.constant 0 : index
    %swap3A_698 = vector.load %arg5[%swap3A_694, %swap3A_695, %swap3A_696, %swap3A_697] : memref<1x1x72x128xf32, #tpu.memory_space<vmem>>, vector<1x1x1x128xf32>
    %swap3A_699 = vector.shape_cast %swap3A_698 : vector<1x1x1x128xf32> to vector<128xf32>
    %swap3A_700 = vector.shape_cast %reduce_sum3A_693 : vector<128xf32> to vector<1x1x1x128xf32>
    tpu.vector_store %arg5[%swap3A_694, %swap3A_695, %swap3A_696, %swap3A_697], %swap3A_700 {strides = array<i32>} : memref<1x1x72x128xf32, #tpu.memory_space<vmem>>, vector<1x1x1x128xf32>,
    %mul3A_701 = arith.mulf %get3A_118, %convert_element_type3A_661 : vector<576x128xf32>
    %reduce_sum3A_702 = arith.constant dense<0.000000e+00> : vector<128xf32>
    %reduce_sum3A_703 = vector.multi_reduction <add>, %mul3A_701, %reduce_sum3A_702 [0] : vector<576x128xf32> to vector<128xf32>
    %swap3A_704 = arith.constant 0 : index
    %swap3A_705 = arith.constant 0 : index
    %swap3A_706 = arith.constant 54 : index
    %swap3A_707 = arith.constant 0 : index
    %swap3A_708 = vector.load %arg5[%swap3A_704, %swap3A_705, %swap3A_706, %swap3A_707] : memref<1x1x72x128xf32, #tpu.memory_space<vmem>>, vector<1x1x1x128xf32>
    %swap3A_709 = vector.shape_cast %swap3A_708 : vector<1x1x1x128xf32> to vector<128xf32>
    %swap3A_710 = vector.shape_cast %reduce_sum3A_703 : vector<128xf32> to vector<1x1x1x128xf32>
    tpu.vector_store %arg5[%swap3A_704, %swap3A_705, %swap3A_706, %swap3A_707], %swap3A_710 {strides = array<i32>} : memref<1x1x72x128xf32, #tpu.memory_space<vmem>>, vector<1x1x1x128xf32>,
    %mul3A_711 = arith.mulf %get3A_124, %convert_element_type3A_661 : vector<576x128xf32>
    %reduce_sum3A_712 = arith.constant dense<0.000000e+00> : vector<128xf32>
    %reduce_sum3A_713 = vector.multi_reduction <add>, %mul3A_711, %reduce_sum3A_712 [0] : vector<576x128xf32> to vector<128xf32>
    %swap3A_714 = arith.constant 0 : index
    %swap3A_715 = arith.constant 0 : index
    %swap3A_716 = arith.constant 55 : index
    %swap3A_717 = arith.constant 0 : index
    %swap3A_718 = vector.load %arg5[%swap3A_714, %swap3A_715, %swap3A_716, %swap3A_717] : memref<1x1x72x128xf32, #tpu.memory_space<vmem>>, vector<1x1x1x128xf32>
    %swap3A_719 = vector.shape_cast %swap3A_718 : vector<1x1x1x128xf32> to vector<128xf32>
    %swap3A_720 = vector.shape_cast %reduce_sum3A_713 : vector<128xf32> to vector<1x1x1x128xf32>
    tpu.vector_store %arg5[%swap3A_714, %swap3A_715, %swap3A_716, %swap3A_717], %swap3A_720 {strides = array<i32>} : memref<1x1x72x128xf32, #tpu.memory_space<vmem>>, vector<1x1x1x128xf32>,
    %mul3A_721 = arith.mulf %get3A_130, %convert_element_type3A_661 : vector<576x128xf32>
    %reduce_sum3A_722 = arith.constant dense<0.000000e+00> : vector<128xf32>
    %reduce_sum3A_723 = vector.multi_reduction <add>, %mul3A_721, %reduce_sum3A_722 [0] : vector<576x128xf32> to vector<128xf32>
    %swap3A_724 = arith.constant 0 : index
    %swap3A_725 = arith.constant 0 : index
    %swap3A_726 = arith.constant 56 : index
    %swap3A_727 = arith.constant 0 : index
    %swap3A_728 = vector.load %arg5[%swap3A_724, %swap3A_725, %swap3A_726, %swap3A_727] : memref<1x1x72x128xf32, #tpu.memory_space<vmem>>, vector<1x1x1x128xf32>
    %swap3A_729 = vector.shape_cast %swap3A_728 : vector<1x1x1x128xf32> to vector<128xf32>
    %swap3A_730 = vector.shape_cast %reduce_sum3A_723 : vector<128xf32> to vector<1x1x1x128xf32>
    tpu.vector_store %arg5[%swap3A_724, %swap3A_725, %swap3A_726, %swap3A_727], %swap3A_730 {strides = array<i32>} : memref<1x1x72x128xf32, #tpu.memory_space<vmem>>, vector<1x1x1x128xf32>,
    %mul3A_731 = arith.mulf %mul3A_136, %convert_element_type3A_661 : vector<576x128xf32>
    %reduce_sum3A_732 = arith.constant dense<0.000000e+00> : vector<128xf32>
    %reduce_sum3A_733 = vector.multi_reduction <add>, %mul3A_731, %reduce_sum3A_732 [0] : vector<576x128xf32> to vector<128xf32>
    %swap3A_734 = arith.constant 0 : index
    %swap3A_735 = arith.constant 0 : index
    %swap3A_736 = arith.constant 57 : index
    %swap3A_737 = arith.constant 0 : index
    %swap3A_738 = vector.load %arg5[%swap3A_734, %swap3A_735, %swap3A_736, %swap3A_737] : memref<1x1x72x128xf32, #tpu.memory_space<vmem>>, vector<1x1x1x128xf32>
    %swap3A_739 = vector.shape_cast %swap3A_738 : vector<1x1x1x128xf32> to vector<128xf32>
    %swap3A_740 = vector.shape_cast %reduce_sum3A_733 : vector<128xf32> to vector<1x1x1x128xf32>
    tpu.vector_store %arg5[%swap3A_734, %swap3A_735, %swap3A_736, %swap3A_737], %swap3A_740 {strides = array<i32>} : memref<1x1x72x128xf32, #tpu.memory_space<vmem>>, vector<1x1x1x128xf32>,
    %mul3A_741 = arith.mulf %mul3A_137, %convert_element_type3A_661 : vector<576x128xf32>
    %reduce_sum3A_742 = arith.constant dense<0.000000e+00> : vector<128xf32>
    %reduce_sum3A_743 = vector.multi_reduction <add>, %mul3A_741, %reduce_sum3A_742 [0] : vector<576x128xf32> to vector<128xf32>
    %swap3A_744 = arith.constant 0 : index
    %swap3A_745 = arith.constant 0 : index
    %swap3A_746 = arith.constant 58 : index
    %swap3A_747 = arith.constant 0 : index
    %swap3A_748 = vector.load %arg5[%swap3A_744, %swap3A_745, %swap3A_746, %swap3A_747] : memref<1x1x72x128xf32, #tpu.memory_space<vmem>>, vector<1x1x1x128xf32>
    %swap3A_749 = vector.shape_cast %swap3A_748 : vector<1x1x1x128xf32> to vector<128xf32>
    %swap3A_750 = vector.shape_cast %reduce_sum3A_743 : vector<128xf32> to vector<1x1x1x128xf32>
    tpu.vector_store %arg5[%swap3A_744, %swap3A_745, %swap3A_746, %swap3A_747], %swap3A_750 {strides = array<i32>} : memref<1x1x72x128xf32, #tpu.memory_space<vmem>>, vector<1x1x1x128xf32>,
    %mul3A_751 = arith.mulf %mul3A_138, %convert_element_type3A_661 : vector<576x128xf32>
    %reduce_sum3A_752 = arith.constant dense<0.000000e+00> : vector<128xf32>
    %reduce_sum3A_753 = vector.multi_reduction <add>, %mul3A_751, %reduce_sum3A_752 [0] : vector<576x128xf32> to vector<128xf32>
    %swap3A_754 = arith.constant 0 : index
    %swap3A_755 = arith.constant 0 : index
    %swap3A_756 = arith.constant 59 : index
    %swap3A_757 = arith.constant 0 : index
    %swap3A_758 = vector.load %arg5[%swap3A_754, %swap3A_755, %swap3A_756, %swap3A_757] : memref<1x1x72x128xf32, #tpu.memory_space<vmem>>, vector<1x1x1x128xf32>
    %swap3A_759 = vector.shape_cast %swap3A_758 : vector<1x1x1x128xf32> to vector<128xf32>
    %swap3A_760 = vector.shape_cast %reduce_sum3A_753 : vector<128xf32> to vector<1x1x1x128xf32>
    tpu.vector_store %arg5[%swap3A_754, %swap3A_755, %swap3A_756, %swap3A_757], %swap3A_760 {strides = array<i32>} : memref<1x1x72x128xf32, #tpu.memory_space<vmem>>, vector<1x1x1x128xf32>,
    %eq3A_761 = arith.constant 7 : i32
    %eq3A_762 = vector.broadcast %eq3A_761 : i32 to vector<576x128xi32>
    %eq3A_763 = arith.cmpi eq, %get3A_135, %eq3A_762 : vector<576x128xi32>
    %convert_element_type3A_764 = arith.extui %eq3A_763 : vector<576x128xi1> to vector<576x128xi32>
    %convert_element_type3A_765 = arith.sitofp %convert_element_type3A_764 : vector<576x128xi32> to vector<576x128xf32>
    %reduce_sum3A_766 = arith.constant dense<0.000000e+00> : vector<128xf32>
    %reduce_sum3A_767 = vector.multi_reduction <add>, %convert_element_type3A_765, %reduce_sum3A_766 [0] : vector<576x128xf32> to vector<128xf32>
    %swap3A_768 = arith.constant 0 : index
    %swap3A_769 = arith.constant 0 : index
    %swap3A_770 = arith.constant 60 : index
    %swap3A_771 = arith.constant 0 : index
    %swap3A_772 = vector.load %arg5[%swap3A_768, %swap3A_769, %swap3A_770, %swap3A_771] : memref<1x1x72x128xf32, #tpu.memory_space<vmem>>, vector<1x1x1x128xf32>
    %swap3A_773 = vector.shape_cast %swap3A_772 : vector<1x1x1x128xf32> to vector<128xf32>
    %swap3A_774 = vector.shape_cast %reduce_sum3A_767 : vector<128xf32> to vector<1x1x1x128xf32>
    tpu.vector_store %arg5[%swap3A_768, %swap3A_769, %swap3A_770, %swap3A_771], %swap3A_774 {strides = array<i32>} : memref<1x1x72x128xf32, #tpu.memory_space<vmem>>, vector<1x1x1x128xf32>,
    %mul3A_775 = arith.mulf %mul3A_105, %convert_element_type3A_765 : vector<576x128xf32>
    %reduce_sum3A_776 = arith.constant dense<0.000000e+00> : vector<128xf32>
    %reduce_sum3A_777 = vector.multi_reduction <add>, %mul3A_775, %reduce_sum3A_776 [0] : vector<576x128xf32> to vector<128xf32>
    %swap3A_778 = arith.constant 0 : index
    %swap3A_779 = arith.constant 0 : index
    %swap3A_780 = arith.constant 61 : index
    %swap3A_781 = arith.constant 0 : index
    %swap3A_782 = vector.load %arg5[%swap3A_778, %swap3A_779, %swap3A_780, %swap3A_781] : memref<1x1x72x128xf32, #tpu.memory_space<vmem>>, vector<1x1x1x128xf32>
    %swap3A_783 = vector.shape_cast %swap3A_782 : vector<1x1x1x128xf32> to vector<128xf32>
    %swap3A_784 = vector.shape_cast %reduce_sum3A_777 : vector<128xf32> to vector<1x1x1x128xf32>
    tpu.vector_store %arg5[%swap3A_778, %swap3A_779, %swap3A_780, %swap3A_781], %swap3A_784 {strides = array<i32>} : memref<1x1x72x128xf32, #tpu.memory_space<vmem>>, vector<1x1x1x128xf32>,
    %mul3A_785 = arith.mulf %mul3A_109, %convert_element_type3A_765 : vector<576x128xf32>
    %reduce_sum3A_786 = arith.constant dense<0.000000e+00> : vector<128xf32>
    %reduce_sum3A_787 = vector.multi_reduction <add>, %mul3A_785, %reduce_sum3A_786 [0] : vector<576x128xf32> to vector<128xf32>
    %swap3A_788 = arith.constant 0 : index
    %swap3A_789 = arith.constant 0 : index
    %swap3A_790 = arith.constant 62 : index
    %swap3A_791 = arith.constant 0 : index
    %swap3A_792 = vector.load %arg5[%swap3A_788, %swap3A_789, %swap3A_790, %swap3A_791] : memref<1x1x72x128xf32, #tpu.memory_space<vmem>>, vector<1x1x1x128xf32>
    %swap3A_793 = vector.shape_cast %swap3A_792 : vector<1x1x1x128xf32> to vector<128xf32>
    %swap3A_794 = vector.shape_cast %reduce_sum3A_787 : vector<128xf32> to vector<1x1x1x128xf32>
    tpu.vector_store %arg5[%swap3A_788, %swap3A_789, %swap3A_790, %swap3A_791], %swap3A_794 {strides = array<i32>} : memref<1x1x72x128xf32, #tpu.memory_space<vmem>>, vector<1x1x1x128xf32>,
    %mul3A_795 = arith.mulf %mul3A_113, %convert_element_type3A_765 : vector<576x128xf32>
    %reduce_sum3A_796 = arith.constant dense<0.000000e+00> : vector<128xf32>
    %reduce_sum3A_797 = vector.multi_reduction <add>, %mul3A_795, %reduce_sum3A_796 [0] : vector<576x128xf32> to vector<128xf32>
    %swap3A_798 = arith.constant 0 : index
    %swap3A_799 = arith.constant 0 : index
    %swap3A_800 = arith.constant 63 : index
    %swap3A_801 = arith.constant 0 : index
    %swap3A_802 = vector.load %arg5[%swap3A_798, %swap3A_799, %swap3A_800, %swap3A_801] : memref<1x1x72x128xf32, #tpu.memory_space<vmem>>, vector<1x1x1x128xf32>
    %swap3A_803 = vector.shape_cast %swap3A_802 : vector<1x1x1x128xf32> to vector<128xf32>
    %swap3A_804 = vector.shape_cast %reduce_sum3A_797 : vector<128xf32> to vector<1x1x1x128xf32>
    tpu.vector_store %arg5[%swap3A_798, %swap3A_799, %swap3A_800, %swap3A_801], %swap3A_804 {strides = array<i32>} : memref<1x1x72x128xf32, #tpu.memory_space<vmem>>, vector<1x1x1x128xf32>,
    %mul3A_805 = arith.mulf %get3A_118, %convert_element_type3A_765 : vector<576x128xf32>
    %reduce_sum3A_806 = arith.constant dense<0.000000e+00> : vector<128xf32>
    %reduce_sum3A_807 = vector.multi_reduction <add>, %mul3A_805, %reduce_sum3A_806 [0] : vector<576x128xf32> to vector<128xf32>
    %swap3A_808 = arith.constant 0 : index
    %swap3A_809 = arith.constant 0 : index
    %swap3A_810 = arith.constant 64 : index
    %swap3A_811 = arith.constant 0 : index
    %swap3A_812 = vector.load %arg5[%swap3A_808, %swap3A_809, %swap3A_810, %swap3A_811] : memref<1x1x72x128xf32, #tpu.memory_space<vmem>>, vector<1x1x1x128xf32>
    %swap3A_813 = vector.shape_cast %swap3A_812 : vector<1x1x1x128xf32> to vector<128xf32>
    %swap3A_814 = vector.shape_cast %reduce_sum3A_807 : vector<128xf32> to vector<1x1x1x128xf32>
    tpu.vector_store %arg5[%swap3A_808, %swap3A_809, %swap3A_810, %swap3A_811], %swap3A_814 {strides = array<i32>} : memref<1x1x72x128xf32, #tpu.memory_space<vmem>>, vector<1x1x1x128xf32>,
    %mul3A_815 = arith.mulf %get3A_124, %convert_element_type3A_765 : vector<576x128xf32>
    %reduce_sum3A_816 = arith.constant dense<0.000000e+00> : vector<128xf32>
    %reduce_sum3A_817 = vector.multi_reduction <add>, %mul3A_815, %reduce_sum3A_816 [0] : vector<576x128xf32> to vector<128xf32>
    %swap3A_818 = arith.constant 0 : index
    %swap3A_819 = arith.constant 0 : index
    %swap3A_820 = arith.constant 65 : index
    %swap3A_821 = arith.constant 0 : index
    %swap3A_822 = vector.load %arg5[%swap3A_818, %swap3A_819, %swap3A_820, %swap3A_821] : memref<1x1x72x128xf32, #tpu.memory_space<vmem>>, vector<1x1x1x128xf32>
    %swap3A_823 = vector.shape_cast %swap3A_822 : vector<1x1x1x128xf32> to vector<128xf32>
    %swap3A_824 = vector.shape_cast %reduce_sum3A_817 : vector<128xf32> to vector<1x1x1x128xf32>
    tpu.vector_store %arg5[%swap3A_818, %swap3A_819, %swap3A_820, %swap3A_821], %swap3A_824 {strides = array<i32>} : memref<1x1x72x128xf32, #tpu.memory_space<vmem>>, vector<1x1x1x128xf32>,
    %mul3A_825 = arith.mulf %get3A_130, %convert_element_type3A_765 : vector<576x128xf32>
    %reduce_sum3A_826 = arith.constant dense<0.000000e+00> : vector<128xf32>
    %reduce_sum3A_827 = vector.multi_reduction <add>, %mul3A_825, %reduce_sum3A_826 [0] : vector<576x128xf32> to vector<128xf32>
    %swap3A_828 = arith.constant 0 : index
    %swap3A_829 = arith.constant 0 : index
    %swap3A_830 = arith.constant 66 : index
    %swap3A_831 = arith.constant 0 : index
    %swap3A_832 = vector.load %arg5[%swap3A_828, %swap3A_829, %swap3A_830, %swap3A_831] : memref<1x1x72x128xf32, #tpu.memory_space<vmem>>, vector<1x1x1x128xf32>
    %swap3A_833 = vector.shape_cast %swap3A_832 : vector<1x1x1x128xf32> to vector<128xf32>
    %swap3A_834 = vector.shape_cast %reduce_sum3A_827 : vector<128xf32> to vector<1x1x1x128xf32>
    tpu.vector_store %arg5[%swap3A_828, %swap3A_829, %swap3A_830, %swap3A_831], %swap3A_834 {strides = array<i32>} : memref<1x1x72x128xf32, #tpu.memory_space<vmem>>, vector<1x1x1x128xf32>,
    %mul3A_835 = arith.mulf %mul3A_136, %convert_element_type3A_765 : vector<576x128xf32>
    %reduce_sum3A_836 = arith.constant dense<0.000000e+00> : vector<128xf32>
    %reduce_sum3A_837 = vector.multi_reduction <add>, %mul3A_835, %reduce_sum3A_836 [0] : vector<576x128xf32> to vector<128xf32>
    %swap3A_838 = arith.constant 0 : index
    %swap3A_839 = arith.constant 0 : index
    %swap3A_840 = arith.constant 67 : index
    %swap3A_841 = arith.constant 0 : index
    %swap3A_842 = vector.load %arg5[%swap3A_838, %swap3A_839, %swap3A_840, %swap3A_841] : memref<1x1x72x128xf32, #tpu.memory_space<vmem>>, vector<1x1x1x128xf32>
    %swap3A_843 = vector.shape_cast %swap3A_842 : vector<1x1x1x128xf32> to vector<128xf32>
    %swap3A_844 = vector.shape_cast %reduce_sum3A_837 : vector<128xf32> to vector<1x1x1x128xf32>
    tpu.vector_store %arg5[%swap3A_838, %swap3A_839, %swap3A_840, %swap3A_841], %swap3A_844 {strides = array<i32>} : memref<1x1x72x128xf32, #tpu.memory_space<vmem>>, vector<1x1x1x128xf32>,
    %mul3A_845 = arith.mulf %mul3A_137, %convert_element_type3A_765 : vector<576x128xf32>
    %reduce_sum3A_846 = arith.constant dense<0.000000e+00> : vector<128xf32>
    %reduce_sum3A_847 = vector.multi_reduction <add>, %mul3A_845, %reduce_sum3A_846 [0] : vector<576x128xf32> to vector<128xf32>
    %swap3A_848 = arith.constant 0 : index
    %swap3A_849 = arith.constant 0 : index
    %swap3A_850 = arith.constant 68 : index
    %swap3A_851 = arith.constant 0 : index
    %swap3A_852 = vector.load %arg5[%swap3A_848, %swap3A_849, %swap3A_850, %swap3A_851] : memref<1x1x72x128xf32, #tpu.memory_space<vmem>>, vector<1x1x1x128xf32>
    %swap3A_853 = vector.shape_cast %swap3A_852 : vector<1x1x1x128xf32> to vector<128xf32>
    %swap3A_854 = vector.shape_cast %reduce_sum3A_847 : vector<128xf32> to vector<1x1x1x128xf32>
    tpu.vector_store %arg5[%swap3A_848, %swap3A_849, %swap3A_850, %swap3A_851], %swap3A_854 {strides = array<i32>} : memref<1x1x72x128xf32, #tpu.memory_space<vmem>>, vector<1x1x1x128xf32>,
    %mul3A_855 = arith.mulf %mul3A_138, %convert_element_type3A_765 : vector<576x128xf32>
    %reduce_sum3A_856 = arith.constant dense<0.000000e+00> : vector<128xf32>
    %reduce_sum3A_857 = vector.multi_reduction <add>, %mul3A_855, %reduce_sum3A_856 [0] : vector<576x128xf32> to vector<128xf32>
    %swap3A_858 = arith.constant 0 : index
    %swap3A_859 = arith.constant 0 : index
    %swap3A_860 = arith.constant 69 : index
    %swap3A_861 = arith.constant 0 : index
    %swap3A_862 = vector.load %arg5[%swap3A_858, %swap3A_859, %swap3A_860, %swap3A_861] : memref<1x1x72x128xf32, #tpu.memory_space<vmem>>, vector<1x1x1x128xf32>
    %swap3A_863 = vector.shape_cast %swap3A_862 : vector<1x1x1x128xf32> to vector<128xf32>
    %swap3A_864 = vector.shape_cast %reduce_sum3A_857 : vector<128xf32> to vector<1x1x1x128xf32>
    tpu.vector_store %arg5[%swap3A_858, %swap3A_859, %swap3A_860, %swap3A_861], %swap3A_864 {strides = array<i32>} : memref<1x1x72x128xf32, #tpu.memory_space<vmem>>, vector<1x1x1x128xf32>,
    %get3A_865 = arith.constant 0 : index
    %get3A_866 = arith.constant 6 : index
    %get3A_867 = arith.constant 0 : index
    %get3A_868 = arith.constant 0 : index
    %get3A_869 = vector.load %arg2[%get3A_865, %get3A_866, %get3A_867, %get3A_868] : memref<1x7x576x128xf32, #tpu.memory_space<vmem>>, vector<1x1x576x128xf32>
    %get3A_870 = vector.shape_cast %get3A_869 : vector<1x1x576x128xf32> to vector<576x128xf32>
    %logistic3A = arith.negf %get3A_870 : vector<576x128xf32>
    %logistic3A_871 = math.exp %logistic3A : vector<576x128xf32>
    %logistic3A_872 = arith.constant 1.000000e+00 : f32
    %logistic3A_873 = vector.broadcast %logistic3A_872 : f32 to vector<576x128xf32>
    %logistic3A_874 = arith.addf %logistic3A_873, %logistic3A_871 : vector<576x128xf32>
    %logistic3A_875 = arith.divf %logistic3A_873, %logistic3A_874 : vector<576x128xf32>
    %get3A_876 = arith.constant 0 : index
    %get3A_877 = arith.constant 0 : index
    %get3A_878 = arith.constant 0 : index
    %get3A_879 = vector.load %arg4[%get3A_876, %get3A_877, %get3A_878] : memref<1x576x128xi32, #tpu.memory_space<vmem>>, vector<1x576x128xi32>
    %get3A_880 = vector.shape_cast %get3A_879 : vector<1x576x128xi32> to vector<576x128xi32>
    %eq3A_881 = arith.constant 0 : i32
    %eq3A_882 = vector.broadcast %eq3A_881 : i32 to vector<576x128xi32>
    %eq3A_883 = arith.cmpi eq, %get3A_880, %eq3A_882 : vector<576x128xi32>
    %convert_element_type3A_884 = arith.extui %eq3A_883 : vector<576x128xi1> to vector<576x128xi32>
    %convert_element_type3A_885 = arith.sitofp %convert_element_type3A_884 : vector<576x128xi32> to vector<576x128xf32>
    %mul3A_886 = arith.mulf %logistic3A_875, %logistic3A_875 : vector<576x128xf32>
    %mul3A_887 = arith.mulf %mul3A_886, %convert_element_type3A_885 : vector<576x128xf32>
    %reduce_sum3A_888 = arith.constant dense<0.000000e+00> : vector<128xf32>
    %reduce_sum3A_889 = vector.multi_reduction <add>, %mul3A_887, %reduce_sum3A_888 [0] : vector<576x128xf32> to vector<128xf32>
    %swap3A_890 = arith.constant 0 : index
    %swap3A_891 = arith.constant 0 : index
    %swap3A_892 = arith.constant 70 : index
    %swap3A_893 = arith.constant 0 : index
    %swap3A_894 = vector.load %arg5[%swap3A_890, %swap3A_891, %swap3A_892, %swap3A_893] : memref<1x1x72x128xf32, #tpu.memory_space<vmem>>, vector<1x1x1x128xf32>
    %swap3A_895 = vector.shape_cast %swap3A_894 : vector<1x1x1x128xf32> to vector<128xf32>
    %swap3A_896 = vector.shape_cast %reduce_sum3A_889 : vector<128xf32> to vector<1x1x1x128xf32>
    tpu.vector_store %arg5[%swap3A_890, %swap3A_891, %swap3A_892, %swap3A_893], %swap3A_896 {strides = array<i32>} : memref<1x1x72x128xf32, #tpu.memory_space<vmem>>, vector<1x1x1x128xf32>,
    %broadcast_in_dim3A = arith.constant 0.000000e+00 : f32
    %broadcast_in_dim3A_897 = vector.broadcast %broadcast_in_dim3A : f32 to vector<128xf32>
    %swap3A_898 = arith.constant 0 : index
    %swap3A_899 = arith.constant 0 : index
    %swap3A_900 = arith.constant 71 : index
    %swap3A_901 = arith.constant 0 : index
    %swap3A_902 = vector.load %arg5[%swap3A_898, %swap3A_899, %swap3A_900, %swap3A_901] : memref<1x1x72x128xf32, #tpu.memory_space<vmem>>, vector<1x1x1x128xf32>
    %swap3A_903 = vector.shape_cast %swap3A_902 : vector<1x1x1x128xf32> to vector<128xf32>
    %swap3A_904 = vector.shape_cast %broadcast_in_dim3A_897 : vector<128xf32> to vector<1x1x1x128xf32>
    tpu.vector_store %arg5[%swap3A_898, %swap3A_899, %swap3A_900, %swap3A_901], %swap3A_904 {strides = array<i32>} : memref<1x1x72x128xf32, #tpu.memory_space<vmem>>, vector<1x1x1x128xf32>,
    return
  }
  func.func @transform_0(%arg0: i32, %arg1: i32) -> (i32, i32, i32, i32) {
    %c0_i32 = arith.constant 0 : i32
    %c0_i32_0 = arith.constant 0 : i32
    %c0_i32_1 = arith.constant 0 : i32
    return %arg0, %c0_i32, %arg1, %c0_i32_0 : i32, i32, i32, i32
  }
  func.func @transform_1(%arg0: i32, %arg1: i32) -> (i32, i32, i32) {
    %c0_i32 = arith.constant 0 : i32
    %c0_i32_0 = arith.constant 0 : i32
    return %arg0, %arg1, %c0_i32 : i32, i32, i32
  }
  func.func @transform_2(%arg0: i32, %arg1: i32) -> (i32, i32, i32) {
    %c0_i32 = arith.constant 0 : i32
    %c0_i32_0 = arith.constant 0 : i32
    return %arg0, %arg1, %c0_i32 : i32, i32, i32
  }
  func.func @transform_3(%arg0: i32, %arg1: i32) -> (i32, i32, i32, i32) {
    %c0_i32 = arith.constant 0 : i32
    %c0_i32_0 = arith.constant 0 : i32
    %c0_i32_1 = arith.constant 0 : i32
    return %arg0, %arg1, %c0_i32, %c0_i32_0 : i32, i32, i32, i32
  }
}

module attributes {stable_mosaic.version = 14 : i64} {
  func.func @_bins_body(%arg0: i32, %arg1: i32, %arg2: memref<1x7x576x128xf32, #tpu.memory_space<vmem>>, %arg3: memref<1x576x128xi32, #tpu.memory_space<vmem>>, %arg4: memref<1x7x8xf32, #tpu.memory_space<smem>>, %arg5: memref<1x7x576x128xi16, #tpu.memory_space<vmem>>, %arg6: memref<1x1x8x128xf32, #tpu.memory_space<vmem>>) attributes {dimension_semantics = [#tpu.dimension_semantics<arbitrary>, #tpu.dimension_semantics<arbitrary>], iteration_bounds = array<i64: 2, 8>, scalar_prefetch = 0 : i64, scratch_operands = 0 : i64, tpu.core_type = #tpu.core_type<tc>, window_params = [{transform_indices = @transform_0, window_bounds = array<i64: 1, 7, 576, 128>}, {transform_indices = @transform_1, window_bounds = array<i64: 1, 576, 128>}, {transform_indices = @transform_2, window_bounds = array<i64: 1, 7, 8>}, {transform_indices = @transform_3, window_bounds = array<i64: 1, 7, 576, 128>}, {transform_indices = @transform_4, window_bounds = array<i64: 1, 1, 8, 128>}]} {
    %iota3A = tpu.iota {dimensions = array<i32: 0>} : vector<576x128xi32>
    %iota3A_0 = tpu.iota {dimensions = array<i32: 1>} : vector<576x128xi32>
    %mul3A = arith.constant 576 : i32
    %mul3A_1 = arith.muli %arg1, %mul3A : i32
    %add3A = vector.broadcast %mul3A_1 : i32 to vector<576x128xi32>
    %add3A_2 = arith.addi %add3A, %iota3A : vector<576x128xi32>
    %mul3A_3 = arith.constant 128 : i32
    %mul3A_4 = vector.broadcast %mul3A_3 : i32 to vector<576x128xi32>
    %mul3A_5 = arith.muli %add3A_2, %mul3A_4 : vector<576x128xi32>
    %add3A_6 = arith.addi %mul3A_5, %iota3A_0 : vector<576x128xi32>
    %jit3A = arith.constant 192 : i32
    %eq3A = arith.constant 0 : i32
    %eq3A_7 = arith.cmpi eq, %jit3A, %eq3A : i32
    %jit3A_8 = arith.constant 1 : i32
    %select_n3A = arith.select %eq3A_7, %jit3A_8, %jit3A : i32
    %rem3A = vector.broadcast %select_n3A : i32 to vector<576x128xi32>
    %rem3A_9 = arith.remsi %add3A_6, %rem3A : vector<576x128xi32>
    %ne3A = arith.constant 0 : i32
    %ne3A_10 = vector.broadcast %ne3A : i32 to vector<576x128xi32>
    %ne3A_11 = arith.cmpi ne, %rem3A_9, %ne3A_10 : vector<576x128xi32>
    %lt3A = arith.constant 0 : i32
    %lt3A_12 = vector.broadcast %lt3A : i32 to vector<576x128xi32>
    %lt3A_13 = arith.cmpi slt, %rem3A_9, %lt3A_12 : vector<576x128xi32>
    %lt3A_14 = arith.constant 0 : i32
    %lt3A_15 = arith.cmpi slt, %select_n3A, %lt3A_14 : i32
    %ne3A_16 = vector.broadcast %lt3A_15 : i1 to vector<576x128xi1>
    %ne3A_17 = vector.broadcast %ne3A_16 : vector<576x128xi1> to vector<576x128xi1>
    %ne3A_18 = arith.xori %lt3A_13, %ne3A_17 : vector<576x128xi1>
    %and3A = arith.andi %ne3A_18, %ne3A_11 : vector<576x128xi1>
    %add3A_19 = vector.broadcast %select_n3A : i32 to vector<576x128xi32>
    %add3A_20 = arith.addi %rem3A_9, %add3A_19 : vector<576x128xi32>
    %select_n3A_21 = arith.select %and3A, %add3A_20, %rem3A_9 : vector<576x128xi1>, vector<576x128xi32>
    %jit3A_22 = arith.constant 192 : i32
    %div3A = vector.broadcast %jit3A_22 : i32 to vector<576x128xi32>
    %div3A_23 = arith.divsi %add3A_6, %div3A : vector<576x128xi32>
    %sign3A = arith.constant 0 : i32
    %sign3A_24 = vector.broadcast %sign3A : i32 to vector<576x128xi32>
    %sign3A_25 = arith.cmpi sgt, %add3A_6, %sign3A_24 : vector<576x128xi32>
    %sign3A_26 = arith.extui %sign3A_25 : vector<576x128xi1> to vector<576x128xi32>
    %sign3A_27 = arith.constant 0 : i32
    %sign3A_28 = vector.broadcast %sign3A_27 : i32 to vector<576x128xi32>
    %sign3A_29 = arith.cmpi slt, %add3A_6, %sign3A_28 : vector<576x128xi32>
    %sign3A_30 = arith.extui %sign3A_29 : vector<576x128xi1> to vector<576x128xi32>
    %sign3A_31 = arith.subi %sign3A_26, %sign3A_30 : vector<576x128xi32>
    %sign3A_32 = arith.constant 0 : i32
    %sign3A_33 = arith.cmpi sgt, %jit3A_22, %sign3A_32 : i32
    %sign3A_34 = arith.extui %sign3A_33 : i1 to i32
    %sign3A_35 = arith.constant 0 : i32
    %sign3A_36 = arith.cmpi slt, %jit3A_22, %sign3A_35 : i32
    %sign3A_37 = arith.extui %sign3A_36 : i1 to i32
    %sign3A_38 = arith.subi %sign3A_34, %sign3A_37 : i32
    %ne3A_39 = vector.broadcast %sign3A_38 : i32 to vector<576x128xi32>
    %ne3A_40 = arith.cmpi ne, %sign3A_31, %ne3A_39 : vector<576x128xi32>
    %rem3A_41 = vector.broadcast %jit3A_22 : i32 to vector<576x128xi32>
    %rem3A_42 = arith.remsi %add3A_6, %rem3A_41 : vector<576x128xi32>
    %ne3A_43 = arith.constant 0 : i32
    %ne3A_44 = vector.broadcast %ne3A_43 : i32 to vector<576x128xi32>
    %ne3A_45 = arith.cmpi ne, %rem3A_42, %ne3A_44 : vector<576x128xi32>
    %and3A_46 = arith.andi %ne3A_40, %ne3A_45 : vector<576x128xi1>
    %sub3A = arith.constant 1 : i32
    %sub3A_47 = vector.broadcast %sub3A : i32 to vector<576x128xi32>
    %sub3A_48 = arith.subi %div3A_23, %sub3A_47 : vector<576x128xi32>
    %select_n3A_49 = arith.select %and3A_46, %sub3A_48, %div3A_23 : vector<576x128xi1>, vector<576x128xi32>
    %jit3A_50 = arith.constant 192 : i32
    %eq3A_51 = arith.constant 0 : i32
    %eq3A_52 = arith.cmpi eq, %jit3A_50, %eq3A_51 : i32
    %jit3A_53 = arith.constant 1 : i32
    %select_n3A_54 = arith.select %eq3A_52, %jit3A_53, %jit3A_50 : i32
    %rem3A_55 = vector.broadcast %select_n3A_54 : i32 to vector<576x128xi32>
    %rem3A_56 = arith.remsi %select_n3A_49, %rem3A_55 : vector<576x128xi32>
    %ne3A_57 = arith.constant 0 : i32
    %ne3A_58 = vector.broadcast %ne3A_57 : i32 to vector<576x128xi32>
    %ne3A_59 = arith.cmpi ne, %rem3A_56, %ne3A_58 : vector<576x128xi32>
    %lt3A_60 = arith.constant 0 : i32
    %lt3A_61 = vector.broadcast %lt3A_60 : i32 to vector<576x128xi32>
    %lt3A_62 = arith.cmpi slt, %rem3A_56, %lt3A_61 : vector<576x128xi32>
    %lt3A_63 = arith.constant 0 : i32
    %lt3A_64 = arith.cmpi slt, %select_n3A_54, %lt3A_63 : i32
    %ne3A_65 = vector.broadcast %lt3A_64 : i1 to vector<576x128xi1>
    %ne3A_66 = vector.broadcast %ne3A_65 : vector<576x128xi1> to vector<576x128xi1>
    %ne3A_67 = arith.xori %lt3A_62, %ne3A_66 : vector<576x128xi1>
    %and3A_68 = arith.andi %ne3A_67, %ne3A_59 : vector<576x128xi1>
    %add3A_69 = vector.broadcast %select_n3A_54 : i32 to vector<576x128xi32>
    %add3A_70 = arith.addi %rem3A_56, %add3A_69 : vector<576x128xi32>
    %select_n3A_71 = arith.select %and3A_68, %add3A_70, %rem3A_56 : vector<576x128xi1>, vector<576x128xi32>
    %jit3A_72 = arith.constant 36864 : i32
    %div3A_73 = vector.broadcast %jit3A_72 : i32 to vector<576x128xi32>
    %div3A_74 = arith.divsi %add3A_6, %div3A_73 : vector<576x128xi32>
    %sign3A_75 = arith.constant 0 : i32
    %sign3A_76 = vector.broadcast %sign3A_75 : i32 to vector<576x128xi32>
    %sign3A_77 = arith.cmpi sgt, %add3A_6, %sign3A_76 : vector<576x128xi32>
    %sign3A_78 = arith.extui %sign3A_77 : vector<576x128xi1> to vector<576x128xi32>
    %sign3A_79 = arith.constant 0 : i32
    %sign3A_80 = vector.broadcast %sign3A_79 : i32 to vector<576x128xi32>
    %sign3A_81 = arith.cmpi slt, %add3A_6, %sign3A_80 : vector<576x128xi32>
    %sign3A_82 = arith.extui %sign3A_81 : vector<576x128xi1> to vector<576x128xi32>
    %sign3A_83 = arith.subi %sign3A_78, %sign3A_82 : vector<576x128xi32>
    %sign3A_84 = arith.constant 0 : i32
    %sign3A_85 = arith.cmpi sgt, %jit3A_72, %sign3A_84 : i32
    %sign3A_86 = arith.extui %sign3A_85 : i1 to i32
    %sign3A_87 = arith.constant 0 : i32
    %sign3A_88 = arith.cmpi slt, %jit3A_72, %sign3A_87 : i32
    %sign3A_89 = arith.extui %sign3A_88 : i1 to i32
    %sign3A_90 = arith.subi %sign3A_86, %sign3A_89 : i32
    %ne3A_91 = vector.broadcast %sign3A_90 : i32 to vector<576x128xi32>
    %ne3A_92 = arith.cmpi ne, %sign3A_83, %ne3A_91 : vector<576x128xi32>
    %rem3A_93 = vector.broadcast %jit3A_72 : i32 to vector<576x128xi32>
    %rem3A_94 = arith.remsi %add3A_6, %rem3A_93 : vector<576x128xi32>
    %ne3A_95 = arith.constant 0 : i32
    %ne3A_96 = vector.broadcast %ne3A_95 : i32 to vector<576x128xi32>
    %ne3A_97 = arith.cmpi ne, %rem3A_94, %ne3A_96 : vector<576x128xi32>
    %and3A_98 = arith.andi %ne3A_92, %ne3A_97 : vector<576x128xi1>
    %sub3A_99 = arith.constant 1 : i32
    %sub3A_100 = vector.broadcast %sub3A_99 : i32 to vector<576x128xi32>
    %sub3A_101 = arith.subi %div3A_74, %sub3A_100 : vector<576x128xi32>
    %select_n3A_102 = arith.select %and3A_98, %sub3A_101, %div3A_74 : vector<576x128xi1>, vector<576x128xi32>
    %convert_element_type3A = arith.sitofp %select_n3A_21 : vector<576x128xi32> to vector<576x128xf32>
    %mul3A_103 = arith.constant 0.00392156886 : f32
    %mul3A_104 = vector.broadcast %mul3A_103 : f32 to vector<576x128xf32>
    %mul3A_105 = arith.mulf %convert_element_type3A, %mul3A_104 : vector<576x128xf32>
    %convert_element_type3A_106 = arith.sitofp %select_n3A_71 : vector<576x128xi32> to vector<576x128xf32>
    %mul3A_107 = arith.constant 0.00392156886 : f32
    %mul3A_108 = vector.broadcast %mul3A_107 : f32 to vector<576x128xf32>
    %mul3A_109 = arith.mulf %convert_element_type3A_106, %mul3A_108 : vector<576x128xf32>
    %convert_element_type3A_110 = arith.sitofp %select_n3A_102 : vector<576x128xi32> to vector<576x128xf32>
    %mul3A_111 = arith.constant 0.0322580636 : f32
    %mul3A_112 = vector.broadcast %mul3A_111 : f32 to vector<576x128xf32>
    %mul3A_113 = arith.mulf %convert_element_type3A_110, %mul3A_112 : vector<576x128xf32>
    %get3A = arith.constant 0 : index
    %get3A_114 = arith.constant 0 : index
    %get3A_115 = arith.constant 0 : index
    %get3A_116 = arith.constant 0 : index
    %get3A_117 = vector.load %arg2[%get3A, %get3A_114, %get3A_115, %get3A_116] : memref<1x7x576x128xf32, #tpu.memory_space<vmem>>, vector<1x1x576x128xf32>
    %get3A_118 = vector.shape_cast %get3A_117 : vector<1x1x576x128xf32> to vector<576x128xf32>
    %tanh3A = math.tanh %get3A_118 : vector<576x128xf32>
    %add3A_119 = arith.addf %tanh3A, %mul3A_105 : vector<576x128xf32>
    %get3A_120 = arith.constant 0 : index
    %get3A_121 = arith.constant 1 : index
    %get3A_122 = arith.constant 0 : index
    %get3A_123 = arith.constant 0 : index
    %get3A_124 = vector.load %arg2[%get3A_120, %get3A_121, %get3A_122, %get3A_123] : memref<1x7x576x128xf32, #tpu.memory_space<vmem>>, vector<1x1x576x128xf32>
    %get3A_125 = vector.shape_cast %get3A_124 : vector<1x1x576x128xf32> to vector<576x128xf32>
    %tanh3A_126 = math.tanh %get3A_125 : vector<576x128xf32>
    %add3A_127 = arith.addf %tanh3A_126, %mul3A_109 : vector<576x128xf32>
    %get3A_128 = arith.constant 0 : index
    %get3A_129 = arith.constant 2 : index
    %get3A_130 = arith.constant 0 : index
    %get3A_131 = arith.constant 0 : index
    %get3A_132 = vector.load %arg2[%get3A_128, %get3A_129, %get3A_130, %get3A_131] : memref<1x7x576x128xf32, #tpu.memory_space<vmem>>, vector<1x1x576x128xf32>
    %get3A_133 = vector.shape_cast %get3A_132 : vector<1x1x576x128xf32> to vector<576x128xf32>
    %tanh3A_134 = math.tanh %get3A_133 : vector<576x128xf32>
    %add3A_135 = arith.addf %tanh3A_134, %mul3A_113 : vector<576x128xf32>
    %get3A_136 = arith.constant 0 : index
    %get3A_137 = arith.constant 6 : index
    %get3A_138 = arith.constant 0 : index
    %get3A_139 = arith.constant 0 : index
    %get3A_140 = vector.load %arg2[%get3A_136, %get3A_137, %get3A_138, %get3A_139] : memref<1x7x576x128xf32, #tpu.memory_space<vmem>>, vector<1x1x576x128xf32>
    %get3A_141 = vector.shape_cast %get3A_140 : vector<1x1x576x128xf32> to vector<576x128xf32>
    %logistic3A = arith.negf %get3A_141 : vector<576x128xf32>
    %logistic3A_142 = math.exp %logistic3A : vector<576x128xf32>
    %logistic3A_143 = arith.constant 1.000000e+00 : f32
    %logistic3A_144 = vector.broadcast %logistic3A_143 : f32 to vector<576x128xf32>
    %logistic3A_145 = arith.addf %logistic3A_144, %logistic3A_142 : vector<576x128xf32>
    %logistic3A_146 = arith.divf %logistic3A_144, %logistic3A_145 : vector<576x128xf32>
    %get3A_147 = arith.constant 0 : index
    %get3A_148 = arith.constant 0 : index
    %get3A_149 = arith.constant 0 : index
    %get3A_150 = vector.load %arg3[%get3A_147, %get3A_148, %get3A_149] : memref<1x576x128xi32, #tpu.memory_space<vmem>>, vector<1x576x128xi32>
    %get3A_151 = vector.shape_cast %get3A_150 : vector<1x576x128xi32> to vector<576x128xi32>
    %mul3A_152 = arith.constant 7 : i32
    %mul3A_153 = arith.muli %arg0, %mul3A_152 : i32
    %get3A_154 = arith.constant 0 : index
    %get3A_155 = arith.constant 0 : index
    %get3A_156 = arith.constant 0 : index
    %get3A_157 = memref.load %arg4[%get3A_154, %get3A_155, %get3A_156] : memref<1x7x8xf32, #tpu.memory_space<smem>>
    %get3A_158 = arith.constant 0 : index
    %get3A_159 = arith.constant 0 : index
    %get3A_160 = arith.constant 1 : index
    %get3A_161 = memref.load %arg4[%get3A_158, %get3A_159, %get3A_160] : memref<1x7x8xf32, #tpu.memory_space<smem>>
    %get3A_162 = arith.constant 0 : index
    %get3A_163 = arith.constant 0 : index
    %get3A_164 = arith.constant 2 : index
    %get3A_165 = memref.load %arg4[%get3A_162, %get3A_163, %get3A_164] : memref<1x7x8xf32, #tpu.memory_space<smem>>
    %get3A_166 = arith.constant 0 : index
    %get3A_167 = arith.constant 0 : index
    %get3A_168 = arith.constant 3 : index
    %get3A_169 = memref.load %arg4[%get3A_166, %get3A_167, %get3A_168] : memref<1x7x8xf32, #tpu.memory_space<smem>>
    %get3A_170 = arith.constant 0 : index
    %get3A_171 = arith.constant 0 : index
    %get3A_172 = arith.constant 4 : index
    %get3A_173 = memref.load %arg4[%get3A_170, %get3A_171, %get3A_172] : memref<1x7x8xf32, #tpu.memory_space<smem>>
    %get3A_174 = arith.constant 0 : index
    %get3A_175 = arith.constant 0 : index
    %get3A_176 = arith.constant 5 : index
    %get3A_177 = memref.load %arg4[%get3A_174, %get3A_175, %get3A_176] : memref<1x7x8xf32, #tpu.memory_space<smem>>
    %sub3A_178 = vector.broadcast %get3A_157 : f32 to vector<576x128xf32>
    %sub3A_179 = arith.subf %add3A_119, %sub3A_178 : vector<576x128xf32>
    %integer_pow3A = arith.mulf %sub3A_179, %sub3A_179 : vector<576x128xf32>
    %mul3A_180 = vector.broadcast %get3A_169 : f32 to vector<576x128xf32>
    %mul3A_181 = arith.mulf %integer_pow3A, %mul3A_180 : vector<576x128xf32>
    %sub3A_182 = vector.broadcast %get3A_161 : f32 to vector<576x128xf32>
    %sub3A_183 = arith.subf %add3A_127, %sub3A_182 : vector<576x128xf32>
    %integer_pow3A_184 = arith.mulf %sub3A_183, %sub3A_183 : vector<576x128xf32>
    %mul3A_185 = vector.broadcast %get3A_173 : f32 to vector<576x128xf32>
    %mul3A_186 = arith.mulf %integer_pow3A_184, %mul3A_185 : vector<576x128xf32>
    %add3A_187 = arith.addf %mul3A_181, %mul3A_186 : vector<576x128xf32>
    %sub3A_188 = vector.broadcast %get3A_165 : f32 to vector<576x128xf32>
    %sub3A_189 = arith.subf %add3A_135, %sub3A_188 : vector<576x128xf32>
    %integer_pow3A_190 = arith.mulf %sub3A_189, %sub3A_189 : vector<576x128xf32>
    %mul3A_191 = vector.broadcast %get3A_177 : f32 to vector<576x128xf32>
    %mul3A_192 = arith.mulf %integer_pow3A_190, %mul3A_191 : vector<576x128xf32>
    %add3A_193 = arith.addf %add3A_187, %mul3A_192 : vector<576x128xf32>
    %neg3A = arith.constant 0.000000e+00 : f32
    %neg3A_194 = vector.broadcast %neg3A : f32 to vector<576x128xf32>
    %neg3A_195 = arith.subf %neg3A_194, %add3A_193 : vector<576x128xf32>
    %exp3A = math.exp %neg3A_195 : vector<576x128xf32>
    %eq3A_196 = arith.constant 1 : i32
    %eq3A_197 = vector.broadcast %eq3A_196 : i32 to vector<576x128xi32>
    %eq3A_198 = arith.cmpi eq, %get3A_151, %eq3A_197 : vector<576x128xi32>
    %mul3A_199 = arith.constant 1.024000e+03 : f32
    %mul3A_200 = vector.broadcast %mul3A_199 : f32 to vector<576x128xf32>
    %mul3A_201 = arith.mulf %exp3A, %mul3A_200 : vector<576x128xf32>
    %sub3A_202 = arith.constant 1.024000e+03 : f32
    %sub3A_203 = vector.broadcast %sub3A_202 : f32 to vector<576x128xf32>
    %sub3A_204 = arith.subf %sub3A_203, %mul3A_201 : vector<576x128xf32>
    %select_n3A_205 = arith.select %eq3A_198, %sub3A_204, %mul3A_201 : vector<576x128xi1>, vector<576x128xf32>
    %convert_element_type3A_206 = arith.fptosi %select_n3A_205 : vector<576x128xf32> to vector<576x128xi32>
    %min3A = arith.constant 1023 : i32
    %min3A_207 = vector.broadcast %min3A : i32 to vector<576x128xi32>
    %min3A_208 = arith.minsi %convert_element_type3A_206, %min3A_207 : vector<576x128xi32>
    %jit3A_209 = arith.constant 14336 : i32
    %jit3A_210 = arith.constant 0 : i32
    %broadcast_in_dim3A = vector.broadcast %jit3A_209 : i32 to vector<576x128xi32>
    %broadcast_in_dim3A_211 = vector.broadcast %jit3A_210 : i32 to vector<576x128xi32>
    %select_n3A_212 = arith.select %eq3A_198, %broadcast_in_dim3A, %broadcast_in_dim3A_211 : vector<576x128xi1>, vector<576x128xi32>
    %add3A_213 = arith.constant 0 : i32
    %add3A_214 = arith.addi %mul3A_153, %add3A_213 : i32
    %mul3A_215 = arith.constant 1024 : i32
    %mul3A_216 = arith.muli %add3A_214, %mul3A_215 : i32
    %add3A_217 = vector.broadcast %mul3A_216 : i32 to vector<576x128xi32>
    %add3A_218 = arith.addi %select_n3A_212, %add3A_217 : vector<576x128xi32>
    %add3A_219 = arith.addi %add3A_218, %min3A_208 : vector<576x128xi32>
    %convert_element_type3A_220 = arith.trunci %add3A_219 : vector<576x128xi32> to vector<576x128xi16>
    %swap3A = arith.constant 0 : index
    %swap3A_221 = arith.constant 0 : index
    %swap3A_222 = arith.constant 0 : index
    %swap3A_223 = arith.constant 0 : index
    %swap3A_224 = vector.load %arg5[%swap3A, %swap3A_221, %swap3A_222, %swap3A_223] : memref<1x7x576x128xi16, #tpu.memory_space<vmem>>, vector<1x1x576x128xi16>
    %swap3A_225 = vector.shape_cast %swap3A_224 : vector<1x1x576x128xi16> to vector<576x128xi16>
    %swap3A_226 = vector.shape_cast %convert_element_type3A_220 : vector<576x128xi16> to vector<1x1x576x128xi16>
    tpu.vector_store %arg5[%swap3A, %swap3A_221, %swap3A_222, %swap3A_223], %swap3A_226 {strides = array<i32>} : memref<1x7x576x128xi16, #tpu.memory_space<vmem>>, vector<1x1x576x128xi16>,
    %sub3A_227 = arith.subf %logistic3A_146, %exp3A : vector<576x128xf32>
    %integer_pow3A_228 = arith.mulf %sub3A_227, %sub3A_227 : vector<576x128xf32>
    %jit3A_229 = arith.constant 0.000000e+00 : f32
    %broadcast_in_dim3A_230 = vector.broadcast %jit3A_229 : f32 to vector<576x128xf32>
    %select_n3A_231 = arith.select %eq3A_198, %integer_pow3A_228, %broadcast_in_dim3A_230 : vector<576x128xi1>, vector<576x128xf32>
    %reduce_sum3A = arith.constant dense<0.000000e+00> : vector<128xf32>
    %reduce_sum3A_232 = vector.multi_reduction <add>, %select_n3A_231, %reduce_sum3A [0] : vector<576x128xf32> to vector<128xf32>
    %swap3A_233 = arith.constant 0 : index
    %swap3A_234 = arith.constant 0 : index
    %swap3A_235 = arith.constant 0 : index
    %swap3A_236 = arith.constant 0 : index
    %swap3A_237 = vector.load %arg6[%swap3A_233, %swap3A_234, %swap3A_235, %swap3A_236] : memref<1x1x8x128xf32, #tpu.memory_space<vmem>>, vector<1x1x1x128xf32>
    %swap3A_238 = vector.shape_cast %swap3A_237 : vector<1x1x1x128xf32> to vector<128xf32>
    %swap3A_239 = vector.shape_cast %reduce_sum3A_232 : vector<128xf32> to vector<1x1x1x128xf32>
    tpu.vector_store %arg6[%swap3A_233, %swap3A_234, %swap3A_235, %swap3A_236], %swap3A_239 {strides = array<i32>} : memref<1x1x8x128xf32, #tpu.memory_space<vmem>>, vector<1x1x1x128xf32>,
    %get3A_240 = arith.constant 0 : index
    %get3A_241 = arith.constant 1 : index
    %get3A_242 = arith.constant 0 : index
    %get3A_243 = memref.load %arg4[%get3A_240, %get3A_241, %get3A_242] : memref<1x7x8xf32, #tpu.memory_space<smem>>
    %get3A_244 = arith.constant 0 : index
    %get3A_245 = arith.constant 1 : index
    %get3A_246 = arith.constant 1 : index
    %get3A_247 = memref.load %arg4[%get3A_244, %get3A_245, %get3A_246] : memref<1x7x8xf32, #tpu.memory_space<smem>>
    %get3A_248 = arith.constant 0 : index
    %get3A_249 = arith.constant 1 : index
    %get3A_250 = arith.constant 2 : index
    %get3A_251 = memref.load %arg4[%get3A_248, %get3A_249, %get3A_250] : memref<1x7x8xf32, #tpu.memory_space<smem>>
    %get3A_252 = arith.constant 0 : index
    %get3A_253 = arith.constant 1 : index
    %get3A_254 = arith.constant 3 : index
    %get3A_255 = memref.load %arg4[%get3A_252, %get3A_253, %get3A_254] : memref<1x7x8xf32, #tpu.memory_space<smem>>
    %get3A_256 = arith.constant 0 : index
    %get3A_257 = arith.constant 1 : index
    %get3A_258 = arith.constant 4 : index
    %get3A_259 = memref.load %arg4[%get3A_256, %get3A_257, %get3A_258] : memref<1x7x8xf32, #tpu.memory_space<smem>>
    %get3A_260 = arith.constant 0 : index
    %get3A_261 = arith.constant 1 : index
    %get3A_262 = arith.constant 5 : index
    %get3A_263 = memref.load %arg4[%get3A_260, %get3A_261, %get3A_262] : memref<1x7x8xf32, #tpu.memory_space<smem>>
    %sub3A_264 = vector.broadcast %get3A_243 : f32 to vector<576x128xf32>
    %sub3A_265 = arith.subf %add3A_119, %sub3A_264 : vector<576x128xf32>
    %integer_pow3A_266 = arith.mulf %sub3A_265, %sub3A_265 : vector<576x128xf32>
    %mul3A_267 = vector.broadcast %get3A_255 : f32 to vector<576x128xf32>
    %mul3A_268 = arith.mulf %integer_pow3A_266, %mul3A_267 : vector<576x128xf32>
    %sub3A_269 = vector.broadcast %get3A_247 : f32 to vector<576x128xf32>
    %sub3A_270 = arith.subf %add3A_127, %sub3A_269 : vector<576x128xf32>
    %integer_pow3A_271 = arith.mulf %sub3A_270, %sub3A_270 : vector<576x128xf32>
    %mul3A_272 = vector.broadcast %get3A_259 : f32 to vector<576x128xf32>
    %mul3A_273 = arith.mulf %integer_pow3A_271, %mul3A_272 : vector<576x128xf32>
    %add3A_274 = arith.addf %mul3A_268, %mul3A_273 : vector<576x128xf32>
    %sub3A_275 = vector.broadcast %get3A_251 : f32 to vector<576x128xf32>
    %sub3A_276 = arith.subf %add3A_135, %sub3A_275 : vector<576x128xf32>
    %integer_pow3A_277 = arith.mulf %sub3A_276, %sub3A_276 : vector<576x128xf32>
    %mul3A_278 = vector.broadcast %get3A_263 : f32 to vector<576x128xf32>
    %mul3A_279 = arith.mulf %integer_pow3A_277, %mul3A_278 : vector<576x128xf32>
    %add3A_280 = arith.addf %add3A_274, %mul3A_279 : vector<576x128xf32>
    %neg3A_281 = arith.constant 0.000000e+00 : f32
    %neg3A_282 = vector.broadcast %neg3A_281 : f32 to vector<576x128xf32>
    %neg3A_283 = arith.subf %neg3A_282, %add3A_280 : vector<576x128xf32>
    %exp3A_284 = math.exp %neg3A_283 : vector<576x128xf32>
    %eq3A_285 = arith.constant 2 : i32
    %eq3A_286 = vector.broadcast %eq3A_285 : i32 to vector<576x128xi32>
    %eq3A_287 = arith.cmpi eq, %get3A_151, %eq3A_286 : vector<576x128xi32>
    %mul3A_288 = arith.constant 1.024000e+03 : f32
    %mul3A_289 = vector.broadcast %mul3A_288 : f32 to vector<576x128xf32>
    %mul3A_290 = arith.mulf %exp3A_284, %mul3A_289 : vector<576x128xf32>
    %sub3A_291 = arith.constant 1.024000e+03 : f32
    %sub3A_292 = vector.broadcast %sub3A_291 : f32 to vector<576x128xf32>
    %sub3A_293 = arith.subf %sub3A_292, %mul3A_290 : vector<576x128xf32>
    %select_n3A_294 = arith.select %eq3A_287, %sub3A_293, %mul3A_290 : vector<576x128xi1>, vector<576x128xf32>
    %convert_element_type3A_295 = arith.fptosi %select_n3A_294 : vector<576x128xf32> to vector<576x128xi32>
    %min3A_296 = arith.constant 1023 : i32
    %min3A_297 = vector.broadcast %min3A_296 : i32 to vector<576x128xi32>
    %min3A_298 = arith.minsi %convert_element_type3A_295, %min3A_297 : vector<576x128xi32>
    %jit3A_299 = arith.constant 14336 : i32
    %jit3A_300 = arith.constant 0 : i32
    %broadcast_in_dim3A_301 = vector.broadcast %jit3A_299 : i32 to vector<576x128xi32>
    %broadcast_in_dim3A_302 = vector.broadcast %jit3A_300 : i32 to vector<576x128xi32>
    %select_n3A_303 = arith.select %eq3A_287, %broadcast_in_dim3A_301, %broadcast_in_dim3A_302 : vector<576x128xi1>, vector<576x128xi32>
    %add3A_304 = arith.constant 1 : i32
    %add3A_305 = arith.addi %mul3A_153, %add3A_304 : i32
    %mul3A_306 = arith.constant 1024 : i32
    %mul3A_307 = arith.muli %add3A_305, %mul3A_306 : i32
    %add3A_308 = vector.broadcast %mul3A_307 : i32 to vector<576x128xi32>
    %add3A_309 = arith.addi %select_n3A_303, %add3A_308 : vector<576x128xi32>
    %add3A_310 = arith.addi %add3A_309, %min3A_298 : vector<576x128xi32>
    %convert_element_type3A_311 = arith.trunci %add3A_310 : vector<576x128xi32> to vector<576x128xi16>
    %swap3A_312 = arith.constant 0 : index
    %swap3A_313 = arith.constant 1 : index
    %swap3A_314 = arith.constant 0 : index
    %swap3A_315 = arith.constant 0 : index
    %swap3A_316 = vector.load %arg5[%swap3A_312, %swap3A_313, %swap3A_314, %swap3A_315] : memref<1x7x576x128xi16, #tpu.memory_space<vmem>>, vector<1x1x576x128xi16>
    %swap3A_317 = vector.shape_cast %swap3A_316 : vector<1x1x576x128xi16> to vector<576x128xi16>
    %swap3A_318 = vector.shape_cast %convert_element_type3A_311 : vector<576x128xi16> to vector<1x1x576x128xi16>
    tpu.vector_store %arg5[%swap3A_312, %swap3A_313, %swap3A_314, %swap3A_315], %swap3A_318 {strides = array<i32>} : memref<1x7x576x128xi16, #tpu.memory_space<vmem>>, vector<1x1x576x128xi16>,
    %sub3A_319 = arith.subf %logistic3A_146, %exp3A_284 : vector<576x128xf32>
    %integer_pow3A_320 = arith.mulf %sub3A_319, %sub3A_319 : vector<576x128xf32>
    %jit3A_321 = arith.constant 0.000000e+00 : f32
    %broadcast_in_dim3A_322 = vector.broadcast %jit3A_321 : f32 to vector<576x128xf32>
    %select_n3A_323 = arith.select %eq3A_287, %integer_pow3A_320, %broadcast_in_dim3A_322 : vector<576x128xi1>, vector<576x128xf32>
    %reduce_sum3A_324 = arith.constant dense<0.000000e+00> : vector<128xf32>
    %reduce_sum3A_325 = vector.multi_reduction <add>, %select_n3A_323, %reduce_sum3A_324 [0] : vector<576x128xf32> to vector<128xf32>
    %swap3A_326 = arith.constant 0 : index
    %swap3A_327 = arith.constant 0 : index
    %swap3A_328 = arith.constant 1 : index
    %swap3A_329 = arith.constant 0 : index
    %swap3A_330 = vector.load %arg6[%swap3A_326, %swap3A_327, %swap3A_328, %swap3A_329] : memref<1x1x8x128xf32, #tpu.memory_space<vmem>>, vector<1x1x1x128xf32>
    %swap3A_331 = vector.shape_cast %swap3A_330 : vector<1x1x1x128xf32> to vector<128xf32>
    %swap3A_332 = vector.shape_cast %reduce_sum3A_325 : vector<128xf32> to vector<1x1x1x128xf32>
    tpu.vector_store %arg6[%swap3A_326, %swap3A_327, %swap3A_328, %swap3A_329], %swap3A_332 {strides = array<i32>} : memref<1x1x8x128xf32, #tpu.memory_space<vmem>>, vector<1x1x1x128xf32>,
    %get3A_333 = arith.constant 0 : index
    %get3A_334 = arith.constant 2 : index
    %get3A_335 = arith.constant 0 : index
    %get3A_336 = memref.load %arg4[%get3A_333, %get3A_334, %get3A_335] : memref<1x7x8xf32, #tpu.memory_space<smem>>
    %get3A_337 = arith.constant 0 : index
    %get3A_338 = arith.constant 2 : index
    %get3A_339 = arith.constant 1 : index
    %get3A_340 = memref.load %arg4[%get3A_337, %get3A_338, %get3A_339] : memref<1x7x8xf32, #tpu.memory_space<smem>>
    %get3A_341 = arith.constant 0 : index
    %get3A_342 = arith.constant 2 : index
    %get3A_343 = arith.constant 2 : index
    %get3A_344 = memref.load %arg4[%get3A_341, %get3A_342, %get3A_343] : memref<1x7x8xf32, #tpu.memory_space<smem>>
    %get3A_345 = arith.constant 0 : index
    %get3A_346 = arith.constant 2 : index
    %get3A_347 = arith.constant 3 : index
    %get3A_348 = memref.load %arg4[%get3A_345, %get3A_346, %get3A_347] : memref<1x7x8xf32, #tpu.memory_space<smem>>
    %get3A_349 = arith.constant 0 : index
    %get3A_350 = arith.constant 2 : index
    %get3A_351 = arith.constant 4 : index
    %get3A_352 = memref.load %arg4[%get3A_349, %get3A_350, %get3A_351] : memref<1x7x8xf32, #tpu.memory_space<smem>>
    %get3A_353 = arith.constant 0 : index
    %get3A_354 = arith.constant 2 : index
    %get3A_355 = arith.constant 5 : index
    %get3A_356 = memref.load %arg4[%get3A_353, %get3A_354, %get3A_355] : memref<1x7x8xf32, #tpu.memory_space<smem>>
    %sub3A_357 = vector.broadcast %get3A_336 : f32 to vector<576x128xf32>
    %sub3A_358 = arith.subf %add3A_119, %sub3A_357 : vector<576x128xf32>
    %integer_pow3A_359 = arith.mulf %sub3A_358, %sub3A_358 : vector<576x128xf32>
    %mul3A_360 = vector.broadcast %get3A_348 : f32 to vector<576x128xf32>
    %mul3A_361 = arith.mulf %integer_pow3A_359, %mul3A_360 : vector<576x128xf32>
    %sub3A_362 = vector.broadcast %get3A_340 : f32 to vector<576x128xf32>
    %sub3A_363 = arith.subf %add3A_127, %sub3A_362 : vector<576x128xf32>
    %integer_pow3A_364 = arith.mulf %sub3A_363, %sub3A_363 : vector<576x128xf32>
    %mul3A_365 = vector.broadcast %get3A_352 : f32 to vector<576x128xf32>
    %mul3A_366 = arith.mulf %integer_pow3A_364, %mul3A_365 : vector<576x128xf32>
    %add3A_367 = arith.addf %mul3A_361, %mul3A_366 : vector<576x128xf32>
    %sub3A_368 = vector.broadcast %get3A_344 : f32 to vector<576x128xf32>
    %sub3A_369 = arith.subf %add3A_135, %sub3A_368 : vector<576x128xf32>
    %integer_pow3A_370 = arith.mulf %sub3A_369, %sub3A_369 : vector<576x128xf32>
    %mul3A_371 = vector.broadcast %get3A_356 : f32 to vector<576x128xf32>
    %mul3A_372 = arith.mulf %integer_pow3A_370, %mul3A_371 : vector<576x128xf32>
    %add3A_373 = arith.addf %add3A_367, %mul3A_372 : vector<576x128xf32>
    %neg3A_374 = arith.constant 0.000000e+00 : f32
    %neg3A_375 = vector.broadcast %neg3A_374 : f32 to vector<576x128xf32>
    %neg3A_376 = arith.subf %neg3A_375, %add3A_373 : vector<576x128xf32>
    %exp3A_377 = math.exp %neg3A_376 : vector<576x128xf32>
    %eq3A_378 = arith.constant 3 : i32
    %eq3A_379 = vector.broadcast %eq3A_378 : i32 to vector<576x128xi32>
    %eq3A_380 = arith.cmpi eq, %get3A_151, %eq3A_379 : vector<576x128xi32>
    %mul3A_381 = arith.constant 1.024000e+03 : f32
    %mul3A_382 = vector.broadcast %mul3A_381 : f32 to vector<576x128xf32>
    %mul3A_383 = arith.mulf %exp3A_377, %mul3A_382 : vector<576x128xf32>
    %sub3A_384 = arith.constant 1.024000e+03 : f32
    %sub3A_385 = vector.broadcast %sub3A_384 : f32 to vector<576x128xf32>
    %sub3A_386 = arith.subf %sub3A_385, %mul3A_383 : vector<576x128xf32>
    %select_n3A_387 = arith.select %eq3A_380, %sub3A_386, %mul3A_383 : vector<576x128xi1>, vector<576x128xf32>
    %convert_element_type3A_388 = arith.fptosi %select_n3A_387 : vector<576x128xf32> to vector<576x128xi32>
    %min3A_389 = arith.constant 1023 : i32
    %min3A_390 = vector.broadcast %min3A_389 : i32 to vector<576x128xi32>
    %min3A_391 = arith.minsi %convert_element_type3A_388, %min3A_390 : vector<576x128xi32>
    %jit3A_392 = arith.constant 14336 : i32
    %jit3A_393 = arith.constant 0 : i32
    %broadcast_in_dim3A_394 = vector.broadcast %jit3A_392 : i32 to vector<576x128xi32>
    %broadcast_in_dim3A_395 = vector.broadcast %jit3A_393 : i32 to vector<576x128xi32>
    %select_n3A_396 = arith.select %eq3A_380, %broadcast_in_dim3A_394, %broadcast_in_dim3A_395 : vector<576x128xi1>, vector<576x128xi32>
    %add3A_397 = arith.constant 2 : i32
    %add3A_398 = arith.addi %mul3A_153, %add3A_397 : i32
    %mul3A_399 = arith.constant 1024 : i32
    %mul3A_400 = arith.muli %add3A_398, %mul3A_399 : i32
    %add3A_401 = vector.broadcast %mul3A_400 : i32 to vector<576x128xi32>
    %add3A_402 = arith.addi %select_n3A_396, %add3A_401 : vector<576x128xi32>
    %add3A_403 = arith.addi %add3A_402, %min3A_391 : vector<576x128xi32>
    %convert_element_type3A_404 = arith.trunci %add3A_403 : vector<576x128xi32> to vector<576x128xi16>
    %swap3A_405 = arith.constant 0 : index
    %swap3A_406 = arith.constant 2 : index
    %swap3A_407 = arith.constant 0 : index
    %swap3A_408 = arith.constant 0 : index
    %swap3A_409 = vector.load %arg5[%swap3A_405, %swap3A_406, %swap3A_407, %swap3A_408] : memref<1x7x576x128xi16, #tpu.memory_space<vmem>>, vector<1x1x576x128xi16>
    %swap3A_410 = vector.shape_cast %swap3A_409 : vector<1x1x576x128xi16> to vector<576x128xi16>
    %swap3A_411 = vector.shape_cast %convert_element_type3A_404 : vector<576x128xi16> to vector<1x1x576x128xi16>
    tpu.vector_store %arg5[%swap3A_405, %swap3A_406, %swap3A_407, %swap3A_408], %swap3A_411 {strides = array<i32>} : memref<1x7x576x128xi16, #tpu.memory_space<vmem>>, vector<1x1x576x128xi16>,
    %sub3A_412 = arith.subf %logistic3A_146, %exp3A_377 : vector<576x128xf32>
    %integer_pow3A_413 = arith.mulf %sub3A_412, %sub3A_412 : vector<576x128xf32>
    %jit3A_414 = arith.constant 0.000000e+00 : f32
    %broadcast_in_dim3A_415 = vector.broadcast %jit3A_414 : f32 to vector<576x128xf32>
    %select_n3A_416 = arith.select %eq3A_380, %integer_pow3A_413, %broadcast_in_dim3A_415 : vector<576x128xi1>, vector<576x128xf32>
    %reduce_sum3A_417 = arith.constant dense<0.000000e+00> : vector<128xf32>
    %reduce_sum3A_418 = vector.multi_reduction <add>, %select_n3A_416, %reduce_sum3A_417 [0] : vector<576x128xf32> to vector<128xf32>
    %swap3A_419 = arith.constant 0 : index
    %swap3A_420 = arith.constant 0 : index
    %swap3A_421 = arith.constant 2 : index
    %swap3A_422 = arith.constant 0 : index
    %swap3A_423 = vector.load %arg6[%swap3A_419, %swap3A_420, %swap3A_421, %swap3A_422] : memref<1x1x8x128xf32, #tpu.memory_space<vmem>>, vector<1x1x1x128xf32>
    %swap3A_424 = vector.shape_cast %swap3A_423 : vector<1x1x1x128xf32> to vector<128xf32>
    %swap3A_425 = vector.shape_cast %reduce_sum3A_418 : vector<128xf32> to vector<1x1x1x128xf32>
    tpu.vector_store %arg6[%swap3A_419, %swap3A_420, %swap3A_421, %swap3A_422], %swap3A_425 {strides = array<i32>} : memref<1x1x8x128xf32, #tpu.memory_space<vmem>>, vector<1x1x1x128xf32>,
    %get3A_426 = arith.constant 0 : index
    %get3A_427 = arith.constant 3 : index
    %get3A_428 = arith.constant 0 : index
    %get3A_429 = memref.load %arg4[%get3A_426, %get3A_427, %get3A_428] : memref<1x7x8xf32, #tpu.memory_space<smem>>
    %get3A_430 = arith.constant 0 : index
    %get3A_431 = arith.constant 3 : index
    %get3A_432 = arith.constant 1 : index
    %get3A_433 = memref.load %arg4[%get3A_430, %get3A_431, %get3A_432] : memref<1x7x8xf32, #tpu.memory_space<smem>>
    %get3A_434 = arith.constant 0 : index
    %get3A_435 = arith.constant 3 : index
    %get3A_436 = arith.constant 2 : index
    %get3A_437 = memref.load %arg4[%get3A_434, %get3A_435, %get3A_436] : memref<1x7x8xf32, #tpu.memory_space<smem>>
    %get3A_438 = arith.constant 0 : index
    %get3A_439 = arith.constant 3 : index
    %get3A_440 = arith.constant 3 : index
    %get3A_441 = memref.load %arg4[%get3A_438, %get3A_439, %get3A_440] : memref<1x7x8xf32, #tpu.memory_space<smem>>
    %get3A_442 = arith.constant 0 : index
    %get3A_443 = arith.constant 3 : index
    %get3A_444 = arith.constant 4 : index
    %get3A_445 = memref.load %arg4[%get3A_442, %get3A_443, %get3A_444] : memref<1x7x8xf32, #tpu.memory_space<smem>>
    %get3A_446 = arith.constant 0 : index
    %get3A_447 = arith.constant 3 : index
    %get3A_448 = arith.constant 5 : index
    %get3A_449 = memref.load %arg4[%get3A_446, %get3A_447, %get3A_448] : memref<1x7x8xf32, #tpu.memory_space<smem>>
    %sub3A_450 = vector.broadcast %get3A_429 : f32 to vector<576x128xf32>
    %sub3A_451 = arith.subf %add3A_119, %sub3A_450 : vector<576x128xf32>
    %integer_pow3A_452 = arith.mulf %sub3A_451, %sub3A_451 : vector<576x128xf32>
    %mul3A_453 = vector.broadcast %get3A_441 : f32 to vector<576x128xf32>
    %mul3A_454 = arith.mulf %integer_pow3A_452, %mul3A_453 : vector<576x128xf32>
    %sub3A_455 = vector.broadcast %get3A_433 : f32 to vector<576x128xf32>
    %sub3A_456 = arith.subf %add3A_127, %sub3A_455 : vector<576x128xf32>
    %integer_pow3A_457 = arith.mulf %sub3A_456, %sub3A_456 : vector<576x128xf32>
    %mul3A_458 = vector.broadcast %get3A_445 : f32 to vector<576x128xf32>
    %mul3A_459 = arith.mulf %integer_pow3A_457, %mul3A_458 : vector<576x128xf32>
    %add3A_460 = arith.addf %mul3A_454, %mul3A_459 : vector<576x128xf32>
    %sub3A_461 = vector.broadcast %get3A_437 : f32 to vector<576x128xf32>
    %sub3A_462 = arith.subf %add3A_135, %sub3A_461 : vector<576x128xf32>
    %integer_pow3A_463 = arith.mulf %sub3A_462, %sub3A_462 : vector<576x128xf32>
    %mul3A_464 = vector.broadcast %get3A_449 : f32 to vector<576x128xf32>
    %mul3A_465 = arith.mulf %integer_pow3A_463, %mul3A_464 : vector<576x128xf32>
    %add3A_466 = arith.addf %add3A_460, %mul3A_465 : vector<576x128xf32>
    %neg3A_467 = arith.constant 0.000000e+00 : f32
    %neg3A_468 = vector.broadcast %neg3A_467 : f32 to vector<576x128xf32>
    %neg3A_469 = arith.subf %neg3A_468, %add3A_466 : vector<576x128xf32>
    %exp3A_470 = math.exp %neg3A_469 : vector<576x128xf32>
    %eq3A_471 = arith.constant 4 : i32
    %eq3A_472 = vector.broadcast %eq3A_471 : i32 to vector<576x128xi32>
    %eq3A_473 = arith.cmpi eq, %get3A_151, %eq3A_472 : vector<576x128xi32>
    %mul3A_474 = arith.constant 1.024000e+03 : f32
    %mul3A_475 = vector.broadcast %mul3A_474 : f32 to vector<576x128xf32>
    %mul3A_476 = arith.mulf %exp3A_470, %mul3A_475 : vector<576x128xf32>
    %sub3A_477 = arith.constant 1.024000e+03 : f32
    %sub3A_478 = vector.broadcast %sub3A_477 : f32 to vector<576x128xf32>
    %sub3A_479 = arith.subf %sub3A_478, %mul3A_476 : vector<576x128xf32>
    %select_n3A_480 = arith.select %eq3A_473, %sub3A_479, %mul3A_476 : vector<576x128xi1>, vector<576x128xf32>
    %convert_element_type3A_481 = arith.fptosi %select_n3A_480 : vector<576x128xf32> to vector<576x128xi32>
    %min3A_482 = arith.constant 1023 : i32
    %min3A_483 = vector.broadcast %min3A_482 : i32 to vector<576x128xi32>
    %min3A_484 = arith.minsi %convert_element_type3A_481, %min3A_483 : vector<576x128xi32>
    %jit3A_485 = arith.constant 14336 : i32
    %jit3A_486 = arith.constant 0 : i32
    %broadcast_in_dim3A_487 = vector.broadcast %jit3A_485 : i32 to vector<576x128xi32>
    %broadcast_in_dim3A_488 = vector.broadcast %jit3A_486 : i32 to vector<576x128xi32>
    %select_n3A_489 = arith.select %eq3A_473, %broadcast_in_dim3A_487, %broadcast_in_dim3A_488 : vector<576x128xi1>, vector<576x128xi32>
    %add3A_490 = arith.constant 3 : i32
    %add3A_491 = arith.addi %mul3A_153, %add3A_490 : i32
    %mul3A_492 = arith.constant 1024 : i32
    %mul3A_493 = arith.muli %add3A_491, %mul3A_492 : i32
    %add3A_494 = vector.broadcast %mul3A_493 : i32 to vector<576x128xi32>
    %add3A_495 = arith.addi %select_n3A_489, %add3A_494 : vector<576x128xi32>
    %add3A_496 = arith.addi %add3A_495, %min3A_484 : vector<576x128xi32>
    %convert_element_type3A_497 = arith.trunci %add3A_496 : vector<576x128xi32> to vector<576x128xi16>
    %swap3A_498 = arith.constant 0 : index
    %swap3A_499 = arith.constant 3 : index
    %swap3A_500 = arith.constant 0 : index
    %swap3A_501 = arith.constant 0 : index
    %swap3A_502 = vector.load %arg5[%swap3A_498, %swap3A_499, %swap3A_500, %swap3A_501] : memref<1x7x576x128xi16, #tpu.memory_space<vmem>>, vector<1x1x576x128xi16>
    %swap3A_503 = vector.shape_cast %swap3A_502 : vector<1x1x576x128xi16> to vector<576x128xi16>
    %swap3A_504 = vector.shape_cast %convert_element_type3A_497 : vector<576x128xi16> to vector<1x1x576x128xi16>
    tpu.vector_store %arg5[%swap3A_498, %swap3A_499, %swap3A_500, %swap3A_501], %swap3A_504 {strides = array<i32>} : memref<1x7x576x128xi16, #tpu.memory_space<vmem>>, vector<1x1x576x128xi16>,
    %sub3A_505 = arith.subf %logistic3A_146, %exp3A_470 : vector<576x128xf32>
    %integer_pow3A_506 = arith.mulf %sub3A_505, %sub3A_505 : vector<576x128xf32>
    %jit3A_507 = arith.constant 0.000000e+00 : f32
    %broadcast_in_dim3A_508 = vector.broadcast %jit3A_507 : f32 to vector<576x128xf32>
    %select_n3A_509 = arith.select %eq3A_473, %integer_pow3A_506, %broadcast_in_dim3A_508 : vector<576x128xi1>, vector<576x128xf32>
    %reduce_sum3A_510 = arith.constant dense<0.000000e+00> : vector<128xf32>
    %reduce_sum3A_511 = vector.multi_reduction <add>, %select_n3A_509, %reduce_sum3A_510 [0] : vector<576x128xf32> to vector<128xf32>
    %swap3A_512 = arith.constant 0 : index
    %swap3A_513 = arith.constant 0 : index
    %swap3A_514 = arith.constant 3 : index
    %swap3A_515 = arith.constant 0 : index
    %swap3A_516 = vector.load %arg6[%swap3A_512, %swap3A_513, %swap3A_514, %swap3A_515] : memref<1x1x8x128xf32, #tpu.memory_space<vmem>>, vector<1x1x1x128xf32>
    %swap3A_517 = vector.shape_cast %swap3A_516 : vector<1x1x1x128xf32> to vector<128xf32>
    %swap3A_518 = vector.shape_cast %reduce_sum3A_511 : vector<128xf32> to vector<1x1x1x128xf32>
    tpu.vector_store %arg6[%swap3A_512, %swap3A_513, %swap3A_514, %swap3A_515], %swap3A_518 {strides = array<i32>} : memref<1x1x8x128xf32, #tpu.memory_space<vmem>>, vector<1x1x1x128xf32>,
    %get3A_519 = arith.constant 0 : index
    %get3A_520 = arith.constant 4 : index
    %get3A_521 = arith.constant 0 : index
    %get3A_522 = memref.load %arg4[%get3A_519, %get3A_520, %get3A_521] : memref<1x7x8xf32, #tpu.memory_space<smem>>
    %get3A_523 = arith.constant 0 : index
    %get3A_524 = arith.constant 4 : index
    %get3A_525 = arith.constant 1 : index
    %get3A_526 = memref.load %arg4[%get3A_523, %get3A_524, %get3A_525] : memref<1x7x8xf32, #tpu.memory_space<smem>>
    %get3A_527 = arith.constant 0 : index
    %get3A_528 = arith.constant 4 : index
    %get3A_529 = arith.constant 2 : index
    %get3A_530 = memref.load %arg4[%get3A_527, %get3A_528, %get3A_529] : memref<1x7x8xf32, #tpu.memory_space<smem>>
    %get3A_531 = arith.constant 0 : index
    %get3A_532 = arith.constant 4 : index
    %get3A_533 = arith.constant 3 : index
    %get3A_534 = memref.load %arg4[%get3A_531, %get3A_532, %get3A_533] : memref<1x7x8xf32, #tpu.memory_space<smem>>
    %get3A_535 = arith.constant 0 : index
    %get3A_536 = arith.constant 4 : index
    %get3A_537 = arith.constant 4 : index
    %get3A_538 = memref.load %arg4[%get3A_535, %get3A_536, %get3A_537] : memref<1x7x8xf32, #tpu.memory_space<smem>>
    %get3A_539 = arith.constant 0 : index
    %get3A_540 = arith.constant 4 : index
    %get3A_541 = arith.constant 5 : index
    %get3A_542 = memref.load %arg4[%get3A_539, %get3A_540, %get3A_541] : memref<1x7x8xf32, #tpu.memory_space<smem>>
    %sub3A_543 = vector.broadcast %get3A_522 : f32 to vector<576x128xf32>
    %sub3A_544 = arith.subf %add3A_119, %sub3A_543 : vector<576x128xf32>
    %integer_pow3A_545 = arith.mulf %sub3A_544, %sub3A_544 : vector<576x128xf32>
    %mul3A_546 = vector.broadcast %get3A_534 : f32 to vector<576x128xf32>
    %mul3A_547 = arith.mulf %integer_pow3A_545, %mul3A_546 : vector<576x128xf32>
    %sub3A_548 = vector.broadcast %get3A_526 : f32 to vector<576x128xf32>
    %sub3A_549 = arith.subf %add3A_127, %sub3A_548 : vector<576x128xf32>
    %integer_pow3A_550 = arith.mulf %sub3A_549, %sub3A_549 : vector<576x128xf32>
    %mul3A_551 = vector.broadcast %get3A_538 : f32 to vector<576x128xf32>
    %mul3A_552 = arith.mulf %integer_pow3A_550, %mul3A_551 : vector<576x128xf32>
    %add3A_553 = arith.addf %mul3A_547, %mul3A_552 : vector<576x128xf32>
    %sub3A_554 = vector.broadcast %get3A_530 : f32 to vector<576x128xf32>
    %sub3A_555 = arith.subf %add3A_135, %sub3A_554 : vector<576x128xf32>
    %integer_pow3A_556 = arith.mulf %sub3A_555, %sub3A_555 : vector<576x128xf32>
    %mul3A_557 = vector.broadcast %get3A_542 : f32 to vector<576x128xf32>
    %mul3A_558 = arith.mulf %integer_pow3A_556, %mul3A_557 : vector<576x128xf32>
    %add3A_559 = arith.addf %add3A_553, %mul3A_558 : vector<576x128xf32>
    %neg3A_560 = arith.constant 0.000000e+00 : f32
    %neg3A_561 = vector.broadcast %neg3A_560 : f32 to vector<576x128xf32>
    %neg3A_562 = arith.subf %neg3A_561, %add3A_559 : vector<576x128xf32>
    %exp3A_563 = math.exp %neg3A_562 : vector<576x128xf32>
    %eq3A_564 = arith.constant 5 : i32
    %eq3A_565 = vector.broadcast %eq3A_564 : i32 to vector<576x128xi32>
    %eq3A_566 = arith.cmpi eq, %get3A_151, %eq3A_565 : vector<576x128xi32>
    %mul3A_567 = arith.constant 1.024000e+03 : f32
    %mul3A_568 = vector.broadcast %mul3A_567 : f32 to vector<576x128xf32>
    %mul3A_569 = arith.mulf %exp3A_563, %mul3A_568 : vector<576x128xf32>
    %sub3A_570 = arith.constant 1.024000e+03 : f32
    %sub3A_571 = vector.broadcast %sub3A_570 : f32 to vector<576x128xf32>
    %sub3A_572 = arith.subf %sub3A_571, %mul3A_569 : vector<576x128xf32>
    %select_n3A_573 = arith.select %eq3A_566, %sub3A_572, %mul3A_569 : vector<576x128xi1>, vector<576x128xf32>
    %convert_element_type3A_574 = arith.fptosi %select_n3A_573 : vector<576x128xf32> to vector<576x128xi32>
    %min3A_575 = arith.constant 1023 : i32
    %min3A_576 = vector.broadcast %min3A_575 : i32 to vector<576x128xi32>
    %min3A_577 = arith.minsi %convert_element_type3A_574, %min3A_576 : vector<576x128xi32>
    %jit3A_578 = arith.constant 14336 : i32
    %jit3A_579 = arith.constant 0 : i32
    %broadcast_in_dim3A_580 = vector.broadcast %jit3A_578 : i32 to vector<576x128xi32>
    %broadcast_in_dim3A_581 = vector.broadcast %jit3A_579 : i32 to vector<576x128xi32>
    %select_n3A_582 = arith.select %eq3A_566, %broadcast_in_dim3A_580, %broadcast_in_dim3A_581 : vector<576x128xi1>, vector<576x128xi32>
    %add3A_583 = arith.constant 4 : i32
    %add3A_584 = arith.addi %mul3A_153, %add3A_583 : i32
    %mul3A_585 = arith.constant 1024 : i32
    %mul3A_586 = arith.muli %add3A_584, %mul3A_585 : i32
    %add3A_587 = vector.broadcast %mul3A_586 : i32 to vector<576x128xi32>
    %add3A_588 = arith.addi %select_n3A_582, %add3A_587 : vector<576x128xi32>
    %add3A_589 = arith.addi %add3A_588, %min3A_577 : vector<576x128xi32>
    %convert_element_type3A_590 = arith.trunci %add3A_589 : vector<576x128xi32> to vector<576x128xi16>
    %swap3A_591 = arith.constant 0 : index
    %swap3A_592 = arith.constant 4 : index
    %swap3A_593 = arith.constant 0 : index
    %swap3A_594 = arith.constant 0 : index
    %swap3A_595 = vector.load %arg5[%swap3A_591, %swap3A_592, %swap3A_593, %swap3A_594] : memref<1x7x576x128xi16, #tpu.memory_space<vmem>>, vector<1x1x576x128xi16>
    %swap3A_596 = vector.shape_cast %swap3A_595 : vector<1x1x576x128xi16> to vector<576x128xi16>
    %swap3A_597 = vector.shape_cast %convert_element_type3A_590 : vector<576x128xi16> to vector<1x1x576x128xi16>
    tpu.vector_store %arg5[%swap3A_591, %swap3A_592, %swap3A_593, %swap3A_594], %swap3A_597 {strides = array<i32>} : memref<1x7x576x128xi16, #tpu.memory_space<vmem>>, vector<1x1x576x128xi16>,
    %sub3A_598 = arith.subf %logistic3A_146, %exp3A_563 : vector<576x128xf32>
    %integer_pow3A_599 = arith.mulf %sub3A_598, %sub3A_598 : vector<576x128xf32>
    %jit3A_600 = arith.constant 0.000000e+00 : f32
    %broadcast_in_dim3A_601 = vector.broadcast %jit3A_600 : f32 to vector<576x128xf32>
    %select_n3A_602 = arith.select %eq3A_566, %integer_pow3A_599, %broadcast_in_dim3A_601 : vector<576x128xi1>, vector<576x128xf32>
    %reduce_sum3A_603 = arith.constant dense<0.000000e+00> : vector<128xf32>
    %reduce_sum3A_604 = vector.multi_reduction <add>, %select_n3A_602, %reduce_sum3A_603 [0] : vector<576x128xf32> to vector<128xf32>
    %swap3A_605 = arith.constant 0 : index
    %swap3A_606 = arith.constant 0 : index
    %swap3A_607 = arith.constant 4 : index
    %swap3A_608 = arith.constant 0 : index
    %swap3A_609 = vector.load %arg6[%swap3A_605, %swap3A_606, %swap3A_607, %swap3A_608] : memref<1x1x8x128xf32, #tpu.memory_space<vmem>>, vector<1x1x1x128xf32>
    %swap3A_610 = vector.shape_cast %swap3A_609 : vector<1x1x1x128xf32> to vector<128xf32>
    %swap3A_611 = vector.shape_cast %reduce_sum3A_604 : vector<128xf32> to vector<1x1x1x128xf32>
    tpu.vector_store %arg6[%swap3A_605, %swap3A_606, %swap3A_607, %swap3A_608], %swap3A_611 {strides = array<i32>} : memref<1x1x8x128xf32, #tpu.memory_space<vmem>>, vector<1x1x1x128xf32>,
    %get3A_612 = arith.constant 0 : index
    %get3A_613 = arith.constant 5 : index
    %get3A_614 = arith.constant 0 : index
    %get3A_615 = memref.load %arg4[%get3A_612, %get3A_613, %get3A_614] : memref<1x7x8xf32, #tpu.memory_space<smem>>
    %get3A_616 = arith.constant 0 : index
    %get3A_617 = arith.constant 5 : index
    %get3A_618 = arith.constant 1 : index
    %get3A_619 = memref.load %arg4[%get3A_616, %get3A_617, %get3A_618] : memref<1x7x8xf32, #tpu.memory_space<smem>>
    %get3A_620 = arith.constant 0 : index
    %get3A_621 = arith.constant 5 : index
    %get3A_622 = arith.constant 2 : index
    %get3A_623 = memref.load %arg4[%get3A_620, %get3A_621, %get3A_622] : memref<1x7x8xf32, #tpu.memory_space<smem>>
    %get3A_624 = arith.constant 0 : index
    %get3A_625 = arith.constant 5 : index
    %get3A_626 = arith.constant 3 : index
    %get3A_627 = memref.load %arg4[%get3A_624, %get3A_625, %get3A_626] : memref<1x7x8xf32, #tpu.memory_space<smem>>
    %get3A_628 = arith.constant 0 : index
    %get3A_629 = arith.constant 5 : index
    %get3A_630 = arith.constant 4 : index
    %get3A_631 = memref.load %arg4[%get3A_628, %get3A_629, %get3A_630] : memref<1x7x8xf32, #tpu.memory_space<smem>>
    %get3A_632 = arith.constant 0 : index
    %get3A_633 = arith.constant 5 : index
    %get3A_634 = arith.constant 5 : index
    %get3A_635 = memref.load %arg4[%get3A_632, %get3A_633, %get3A_634] : memref<1x7x8xf32, #tpu.memory_space<smem>>
    %sub3A_636 = vector.broadcast %get3A_615 : f32 to vector<576x128xf32>
    %sub3A_637 = arith.subf %add3A_119, %sub3A_636 : vector<576x128xf32>
    %integer_pow3A_638 = arith.mulf %sub3A_637, %sub3A_637 : vector<576x128xf32>
    %mul3A_639 = vector.broadcast %get3A_627 : f32 to vector<576x128xf32>
    %mul3A_640 = arith.mulf %integer_pow3A_638, %mul3A_639 : vector<576x128xf32>
    %sub3A_641 = vector.broadcast %get3A_619 : f32 to vector<576x128xf32>
    %sub3A_642 = arith.subf %add3A_127, %sub3A_641 : vector<576x128xf32>
    %integer_pow3A_643 = arith.mulf %sub3A_642, %sub3A_642 : vector<576x128xf32>
    %mul3A_644 = vector.broadcast %get3A_631 : f32 to vector<576x128xf32>
    %mul3A_645 = arith.mulf %integer_pow3A_643, %mul3A_644 : vector<576x128xf32>
    %add3A_646 = arith.addf %mul3A_640, %mul3A_645 : vector<576x128xf32>
    %sub3A_647 = vector.broadcast %get3A_623 : f32 to vector<576x128xf32>
    %sub3A_648 = arith.subf %add3A_135, %sub3A_647 : vector<576x128xf32>
    %integer_pow3A_649 = arith.mulf %sub3A_648, %sub3A_648 : vector<576x128xf32>
    %mul3A_650 = vector.broadcast %get3A_635 : f32 to vector<576x128xf32>
    %mul3A_651 = arith.mulf %integer_pow3A_649, %mul3A_650 : vector<576x128xf32>
    %add3A_652 = arith.addf %add3A_646, %mul3A_651 : vector<576x128xf32>
    %neg3A_653 = arith.constant 0.000000e+00 : f32
    %neg3A_654 = vector.broadcast %neg3A_653 : f32 to vector<576x128xf32>
    %neg3A_655 = arith.subf %neg3A_654, %add3A_652 : vector<576x128xf32>
    %exp3A_656 = math.exp %neg3A_655 : vector<576x128xf32>
    %eq3A_657 = arith.constant 6 : i32
    %eq3A_658 = vector.broadcast %eq3A_657 : i32 to vector<576x128xi32>
    %eq3A_659 = arith.cmpi eq, %get3A_151, %eq3A_658 : vector<576x128xi32>
    %mul3A_660 = arith.constant 1.024000e+03 : f32
    %mul3A_661 = vector.broadcast %mul3A_660 : f32 to vector<576x128xf32>
    %mul3A_662 = arith.mulf %exp3A_656, %mul3A_661 : vector<576x128xf32>
    %sub3A_663 = arith.constant 1.024000e+03 : f32
    %sub3A_664 = vector.broadcast %sub3A_663 : f32 to vector<576x128xf32>
    %sub3A_665 = arith.subf %sub3A_664, %mul3A_662 : vector<576x128xf32>
    %select_n3A_666 = arith.select %eq3A_659, %sub3A_665, %mul3A_662 : vector<576x128xi1>, vector<576x128xf32>
    %convert_element_type3A_667 = arith.fptosi %select_n3A_666 : vector<576x128xf32> to vector<576x128xi32>
    %min3A_668 = arith.constant 1023 : i32
    %min3A_669 = vector.broadcast %min3A_668 : i32 to vector<576x128xi32>
    %min3A_670 = arith.minsi %convert_element_type3A_667, %min3A_669 : vector<576x128xi32>
    %jit3A_671 = arith.constant 14336 : i32
    %jit3A_672 = arith.constant 0 : i32
    %broadcast_in_dim3A_673 = vector.broadcast %jit3A_671 : i32 to vector<576x128xi32>
    %broadcast_in_dim3A_674 = vector.broadcast %jit3A_672 : i32 to vector<576x128xi32>
    %select_n3A_675 = arith.select %eq3A_659, %broadcast_in_dim3A_673, %broadcast_in_dim3A_674 : vector<576x128xi1>, vector<576x128xi32>
    %add3A_676 = arith.constant 5 : i32
    %add3A_677 = arith.addi %mul3A_153, %add3A_676 : i32
    %mul3A_678 = arith.constant 1024 : i32
    %mul3A_679 = arith.muli %add3A_677, %mul3A_678 : i32
    %add3A_680 = vector.broadcast %mul3A_679 : i32 to vector<576x128xi32>
    %add3A_681 = arith.addi %select_n3A_675, %add3A_680 : vector<576x128xi32>
    %add3A_682 = arith.addi %add3A_681, %min3A_670 : vector<576x128xi32>
    %convert_element_type3A_683 = arith.trunci %add3A_682 : vector<576x128xi32> to vector<576x128xi16>
    %swap3A_684 = arith.constant 0 : index
    %swap3A_685 = arith.constant 5 : index
    %swap3A_686 = arith.constant 0 : index
    %swap3A_687 = arith.constant 0 : index
    %swap3A_688 = vector.load %arg5[%swap3A_684, %swap3A_685, %swap3A_686, %swap3A_687] : memref<1x7x576x128xi16, #tpu.memory_space<vmem>>, vector<1x1x576x128xi16>
    %swap3A_689 = vector.shape_cast %swap3A_688 : vector<1x1x576x128xi16> to vector<576x128xi16>
    %swap3A_690 = vector.shape_cast %convert_element_type3A_683 : vector<576x128xi16> to vector<1x1x576x128xi16>
    tpu.vector_store %arg5[%swap3A_684, %swap3A_685, %swap3A_686, %swap3A_687], %swap3A_690 {strides = array<i32>} : memref<1x7x576x128xi16, #tpu.memory_space<vmem>>, vector<1x1x576x128xi16>,
    %sub3A_691 = arith.subf %logistic3A_146, %exp3A_656 : vector<576x128xf32>
    %integer_pow3A_692 = arith.mulf %sub3A_691, %sub3A_691 : vector<576x128xf32>
    %jit3A_693 = arith.constant 0.000000e+00 : f32
    %broadcast_in_dim3A_694 = vector.broadcast %jit3A_693 : f32 to vector<576x128xf32>
    %select_n3A_695 = arith.select %eq3A_659, %integer_pow3A_692, %broadcast_in_dim3A_694 : vector<576x128xi1>, vector<576x128xf32>
    %reduce_sum3A_696 = arith.constant dense<0.000000e+00> : vector<128xf32>
    %reduce_sum3A_697 = vector.multi_reduction <add>, %select_n3A_695, %reduce_sum3A_696 [0] : vector<576x128xf32> to vector<128xf32>
    %swap3A_698 = arith.constant 0 : index
    %swap3A_699 = arith.constant 0 : index
    %swap3A_700 = arith.constant 5 : index
    %swap3A_701 = arith.constant 0 : index
    %swap3A_702 = vector.load %arg6[%swap3A_698, %swap3A_699, %swap3A_700, %swap3A_701] : memref<1x1x8x128xf32, #tpu.memory_space<vmem>>, vector<1x1x1x128xf32>
    %swap3A_703 = vector.shape_cast %swap3A_702 : vector<1x1x1x128xf32> to vector<128xf32>
    %swap3A_704 = vector.shape_cast %reduce_sum3A_697 : vector<128xf32> to vector<1x1x1x128xf32>
    tpu.vector_store %arg6[%swap3A_698, %swap3A_699, %swap3A_700, %swap3A_701], %swap3A_704 {strides = array<i32>} : memref<1x1x8x128xf32, #tpu.memory_space<vmem>>, vector<1x1x1x128xf32>,
    %get3A_705 = arith.constant 0 : index
    %get3A_706 = arith.constant 6 : index
    %get3A_707 = arith.constant 0 : index
    %get3A_708 = memref.load %arg4[%get3A_705, %get3A_706, %get3A_707] : memref<1x7x8xf32, #tpu.memory_space<smem>>
    %get3A_709 = arith.constant 0 : index
    %get3A_710 = arith.constant 6 : index
    %get3A_711 = arith.constant 1 : index
    %get3A_712 = memref.load %arg4[%get3A_709, %get3A_710, %get3A_711] : memref<1x7x8xf32, #tpu.memory_space<smem>>
    %get3A_713 = arith.constant 0 : index
    %get3A_714 = arith.constant 6 : index
    %get3A_715 = arith.constant 2 : index
    %get3A_716 = memref.load %arg4[%get3A_713, %get3A_714, %get3A_715] : memref<1x7x8xf32, #tpu.memory_space<smem>>
    %get3A_717 = arith.constant 0 : index
    %get3A_718 = arith.constant 6 : index
    %get3A_719 = arith.constant 3 : index
    %get3A_720 = memref.load %arg4[%get3A_717, %get3A_718, %get3A_719] : memref<1x7x8xf32, #tpu.memory_space<smem>>
    %get3A_721 = arith.constant 0 : index
    %get3A_722 = arith.constant 6 : index
    %get3A_723 = arith.constant 4 : index
    %get3A_724 = memref.load %arg4[%get3A_721, %get3A_722, %get3A_723] : memref<1x7x8xf32, #tpu.memory_space<smem>>
    %get3A_725 = arith.constant 0 : index
    %get3A_726 = arith.constant 6 : index
    %get3A_727 = arith.constant 5 : index
    %get3A_728 = memref.load %arg4[%get3A_725, %get3A_726, %get3A_727] : memref<1x7x8xf32, #tpu.memory_space<smem>>
    %sub3A_729 = vector.broadcast %get3A_708 : f32 to vector<576x128xf32>
    %sub3A_730 = arith.subf %add3A_119, %sub3A_729 : vector<576x128xf32>
    %integer_pow3A_731 = arith.mulf %sub3A_730, %sub3A_730 : vector<576x128xf32>
    %mul3A_732 = vector.broadcast %get3A_720 : f32 to vector<576x128xf32>
    %mul3A_733 = arith.mulf %integer_pow3A_731, %mul3A_732 : vector<576x128xf32>
    %sub3A_734 = vector.broadcast %get3A_712 : f32 to vector<576x128xf32>
    %sub3A_735 = arith.subf %add3A_127, %sub3A_734 : vector<576x128xf32>
    %integer_pow3A_736 = arith.mulf %sub3A_735, %sub3A_735 : vector<576x128xf32>
    %mul3A_737 = vector.broadcast %get3A_724 : f32 to vector<576x128xf32>
    %mul3A_738 = arith.mulf %integer_pow3A_736, %mul3A_737 : vector<576x128xf32>
    %add3A_739 = arith.addf %mul3A_733, %mul3A_738 : vector<576x128xf32>
    %sub3A_740 = vector.broadcast %get3A_716 : f32 to vector<576x128xf32>
    %sub3A_741 = arith.subf %add3A_135, %sub3A_740 : vector<576x128xf32>
    %integer_pow3A_742 = arith.mulf %sub3A_741, %sub3A_741 : vector<576x128xf32>
    %mul3A_743 = vector.broadcast %get3A_728 : f32 to vector<576x128xf32>
    %mul3A_744 = arith.mulf %integer_pow3A_742, %mul3A_743 : vector<576x128xf32>
    %add3A_745 = arith.addf %add3A_739, %mul3A_744 : vector<576x128xf32>
    %neg3A_746 = arith.constant 0.000000e+00 : f32
    %neg3A_747 = vector.broadcast %neg3A_746 : f32 to vector<576x128xf32>
    %neg3A_748 = arith.subf %neg3A_747, %add3A_745 : vector<576x128xf32>
    %exp3A_749 = math.exp %neg3A_748 : vector<576x128xf32>
    %eq3A_750 = arith.constant 7 : i32
    %eq3A_751 = vector.broadcast %eq3A_750 : i32 to vector<576x128xi32>
    %eq3A_752 = arith.cmpi eq, %get3A_151, %eq3A_751 : vector<576x128xi32>
    %mul3A_753 = arith.constant 1.024000e+03 : f32
    %mul3A_754 = vector.broadcast %mul3A_753 : f32 to vector<576x128xf32>
    %mul3A_755 = arith.mulf %exp3A_749, %mul3A_754 : vector<576x128xf32>
    %sub3A_756 = arith.constant 1.024000e+03 : f32
    %sub3A_757 = vector.broadcast %sub3A_756 : f32 to vector<576x128xf32>
    %sub3A_758 = arith.subf %sub3A_757, %mul3A_755 : vector<576x128xf32>
    %select_n3A_759 = arith.select %eq3A_752, %sub3A_758, %mul3A_755 : vector<576x128xi1>, vector<576x128xf32>
    %convert_element_type3A_760 = arith.fptosi %select_n3A_759 : vector<576x128xf32> to vector<576x128xi32>
    %min3A_761 = arith.constant 1023 : i32
    %min3A_762 = vector.broadcast %min3A_761 : i32 to vector<576x128xi32>
    %min3A_763 = arith.minsi %convert_element_type3A_760, %min3A_762 : vector<576x128xi32>
    %jit3A_764 = arith.constant 14336 : i32
    %jit3A_765 = arith.constant 0 : i32
    %broadcast_in_dim3A_766 = vector.broadcast %jit3A_764 : i32 to vector<576x128xi32>
    %broadcast_in_dim3A_767 = vector.broadcast %jit3A_765 : i32 to vector<576x128xi32>
    %select_n3A_768 = arith.select %eq3A_752, %broadcast_in_dim3A_766, %broadcast_in_dim3A_767 : vector<576x128xi1>, vector<576x128xi32>
    %add3A_769 = arith.constant 6 : i32
    %add3A_770 = arith.addi %mul3A_153, %add3A_769 : i32
    %mul3A_771 = arith.constant 1024 : i32
    %mul3A_772 = arith.muli %add3A_770, %mul3A_771 : i32
    %add3A_773 = vector.broadcast %mul3A_772 : i32 to vector<576x128xi32>
    %add3A_774 = arith.addi %select_n3A_768, %add3A_773 : vector<576x128xi32>
    %add3A_775 = arith.addi %add3A_774, %min3A_763 : vector<576x128xi32>
    %convert_element_type3A_776 = arith.trunci %add3A_775 : vector<576x128xi32> to vector<576x128xi16>
    %swap3A_777 = arith.constant 0 : index
    %swap3A_778 = arith.constant 6 : index
    %swap3A_779 = arith.constant 0 : index
    %swap3A_780 = arith.constant 0 : index
    %swap3A_781 = vector.load %arg5[%swap3A_777, %swap3A_778, %swap3A_779, %swap3A_780] : memref<1x7x576x128xi16, #tpu.memory_space<vmem>>, vector<1x1x576x128xi16>
    %swap3A_782 = vector.shape_cast %swap3A_781 : vector<1x1x576x128xi16> to vector<576x128xi16>
    %swap3A_783 = vector.shape_cast %convert_element_type3A_776 : vector<576x128xi16> to vector<1x1x576x128xi16>
    tpu.vector_store %arg5[%swap3A_777, %swap3A_778, %swap3A_779, %swap3A_780], %swap3A_783 {strides = array<i32>} : memref<1x7x576x128xi16, #tpu.memory_space<vmem>>, vector<1x1x576x128xi16>,
    %sub3A_784 = arith.subf %logistic3A_146, %exp3A_749 : vector<576x128xf32>
    %integer_pow3A_785 = arith.mulf %sub3A_784, %sub3A_784 : vector<576x128xf32>
    %jit3A_786 = arith.constant 0.000000e+00 : f32
    %broadcast_in_dim3A_787 = vector.broadcast %jit3A_786 : f32 to vector<576x128xf32>
    %select_n3A_788 = arith.select %eq3A_752, %integer_pow3A_785, %broadcast_in_dim3A_787 : vector<576x128xi1>, vector<576x128xf32>
    %reduce_sum3A_789 = arith.constant dense<0.000000e+00> : vector<128xf32>
    %reduce_sum3A_790 = vector.multi_reduction <add>, %select_n3A_788, %reduce_sum3A_789 [0] : vector<576x128xf32> to vector<128xf32>
    %swap3A_791 = arith.constant 0 : index
    %swap3A_792 = arith.constant 0 : index
    %swap3A_793 = arith.constant 6 : index
    %swap3A_794 = arith.constant 0 : index
    %swap3A_795 = vector.load %arg6[%swap3A_791, %swap3A_792, %swap3A_793, %swap3A_794] : memref<1x1x8x128xf32, #tpu.memory_space<vmem>>, vector<1x1x1x128xf32>
    %swap3A_796 = vector.shape_cast %swap3A_795 : vector<1x1x1x128xf32> to vector<128xf32>
    %swap3A_797 = vector.shape_cast %reduce_sum3A_790 : vector<128xf32> to vector<1x1x1x128xf32>
    tpu.vector_store %arg6[%swap3A_791, %swap3A_792, %swap3A_793, %swap3A_794], %swap3A_797 {strides = array<i32>} : memref<1x1x8x128xf32, #tpu.memory_space<vmem>>, vector<1x1x1x128xf32>,
    %broadcast_in_dim3A_798 = arith.constant 0.000000e+00 : f32
    %broadcast_in_dim3A_799 = vector.broadcast %broadcast_in_dim3A_798 : f32 to vector<128xf32>
    %swap3A_800 = arith.constant 0 : index
    %swap3A_801 = arith.constant 0 : index
    %swap3A_802 = arith.constant 7 : index
    %swap3A_803 = arith.constant 0 : index
    %swap3A_804 = vector.load %arg6[%swap3A_800, %swap3A_801, %swap3A_802, %swap3A_803] : memref<1x1x8x128xf32, #tpu.memory_space<vmem>>, vector<1x1x1x128xf32>
    %swap3A_805 = vector.shape_cast %swap3A_804 : vector<1x1x1x128xf32> to vector<128xf32>
    %swap3A_806 = vector.shape_cast %broadcast_in_dim3A_799 : vector<128xf32> to vector<1x1x1x128xf32>
    tpu.vector_store %arg6[%swap3A_800, %swap3A_801, %swap3A_802, %swap3A_803], %swap3A_806 {strides = array<i32>} : memref<1x1x8x128xf32, #tpu.memory_space<vmem>>, vector<1x1x1x128xf32>,
    return
  }
  func.func @transform_0(%arg0: i32, %arg1: i32) -> (i32, i32, i32, i32) {
    %c0_i32 = arith.constant 0 : i32
    %c0_i32_0 = arith.constant 0 : i32
    %c0_i32_1 = arith.constant 0 : i32
    return %arg0, %c0_i32, %arg1, %c0_i32_0 : i32, i32, i32, i32
  }
  func.func @transform_1(%arg0: i32, %arg1: i32) -> (i32, i32, i32) {
    %c0_i32 = arith.constant 0 : i32
    %c0_i32_0 = arith.constant 0 : i32
    return %arg0, %arg1, %c0_i32 : i32, i32, i32
  }
  func.func @transform_2(%arg0: i32, %arg1: i32) -> (i32, i32, i32) {
    %c0_i32 = arith.constant 0 : i32
    %c0_i32_0 = arith.constant 0 : i32
    %c0_i32_1 = arith.constant 0 : i32
    return %arg0, %c0_i32, %c0_i32_0 : i32, i32, i32
  }
  func.func @transform_3(%arg0: i32, %arg1: i32) -> (i32, i32, i32, i32) {
    %c0_i32 = arith.constant 0 : i32
    %c0_i32_0 = arith.constant 0 : i32
    %c0_i32_1 = arith.constant 0 : i32
    return %arg0, %c0_i32, %arg1, %c0_i32_0 : i32, i32, i32, i32
  }
  func.func @transform_4(%arg0: i32, %arg1: i32) -> (i32, i32, i32, i32) {
    %c0_i32 = arith.constant 0 : i32
    %c0_i32_0 = arith.constant 0 : i32
    %c0_i32_1 = arith.constant 0 : i32
    return %arg0, %arg1, %c0_i32, %c0_i32_0 : i32, i32, i32, i32
  }
}

module attributes {stable_mosaic.version = 14 : i64} {
  func.func @_lovasz_body(%arg0: i32, %arg1: memref<4x2x14x1024xi32, #tpu.memory_space<vmem>>, %arg2: memref<14x128xf32, #tpu.memory_space<vmem>>, %arg3: memref<2x14x1024xf32, #tpu.memory_space<vmem>>) attributes {dimension_semantics = [#tpu.dimension_semantics<arbitrary>], iteration_bounds = array<i64: 8>, scalar_prefetch = 0 : i64, scratch_operands = 1 : i64, tpu.core_type = #tpu.core_type<tc>, window_params = [{transform_indices = @transform_0, window_bounds = array<i64: 4, 2, 14, 1024>}, {pipeline_mode = #tpu.pipeline_mode<synchronous>, transform_indices = @transform_1, window_bounds = array<i64: 14, 128>}]} {
    %eq3A = arith.constant 0 : i32
    %eq3A_0 = arith.cmpi eq, %arg0, %eq3A : i32
    %convert_element_type3A = arith.extui %eq3A_0 : i1 to i32
    %cond3A = arith.constant 0 : i32
    %cond3A_1 = arith.cmpi ne, %convert_element_type3A, %cond3A : i32
    scf.if %cond3A_1 {
      %broadcast_in_dim3A = arith.constant 0.000000e+00 : f32
      %broadcast_in_dim3A_28 = vector.broadcast %broadcast_in_dim3A : f32 to vector<2x14x1024xf32>
      %swap3A_29 = arith.constant 0 : index
      %swap3A_30 = arith.constant 0 : index
      %swap3A_31 = arith.constant 0 : index
      %swap3A_32 = vector.load %arg3[%swap3A_29, %swap3A_30, %swap3A_31] : memref<2x14x1024xf32, #tpu.memory_space<vmem>>, vector<2x14x1024xf32>
      tpu.vector_store %arg3[%swap3A_29, %swap3A_30, %swap3A_31], %broadcast_in_dim3A_28 {strides = array<i32>} : memref<2x14x1024xf32, #tpu.memory_space<vmem>>, vector<2x14x1024xf32>,
    } else {
    }
    %get3A = arith.constant 0 : index
    %get3A_2 = arith.constant 0 : index
    %get3A_3 = arith.constant 0 : index
    %get3A_4 = arith.constant 0 : index
    %get3A_5 = vector.load %arg1[%get3A, %get3A_2, %get3A_3, %get3A_4] : memref<4x2x14x1024xi32, #tpu.memory_space<vmem>>, vector<4x2x14x1024xi32>
    %convert_element_type3A_6 = arith.sitofp %get3A_5 : vector<4x2x14x1024xi32> to vector<4x2x14x1024xf32>
    %get3A_7 = arith.constant 0 : index
    %get3A_8 = arith.constant 0 : index
    %get3A_9 = arith.constant 0 : index
    %get3A_10 = vector.load %arg3[%get3A_7, %get3A_8, %get3A_9] : memref<2x14x1024xf32, #tpu.memory_space<vmem>>, vector<2x14x1024xf32>
    %slice3A = vector.extract_strided_slice %convert_element_type3A_6 {offsets = [0, 0, 0, 0], sizes = [1, 2, 14, 1024], strides = [1, 1, 1, 1]} : vector<4x2x14x1024xf32> to vector<1x2x14x1024xf32>
    %squeeze3A = vector.shape_cast %slice3A : vector<1x2x14x1024xf32> to vector<2x14x1024xf32>
    %slice3A_11 = vector.extract_strided_slice %convert_element_type3A_6 {offsets = [1, 0, 0, 0], sizes = [1, 2, 14, 1024], strides = [1, 1, 1, 1]} : vector<4x2x14x1024xf32> to vector<1x2x14x1024xf32>
    %squeeze3A_12 = vector.shape_cast %slice3A_11 : vector<1x2x14x1024xf32> to vector<2x14x1024xf32>
    %add3A = arith.addf %squeeze3A, %squeeze3A_12 : vector<2x14x1024xf32>
    %slice3A_13 = vector.extract_strided_slice %convert_element_type3A_6 {offsets = [2, 0, 0, 0], sizes = [1, 2, 14, 1024], strides = [1, 1, 1, 1]} : vector<4x2x14x1024xf32> to vector<1x2x14x1024xf32>
    %squeeze3A_14 = vector.shape_cast %slice3A_13 : vector<1x2x14x1024xf32> to vector<2x14x1024xf32>
    %add3A_15 = arith.addf %add3A, %squeeze3A_14 : vector<2x14x1024xf32>
    %slice3A_16 = vector.extract_strided_slice %convert_element_type3A_6 {offsets = [3, 0, 0, 0], sizes = [1, 2, 14, 1024], strides = [1, 1, 1, 1]} : vector<4x2x14x1024xf32> to vector<1x2x14x1024xf32>
    %squeeze3A_17 = vector.shape_cast %slice3A_16 : vector<1x2x14x1024xf32> to vector<2x14x1024xf32>
    %add3A_18 = arith.addf %add3A_15, %squeeze3A_17 : vector<2x14x1024xf32>
    %add3A_19 = arith.addf %get3A_10, %add3A_18 : vector<2x14x1024xf32>
    %swap3A = arith.constant 0 : index
    %swap3A_20 = arith.constant 0 : index
    %swap3A_21 = arith.constant 0 : index
    %swap3A_22 = vector.load %arg3[%swap3A, %swap3A_20, %swap3A_21] : memref<2x14x1024xf32, #tpu.memory_space<vmem>>, vector<2x14x1024xf32>
    tpu.vector_store %arg3[%swap3A, %swap3A_20, %swap3A_21], %add3A_19 {strides = array<i32>} : memref<2x14x1024xf32, #tpu.memory_space<vmem>>, vector<2x14x1024xf32>,
    %eq3A_23 = arith.constant 7 : i32
    %eq3A_24 = arith.cmpi eq, %arg0, %eq3A_23 : i32
    %convert_element_type3A_25 = arith.extui %eq3A_24 : i1 to i32
    %cond3A_26 = arith.constant 0 : i32
    %cond3A_27 = arith.cmpi ne, %convert_element_type3A_25, %cond3A_26 : i32
    scf.if %cond3A_27 {
      %get3A_28 = arith.constant 0 : index
      %get3A_29 = arith.constant 0 : index
      %get3A_30 = arith.constant 0 : index
      %get3A_31 = vector.load %arg3[%get3A_28, %get3A_29, %get3A_30] : memref<2x14x1024xf32, #tpu.memory_space<vmem>>, vector<1x14x1024xf32>
      %get3A_32 = vector.shape_cast %get3A_31 : vector<1x14x1024xf32> to vector<14x1024xf32>
      %get3A_33 = arith.constant 1 : index
      %get3A_34 = arith.constant 0 : index
      %get3A_35 = arith.constant 0 : index
      %get3A_36 = vector.load %arg3[%get3A_33, %get3A_34, %get3A_35] : memref<2x14x1024xf32, #tpu.memory_space<vmem>>, vector<1x14x1024xf32>
      %get3A_37 = vector.shape_cast %get3A_36 : vector<1x14x1024xf32> to vector<14x1024xf32>
      %slice3A_38 = vector.extract_strided_slice %get3A_37 {offsets = [0, 1], sizes = [14, 1023], strides = [1, 1]} : vector<14x1024xf32> to vector<14x1023xf32>
      %broadcast_in_dim3A = arith.constant 0.000000e+00 : f32
      %broadcast_in_dim3A_39 = vector.broadcast %broadcast_in_dim3A : f32 to vector<14x1xf32>
      %concatenate3A = tpu.concatenate %slice3A_38, %broadcast_in_dim3A_39 in 1 : vector<14x1023xf32>, vector<14x1xf32> -> vector<14x1024xf32>
      %add3A_40 = arith.addf %get3A_37, %concatenate3A : vector<14x1024xf32>
      %slice3A_41 = vector.extract_strided_slice %add3A_40 {offsets = [0, 2], sizes = [14, 1022], strides = [1, 1]} : vector<14x1024xf32> to vector<14x1022xf32>
      %broadcast_in_dim3A_42 = arith.constant 0.000000e+00 : f32
      %broadcast_in_dim3A_43 = vector.broadcast %broadcast_in_dim3A_42 : f32 to vector<14x2xf32>
      %concatenate3A_44 = tpu.concatenate %slice3A_41, %broadcast_in_dim3A_43 in 1 : vector<14x1022xf32>, vector<14x2xf32> -> vector<14x1024xf32>
      %add3A_45 = arith.addf %add3A_40, %concatenate3A_44 : vector<14x1024xf32>
      %slice3A_46 = vector.extract_strided_slice %add3A_45 {offsets = [0, 4], sizes = [14, 1020], strides = [1, 1]} : vector<14x1024xf32> to vector<14x1020xf32>
      %broadcast_in_dim3A_47 = arith.constant 0.000000e+00 : f32
      %broadcast_in_dim3A_48 = vector.broadcast %broadcast_in_dim3A_47 : f32 to vector<14x4xf32>
      %concatenate3A_49 = tpu.concatenate %slice3A_46, %broadcast_in_dim3A_48 in 1 : vector<14x1020xf32>, vector<14x4xf32> -> vector<14x1024xf32>
      %add3A_50 = arith.addf %add3A_45, %concatenate3A_49 : vector<14x1024xf32>
      %slice3A_51 = vector.extract_strided_slice %add3A_50 {offsets = [0, 8], sizes = [14, 1016], strides = [1, 1]} : vector<14x1024xf32> to vector<14x1016xf32>
      %broadcast_in_dim3A_52 = arith.constant 0.000000e+00 : f32
      %broadcast_in_dim3A_53 = vector.broadcast %broadcast_in_dim3A_52 : f32 to vector<14x8xf32>
      %concatenate3A_54 = tpu.concatenate %slice3A_51, %broadcast_in_dim3A_53 in 1 : vector<14x1016xf32>, vector<14x8xf32> -> vector<14x1024xf32>
      %add3A_55 = arith.addf %add3A_50, %concatenate3A_54 : vector<14x1024xf32>
      %slice3A_56 = vector.extract_strided_slice %add3A_55 {offsets = [0, 16], sizes = [14, 1008], strides = [1, 1]} : vector<14x1024xf32> to vector<14x1008xf32>
      %broadcast_in_dim3A_57 = arith.constant 0.000000e+00 : f32
      %broadcast_in_dim3A_58 = vector.broadcast %broadcast_in_dim3A_57 : f32 to vector<14x16xf32>
      %concatenate3A_59 = tpu.concatenate %slice3A_56, %broadcast_in_dim3A_58 in 1 : vector<14x1008xf32>, vector<14x16xf32> -> vector<14x1024xf32>
      %add3A_60 = arith.addf %add3A_55, %concatenate3A_59 : vector<14x1024xf32>
      %slice3A_61 = vector.extract_strided_slice %add3A_60 {offsets = [0, 32], sizes = [14, 992], strides = [1, 1]} : vector<14x1024xf32> to vector<14x992xf32>
      %broadcast_in_dim3A_62 = arith.constant 0.000000e+00 : f32
      %broadcast_in_dim3A_63 = vector.broadcast %broadcast_in_dim3A_62 : f32 to vector<14x32xf32>
      %concatenate3A_64 = tpu.concatenate %slice3A_61, %broadcast_in_dim3A_63 in 1 : vector<14x992xf32>, vector<14x32xf32> -> vector<14x1024xf32>
      %add3A_65 = arith.addf %add3A_60, %concatenate3A_64 : vector<14x1024xf32>
      %slice3A_66 = vector.extract_strided_slice %add3A_65 {offsets = [0, 64], sizes = [14, 960], strides = [1, 1]} : vector<14x1024xf32> to vector<14x960xf32>
      %broadcast_in_dim3A_67 = arith.constant 0.000000e+00 : f32
      %broadcast_in_dim3A_68 = vector.broadcast %broadcast_in_dim3A_67 : f32 to vector<14x64xf32>
      %concatenate3A_69 = tpu.concatenate %slice3A_66, %broadcast_in_dim3A_68 in 1 : vector<14x960xf32>, vector<14x64xf32> -> vector<14x1024xf32>
      %add3A_70 = arith.addf %add3A_65, %concatenate3A_69 : vector<14x1024xf32>
      %slice3A_71 = vector.extract_strided_slice %add3A_70 {offsets = [0, 128], sizes = [14, 896], strides = [1, 1]} : vector<14x1024xf32> to vector<14x896xf32>
      %broadcast_in_dim3A_72 = arith.constant 0.000000e+00 : f32
      %broadcast_in_dim3A_73 = vector.broadcast %broadcast_in_dim3A_72 : f32 to vector<14x128xf32>
      %concatenate3A_74 = tpu.concatenate %slice3A_71, %broadcast_in_dim3A_73 in 1 : vector<14x896xf32>, vector<14x128xf32> -> vector<14x1024xf32>
      %add3A_75 = arith.addf %add3A_70, %concatenate3A_74 : vector<14x1024xf32>
      %slice3A_76 = vector.extract_strided_slice %add3A_75 {offsets = [0, 256], sizes = [14, 768], strides = [1, 1]} : vector<14x1024xf32> to vector<14x768xf32>
      %broadcast_in_dim3A_77 = arith.constant 0.000000e+00 : f32
      %broadcast_in_dim3A_78 = vector.broadcast %broadcast_in_dim3A_77 : f32 to vector<14x256xf32>
      %concatenate3A_79 = tpu.concatenate %slice3A_76, %broadcast_in_dim3A_78 in 1 : vector<14x768xf32>, vector<14x256xf32> -> vector<14x1024xf32>
      %add3A_80 = arith.addf %add3A_75, %concatenate3A_79 : vector<14x1024xf32>
      %slice3A_81 = vector.extract_strided_slice %add3A_80 {offsets = [0, 512], sizes = [14, 512], strides = [1, 1]} : vector<14x1024xf32> to vector<14x512xf32>
      %broadcast_in_dim3A_82 = arith.constant 0.000000e+00 : f32
      %broadcast_in_dim3A_83 = vector.broadcast %broadcast_in_dim3A_82 : f32 to vector<14x512xf32>
      %concatenate3A_84 = tpu.concatenate %slice3A_81, %broadcast_in_dim3A_83 in 1 : vector<14x512xf32>, vector<14x512xf32> -> vector<14x1024xf32>
      %add3A_85 = arith.addf %add3A_80, %concatenate3A_84 : vector<14x1024xf32>
      %add3A_86 = arith.addf %get3A_37, %get3A_32 : vector<14x1024xf32>
      %slice3A_87 = vector.extract_strided_slice %add3A_86 {offsets = [0, 1], sizes = [14, 1023], strides = [1, 1]} : vector<14x1024xf32> to vector<14x1023xf32>
      %broadcast_in_dim3A_88 = arith.constant 0.000000e+00 : f32
      %broadcast_in_dim3A_89 = vector.broadcast %broadcast_in_dim3A_88 : f32 to vector<14x1xf32>
      %concatenate3A_90 = tpu.concatenate %slice3A_87, %broadcast_in_dim3A_89 in 1 : vector<14x1023xf32>, vector<14x1xf32> -> vector<14x1024xf32>
      %add3A_91 = arith.addf %add3A_86, %concatenate3A_90 : vector<14x1024xf32>
      %slice3A_92 = vector.extract_strided_slice %add3A_91 {offsets = [0, 2], sizes = [14, 1022], strides = [1, 1]} : vector<14x1024xf32> to vector<14x1022xf32>
      %broadcast_in_dim3A_93 = arith.constant 0.000000e+00 : f32
      %broadcast_in_dim3A_94 = vector.broadcast %broadcast_in_dim3A_93 : f32 to vector<14x2xf32>
      %concatenate3A_95 = tpu.concatenate %slice3A_92, %broadcast_in_dim3A_94 in 1 : vector<14x1022xf32>, vector<14x2xf32> -> vector<14x1024xf32>
      %add3A_96 = arith.addf %add3A_91, %concatenate3A_95 : vector<14x1024xf32>
      %slice3A_97 = vector.extract_strided_slice %add3A_96 {offsets = [0, 4], sizes = [14, 1020], strides = [1, 1]} : vector<14x1024xf32> to vector<14x1020xf32>
      %broadcast_in_dim3A_98 = arith.constant 0.000000e+00 : f32
      %broadcast_in_dim3A_99 = vector.broadcast %broadcast_in_dim3A_98 : f32 to vector<14x4xf32>
      %concatenate3A_100 = tpu.concatenate %slice3A_97, %broadcast_in_dim3A_99 in 1 : vector<14x1020xf32>, vector<14x4xf32> -> vector<14x1024xf32>
      %add3A_101 = arith.addf %add3A_96, %concatenate3A_100 : vector<14x1024xf32>
      %slice3A_102 = vector.extract_strided_slice %add3A_101 {offsets = [0, 8], sizes = [14, 1016], strides = [1, 1]} : vector<14x1024xf32> to vector<14x1016xf32>
      %broadcast_in_dim3A_103 = arith.constant 0.000000e+00 : f32
      %broadcast_in_dim3A_104 = vector.broadcast %broadcast_in_dim3A_103 : f32 to vector<14x8xf32>
      %concatenate3A_105 = tpu.concatenate %slice3A_102, %broadcast_in_dim3A_104 in 1 : vector<14x1016xf32>, vector<14x8xf32> -> vector<14x1024xf32>
      %add3A_106 = arith.addf %add3A_101, %concatenate3A_105 : vector<14x1024xf32>
      %slice3A_107 = vector.extract_strided_slice %add3A_106 {offsets = [0, 16], sizes = [14, 1008], strides = [1, 1]} : vector<14x1024xf32> to vector<14x1008xf32>
      %broadcast_in_dim3A_108 = arith.constant 0.000000e+00 : f32
      %broadcast_in_dim3A_109 = vector.broadcast %broadcast_in_dim3A_108 : f32 to vector<14x16xf32>
      %concatenate3A_110 = tpu.concatenate %slice3A_107, %broadcast_in_dim3A_109 in 1 : vector<14x1008xf32>, vector<14x16xf32> -> vector<14x1024xf32>
      %add3A_111 = arith.addf %add3A_106, %concatenate3A_110 : vector<14x1024xf32>
      %slice3A_112 = vector.extract_strided_slice %add3A_111 {offsets = [0, 32], sizes = [14, 992], strides = [1, 1]} : vector<14x1024xf32> to vector<14x992xf32>
      %broadcast_in_dim3A_113 = arith.constant 0.000000e+00 : f32
      %broadcast_in_dim3A_114 = vector.broadcast %broadcast_in_dim3A_113 : f32 to vector<14x32xf32>
      %concatenate3A_115 = tpu.concatenate %slice3A_112, %broadcast_in_dim3A_114 in 1 : vector<14x992xf32>, vector<14x32xf32> -> vector<14x1024xf32>
      %add3A_116 = arith.addf %add3A_111, %concatenate3A_115 : vector<14x1024xf32>
      %slice3A_117 = vector.extract_strided_slice %add3A_116 {offsets = [0, 64], sizes = [14, 960], strides = [1, 1]} : vector<14x1024xf32> to vector<14x960xf32>
      %broadcast_in_dim3A_118 = arith.constant 0.000000e+00 : f32
      %broadcast_in_dim3A_119 = vector.broadcast %broadcast_in_dim3A_118 : f32 to vector<14x64xf32>
      %concatenate3A_120 = tpu.concatenate %slice3A_117, %broadcast_in_dim3A_119 in 1 : vector<14x960xf32>, vector<14x64xf32> -> vector<14x1024xf32>
      %add3A_121 = arith.addf %add3A_116, %concatenate3A_120 : vector<14x1024xf32>
      %slice3A_122 = vector.extract_strided_slice %add3A_121 {offsets = [0, 128], sizes = [14, 896], strides = [1, 1]} : vector<14x1024xf32> to vector<14x896xf32>
      %broadcast_in_dim3A_123 = arith.constant 0.000000e+00 : f32
      %broadcast_in_dim3A_124 = vector.broadcast %broadcast_in_dim3A_123 : f32 to vector<14x128xf32>
      %concatenate3A_125 = tpu.concatenate %slice3A_122, %broadcast_in_dim3A_124 in 1 : vector<14x896xf32>, vector<14x128xf32> -> vector<14x1024xf32>
      %add3A_126 = arith.addf %add3A_121, %concatenate3A_125 : vector<14x1024xf32>
      %slice3A_127 = vector.extract_strided_slice %add3A_126 {offsets = [0, 256], sizes = [14, 768], strides = [1, 1]} : vector<14x1024xf32> to vector<14x768xf32>
      %broadcast_in_dim3A_128 = arith.constant 0.000000e+00 : f32
      %broadcast_in_dim3A_129 = vector.broadcast %broadcast_in_dim3A_128 : f32 to vector<14x256xf32>
      %concatenate3A_130 = tpu.concatenate %slice3A_127, %broadcast_in_dim3A_129 in 1 : vector<14x768xf32>, vector<14x256xf32> -> vector<14x1024xf32>
      %add3A_131 = arith.addf %add3A_126, %concatenate3A_130 : vector<14x1024xf32>
      %slice3A_132 = vector.extract_strided_slice %add3A_131 {offsets = [0, 512], sizes = [14, 512], strides = [1, 1]} : vector<14x1024xf32> to vector<14x512xf32>
      %broadcast_in_dim3A_133 = arith.constant 0.000000e+00 : f32
      %broadcast_in_dim3A_134 = vector.broadcast %broadcast_in_dim3A_133 : f32 to vector<14x512xf32>
      %concatenate3A_135 = tpu.concatenate %slice3A_132, %broadcast_in_dim3A_134 in 1 : vector<14x512xf32>, vector<14x512xf32> -> vector<14x1024xf32>
      %add3A_136 = arith.addf %add3A_131, %concatenate3A_135 : vector<14x1024xf32>
      %slice3A_137 = vector.extract_strided_slice %add3A_85 {offsets = [0, 0], sizes = [14, 1], strides = [1, 1]} : vector<14x1024xf32> to vector<14x1xf32>
      %sub3A = vector.broadcast %slice3A_137 : vector<14x1xf32> to vector<14x1024xf32>
      %sub3A_138 = arith.subf %sub3A, %add3A_85 : vector<14x1024xf32>
      %add3A_139 = vector.broadcast %slice3A_137 : vector<14x1xf32> to vector<14x1024xf32>
      %add3A_140 = arith.addf %add3A_139, %add3A_136 : vector<14x1024xf32>
      %sub3A_141 = arith.subf %add3A_140, %add3A_85 : vector<14x1024xf32>
      %max3A = arith.constant 1.000000e+00 : f32
      %max3A_142 = vector.broadcast %max3A : f32 to vector<14x1024xf32>
      %max3A_143 = arith.maximumf %sub3A_141, %max3A_142 : vector<14x1024xf32>
      %div3A = arith.divf %sub3A_138, %max3A_143 : vector<14x1024xf32>
      %sub3A_144 = arith.constant 1.000000e+00 : f32
      %sub3A_145 = vector.broadcast %sub3A_144 : f32 to vector<14x1024xf32>
      %sub3A_146 = arith.subf %sub3A_145, %div3A : vector<14x1024xf32>
      %max3A_147 = arith.constant 1.000000e+00 : f32
      %max3A_148 = vector.broadcast %max3A_147 : f32 to vector<14x1xf32>
      %max3A_149 = arith.maximumf %slice3A_137, %max3A_148 : vector<14x1xf32>
      %div3A_150 = arith.divf %slice3A_137, %max3A_149 : vector<14x1xf32>
      %sub3A_151 = arith.constant 1.000000e+00 : f32
      %sub3A_152 = vector.broadcast %sub3A_151 : f32 to vector<14x1xf32>
      %sub3A_153 = arith.subf %sub3A_152, %div3A_150 : vector<14x1xf32>
      %slice3A_154 = vector.extract_strided_slice %sub3A_146 {offsets = [0, 1], sizes = [14, 1023], strides = [1, 1]} : vector<14x1024xf32> to vector<14x1023xf32>
      %concatenate3A_155 = tpu.concatenate %slice3A_154, %sub3A_153 in 1 : vector<14x1023xf32>, vector<14x1xf32> -> vector<14x1024xf32>
      %iota3A = tpu.iota {dimensions = array<i32: 1>} : vector<14x1024xi32>
      %convert_element_type3A_156 = arith.sitofp %iota3A : vector<14x1024xi32> to vector<14x1024xf32>
      %mul3A = arith.constant 2.000000e+00 : f32
      %mul3A_157 = vector.broadcast %mul3A : f32 to vector<14x1024xf32>
      %mul3A_158 = arith.mulf %mul3A_157, %convert_element_type3A_156 : vector<14x1024xf32>
      %add3A_159 = arith.constant 1.000000e+00 : f32
      %add3A_160 = vector.broadcast %add3A_159 : f32 to vector<14x1024xf32>
      %add3A_161 = arith.addf %mul3A_158, %add3A_160 : vector<14x1024xf32>
      %mul3A_162 = arith.constant 9.765625E-4 : f32
      %mul3A_163 = vector.broadcast %mul3A_162 : f32 to vector<14x1024xf32>
      %mul3A_164 = arith.mulf %add3A_161, %mul3A_163 : vector<14x1024xf32>
      %sub3A_165 = arith.subf %sub3A_146, %concatenate3A_155 : vector<14x1024xf32>
      %mul3A_166 = arith.mulf %mul3A_164, %sub3A_165 : vector<14x1024xf32>
      %reduce_sum3A = arith.constant dense<0.000000e+00> : vector<14xf32>
      %reduce_sum3A_167 = vector.multi_reduction <add>, %mul3A_166, %reduce_sum3A [1] : vector<14x1024xf32> to vector<14xf32>
      %broadcast_in_dim3A_168 = vector.shape_cast %reduce_sum3A_167 : vector<14xf32> to vector<14x1xf32>
      %broadcast_in_dim3A_169 = vector.shape_cast %broadcast_in_dim3A_168 : vector<14x1xf32> to vector<14x1xf32>
      %broadcast_in_dim3A_170 = vector.broadcast %broadcast_in_dim3A_169 : vector<14x1xf32> to vector<14x128xf32>
      %swap3A_171 = arith.constant 0 : index
      %swap3A_172 = arith.constant 0 : index
      %swap3A_173 = vector.load %arg2[%swap3A_171, %swap3A_172] : memref<14x128xf32, #tpu.memory_space<vmem>>, vector<14x128xf32>
      tpu.vector_store %arg2[%swap3A_171, %swap3A_172], %broadcast_in_dim3A_170 {strides = array<i32>} : memref<14x128xf32, #tpu.memory_space<vmem>>, vector<14x128xf32>,
    } else {
    }
    return
  }
  func.func @transform_0(%arg0: i32) -> (i32, i32, i32, i32) {
    %c0_i32 = arith.constant 0 : i32
    %c0_i32_0 = arith.constant 0 : i32
    %c0_i32_1 = arith.constant 0 : i32
    %c0_i32_2 = arith.constant 0 : i32
    return %arg0, %c0_i32, %c0_i32_0, %c0_i32_1 : i32, i32, i32, i32
  }
  func.func @transform_1(%arg0: i32) -> (i32, i32) {
    %c0_i32 = arith.constant 0 : i32
    %c0_i32_0 = arith.constant 0 : i32
    %c0_i32_1 = arith.constant 0 : i32
    return %c0_i32, %c0_i32_0 : i32, i32
  }
}

</mosaic_0001>

<sc_bundles>
// kernel: kernel.6.cloned.1.call-start
scs
__scs_entry_jumppad:
0x0: {  	(pc) =	sbr.rel $0x88, $3  }
0x1: {  	(tag) =	ssettag $0x0;
	lr =	simm.s32 $0x1  }
0x2: {  	[smem:$0x3F9E] =	sst lr;
	_ =	strace $0xD0000000  }
0x3: {  	_ = 	snop  }
0x4: {  	_ = 	snop  }
0x5: {  	_ = 	snop  }
0x6: {  	_ = 	snop  }
0x7: {  	_ = 	snop  }
__scs_overlays_trampoline_lowered:
0x8: {  	[smem:$0x3FAD] =	sst s0  }
0x9: {  	[smem:$0x3FAE] =	sst s1  }
0xa: {  	[smem:$0x3FAF] =	sst s2  }
0xb: {  	[smem:$0x3FB0] =	sst s3  }
0xc: {  	[smem:$0x3FB1] =	sst s4  }
0xd: {  	[smem:$0x3FB2] =	sst s5  }
0xe: {  	[smem:$0x3FB3] =	sst s6  }
0xf: {  	[smem:$0x3FB4] =	sst s7  }
0x10: {  	[smem:$0x3FB5] =	sst s8  }
0x11: {  	[smem:$0x3FB6] =	sst s9;
	s0 =	simm.s32 @!p0 $0x0  }
0x12: {  	s1 =	sld [smem:$0x3F9C];
	s0 =	simm.s32 @p0 $0x1  }
0x13: {  	[smem:$0x3FB7] =	sst s0;
	s0 =	simm.s32 @!p1 $0x0  }
0x14: {  	s2 =	sld [smem:$0x3F9B];
	s0 =	simm.s32 @p1 $0x1  }
0x15: {  	[smem:$0x3FB8] =	sst s0;
	s0 =	simm.s32 @!p2 $0x0  }
0x16: {  	s3 =	sld [smem:$0x3FDB];
	s0 =	simm.s32 @p2 $0x1  }
0x17: {  	s4 =	simm.s32 $0x1BF5;
	[smem:$0x3FBA] =	sst s0  }
0x18: {  	s0 =	sld [smem:$0x3F9D];
	_ =	swait.ge [sflag:s4], $0x0  }
0x19: {  	s7 =	sld [smem:$0x3F9E]  }
0x1a: {  	s8 =	sadd.s32 $0xFFFFE003, lr  }
0x1b: {  	s9 =	sadd.s32 $0xFFFFFEF7, lr;
	s5 =	simm.s32 $0xFFFFFFFF;
	p2 =	slt.u32 s8, $0xFFFFF086  }
0x1c: {  	p1 =	slt.u32 s9, $0xF7A;
	s5 =	simm.s32 @!p2 $0x0  }
0x1d: {  	s5 =	simm.s32 @p1 $0x1;
	p0 =	seq.s32 s7, s2  }
0x1e: {  	s7 =	smul.u32 @!p0 $0xF7A, s2;
	p2 =	seq.s32 @!p0 s5, $0x0  }
0x1f: {  	s9 =	smul.u32 $0xF7A, s1;
	s8 =	simm.s32 @!p0 $0x1BF5;
	p2 =	por !p2, p0  }
0x20: {  	[sflag:s8] =	ssyncset.s32 @!p0 $0xFFFFF086;
	s6 =	sadd.s32 @!p0 s3, s7;
	s7 =	simm.s32 @!p0 $0x108  }
0x21: {  	s3 =	sadd.s32 s3, s9;
	s6 =	sadd.s32 @!p0 $0x88, s6;
	s7 =	simm.s32 @p2 $0x1082  }
0x22: {  	[simem:s7], [sflag:s8] =	dma.local @!p0 [hbm:s6], $0xF7A  }
0x23: {  	s9 =	sor.u32 $0xD0000000, s2;
	s6 =	simm.s32 $0x108;
	_ =	swait.ge @!p0 [sflag:s8], $0x0  }
0x24: {  	s3 =	sadd.s32 $0x88, s3;
	s6 =	simm.s32 @!p1 $0x1082;
	[sflag:s4] =	ssyncset.s32 $0xFFFFF086  }
0x25: {  	[simem:s6], [sflag:s4] =	dma.local [hbm:s3], $0xF7A  }
0x26: {  	[smem:$0x3F9E] =	sst s1;
	(tag) =	ssettag s2;
	_ =	strace s9  }
0x27: {  	s1 =	sld [smem:$0x3FAE]  }
0x28: {  	s2 =	sld [smem:$0x3FAF]  }
0x29: {  	s4 =	sld [smem:$0x3FB1]  }
0x2a: {  	p0 =	seq.s32 s5, $0x0;
	s5 =	sld [smem:$0x3FB2]  }
0x2b: {  	s6 =	sld [smem:$0x3FB3]  }
0x2c: {  	s7 =	sld [smem:$0x3FB4]  }
0x2d: {  	s3 =	simm.s32 $0x108;
	s8 =	sld [smem:$0x3FB5]  }
0x2e: {  	s3 =	simm.s32 @!p0 $0x1082;
	s9 =	sld [smem:$0x3FB6]  }
0x2f: {  	lr =	sadd.s32 s0, s3;
	s0 =	sld [smem:$0x3FAD]  }
0x30: {  	s3 =	sld [smem:$0x3FB0]  }
0x31: {  	[smem:$0x3FB9] =	sst s10  }
0x32: {  	s10 =	sld [smem:$0x3FB7];
	_ =	sdelay $0x3  }
0x33: {  	p0 =	seq.s32 s10, $0x1;
	s10 =	sld [smem:$0x3FB9];
	_ =	sdelay $0x3  }
0x34: {  	[smem:$0x3FB9] =	sst s10  }
0x35: {  	s10 =	sld [smem:$0x3FB8];
	_ =	sdelay $0x3  }
0x36: {  	p1 =	seq.s32 s10, $0x1;
	s10 =	sld [smem:$0x3FB9];
	_ =	sdelay $0x3  }
0x37: {  	[smem:$0x3FB9] =	sst s10  }
0x38: {  	s10 =	sld [smem:$0x3FBA]  }
0x39: {  	_ = 	snop;
	(pc) =	sbr.ind lr, $3  }
0x3a: {  	_ = 	snop  }
0x3b: {  	_ = 	snop  }
0x3c: {  	p2 =	seq.s32 s10, $0x1;
	s10 =	sld [smem:$0x3FB9]  }
0x3d: {  	_ =	shalt  }
0x3e: {  	_ =	shalt  }
0x3f: {  	_ =	shalt  }
0x40: {  	_ =	shalt  }
0x41: {  	_ =	shalt  }
0x42: {  	_ =	shalt  }
0x43: {  	_ =	shalt  }
0x44: {  	_ =	shalt  }
0x45: {  	_ =	shalt  }
0x46: {  	_ =	shalt  }
0x47: {  	_ =	shalt  }
0x48: {  	_ =	shalt  }
0x49: {  	_ =	shalt  }
0x4a: {  	_ =	shalt  }
0x4b: {  	_ =	shalt  }
0x4c: {  	_ =	shalt  }
0x4d: {  	_ =	shalt  }
0x4e: {  	_ =	shalt  }
0x4f: {  	_ =	shalt  }
0x50: {  	_ =	shalt  }
0x51: {  	_ =	shalt  }
0x52: {  	_ =	shalt  }
0x53: {  	_ =	shalt  }
0x54: {  	_ =	shalt  }
0x55: {  	_ =	shalt  }
0x56: {  	_ =	shalt  }
0x57: {  	_ =	shalt  }
0x58: {  	_ =	shalt  }
0x59: {  	_ =	shalt  }
0x5a: {  	_ =	shalt  }
0x5b: {  	_ =	shalt  }
0x5c: {  	_ =	shalt  }
0x5d: {  	_ =	shalt  }
0x5e: {  	_ =	shalt  }
0x5f: {  	_ =	shalt  }
0x60: {  	_ =	shalt  }
0x61: {  	_ =	shalt  }
0x62: {  	_ =	shalt  }
0x63: {  	_ =	shalt  }
0x64: {  	_ =	shalt  }
0x65: {  	_ =	shalt  }
0x66: {  	_ =	shalt  }
0x67: {  	_ =	shalt  }
0x68: {  	_ =	shalt  }
0x69: {  	_ =	shalt  }
0x6a: {  	_ =	shalt  }
0x6b: {  	_ =	shalt  }
0x6c: {  	_ =	shalt  }
0x6d: {  	_ =	shalt  }
0x6e: {  	_ =	shalt  }
0x6f: {  	_ =	shalt  }
0x70: {  	_ =	shalt  }
0x71: {  	_ =	shalt  }
0x72: {  	_ =	shalt  }
0x73: {  	_ =	shalt  }
0x74: {  	_ =	shalt  }
0x75: {  	_ =	shalt  }
0x76: {  	_ =	shalt  }
0x77: {  	_ =	shalt  }
0x78: {  	_ =	shalt  }
0x79: {  	_ =	shalt  }
0x7a: {  	_ =	shalt  }
0x7b: {  	_ =	shalt  }
0x7c: {  	_ =	shalt  }
0x7d: {  	_ =	shalt  }
0x7e: {  	_ =	shalt  }
0x7f: {  	_ =	shalt  }
0x80: {  	_ =	shalt  }
0x81: {  	_ =	shalt  }
0x82: {  	_ =	shalt  }
0x83: {  	_ =	shalt  }
0x84: {  	_ =	shalt  }
0x85: {  	_ =	shalt  }
0x86: {  	_ =	shalt  }
0x87: {  	_ =	shalt  }
.Lfunc_end0:
.L_simem_size_0:
called_computation_lowered:
.L_overlay_start_0:
0x88: {  	s2 =	sld [smem:$0x3FD9]  }
0x89: {  	s3 =	sld [smem:$0x3FFE];
	_ =	sdelay $0x1  }
0x8a: {  	s1 =	srdreg.scid  }
0x8b: {  	s0 =	sand.u32 $0x1, s1  }
0x8c: {  	s16 =	sshll.u32 s0, $0xA;
	s2 =	sadd.s32 s3, s2  }
0x8d: {  	s2 =	sadd.s32 s2, s16  }
0x8e: {  	[smem:$0x3FC5] =	sst s2  }
0x8f: {  	_ = 	snop  }
0x90: {  	(tm) =	ssettm $0x1  }
0x91: {  	s17 =	sld [smem:$0x3FFB];
	_ =	sdelay $0x3  }
0x92: {  	_ =	strace s17  }
0x93: {  	s2 =	sld [smem:$0x3FFC];
	_ =	sdelay $0x3  }
0x94: {  	_ =	strace s2  }
0x95: {  	s2 =	sld [smem:$0x3FFD];
	_ =	sdelay $0x3  }
0x96: {  	_ =	strace s2  }
0x97: {  	_ =	strace $0x8FFFFFFF  }
0x98: {  	s18 =	sld [smem:$0x3FDB];
	_ =	sdelay $0x1  }
0x99: {  	s19 =	simm.s32 $_scs_section_size  }
0x9a: {  	s4 =	simm.s32 $_size__tile_overlayer_lowered;
	s5 =	simm.s32 $_tile_overlayer_lowered  }
0x9b: {  	s22 =	simm.s32 $0x1BFF;
	s21 =	sshll.u32 s5, $0x1;
	s2 =	sadd.s32 s19, s18  }
0x9c: {  	s6 =	simm.s32 $0x0;
	s20 =	sshll.u32 s4, $0x1;
	s4 =	sadd.s32 s21, s2  }
0x9d: {  	[timem:s6], [sflag:s22] =	dma.local [hbm:s4], s20  }
0x9e: {  	_ =	swait.ge [sflag:s22], s20  }
0x9f: {  	s3 =	ssub.s32 $0x0, s20;
	[sflag:s22] =	ssyncset.done $0x0  }
0xa0: {  	[sflag:s22] =	ssyncadd.s32 s3;
	_ =	sdelay $0x1  }
0xa1: {  	s23 =	simm.s32 $0x1B8B  }
0xa2: {  	_ =	swait.ge [sflag:s23], $0x1  }
0xa3: {  	[sflag:s23] =	ssyncset.done $0x0  }
0xa4: {  	s25 =	simm.s32 $0x1B8E;
	s24 =	sld [smem:$0x3FFE];
	[sflag:s23] =	ssyncadd.s32 $0xFFFFFFFF  }
0xa5: {  	s26 =	simm.s32 $execute0_lowered;
	[smem:$0x3FD2] =	sst s25  }
0xa6: {  	s4 =	sshll.u32 s26, $0x1;
	_ =	strace $0x80000046;
	[dreg:$0x1] =	wrdreg $0xFFFFFFFF  }
0xa7: {  	s28 =	simm.s32 $_size_execute0_lowered;
	s2 =	sadd.s32 s2, s4;
	[dreg:$0x0] =	wrdreg $0x0  }
0xa8: {  	s4 =	sshll.u32 s28, $0x1;
	[dreg:$0x2] =	wrdreg s2  }
0xa9: {  	[dreg:$0x3] =	wrdreg s4  }
0xaa: {  	[dreg:$0x4] =	wrdreg $0xC0  }
0xab: {  	_ =	task [dreg:s6], $0x5FFFF  }
0xac: {  	[dreg:$0x1] =	wrdreg $0xFFFFFFFF  }
0xad: {  	[dreg:$0x0] =	wrdreg $0x60  }
0xae: {  	[dreg:$0x2] =	wrdreg s24  }
0xaf: {  	[dreg:$0x3] =	wrdreg $0x9  }
0xb0: {  	_ =	task.clear_ibuf [dreg:s6], $0x4FFFF;
	_ =	strace $0x90000046  }
0xb1: {  	s29 =	simm.s32 $0x9;
	_ =	strace $0x80000048  }
0xb2: {  	_ =	swait.ge [sflag:s29], $0x1  }
0xb3: {  	[sflag:s29] =	ssyncadd.s32 $0xFFFFFFFF  }
0xb4: {  	_ =	strace $0x90000048  }
0xb5: {  	_ =	sfence  }
0xb6: {  	s30 =	sld [smem:$0x0];
	_ =	sdelay $0x2  }
0xb7: {  	s31 =	sshll.u32 s1, $0xD;
	s1 =	sshrl.u32 s1, $0x2  }
0xb8: {  	s3 =	sand.u32 $0x4000, s31;
	s1 =	sadd.s32 s1, s30  }
0xb9: {  	s0 =	sor.u32 s3, s0;
	s1 =	sshll.u32 s1, $0x11  }
0xba: {  	s0 =	sor.u32 s1, s0  }
0xbb: {  	s0 =	sadd.s32 $0x8F2B, s0  }
0xbc: {  	[sflag:s0] =	ssyncadd.remote.s32 $0x1  }
0xbd: {  	_ =	sfence.sel $0xFFFF  }
0xbe: {  	[dreg:$0x0] =	wrdreg $0xFFFFFFFF;
	(pc) =	sbr.abs _section_cstart, $3  }
0xbf: {  	[dreg:$0x1] =	wrdreg $0xFFFFFFFF  }
0xc0: {  	_ =	task.clear_ibuf [dreg:s6], $0x2FFFF;
	_ =	strace $0x9FFFFFFF  }
0xc1: {  	(tm) =	ssettm $0x7FFFFFFF  }
tec
execute0_lowered:
.L_overlay_start_1:
0x0: {  	(tag) =	ssettag $0x1  }
0x1: {  	s1 =	srdreg.scid  }
0x2: {  	s0 =	stileid.u32;
	s2 =	rddreg [dreg:$0x0];
	s10 =	simm.s32 $0x1F80  }
0x3: {  	s11 =	simm.s32 $0x3F00;
	s12 =	simm.s32 $0x2;
	s13 =	simm.s32 $0x80  }
0x4: {  	s14 =	simm.s32 $0x400;
	s15 =	simm.s32 $0x3;
	s4 =	sand.u32 $0x1, s1  }
0x5: {  	s3 =	sshll.u32 s0, $0x1;
	s1 =	rddreg [dreg:$0x1];
	s6 =	sshrl.u32 s0, $0x2  }
0x6: {  	s5 =	sor.u32 s4, s3;
	s3 =	simm.s32 $0x0;
	s6 =	smul.u32 $0x38000, s6  }
0x7: {  	s4 =	ssub.s32 $0x2, s4;
	s7 =	sshll.u32 s5, $0x7;
	[smem:$0x7FF] =	sst s3  }
0x8: {  	s28 =	smul.u32 $0x3F000, s5;
	s30 =	sshrl.u32 s4, $0x1;
	s7 =	sand.u32 $0x380, s7  }
0x9: {  	_ =	strace $0x80000047;
	s9 =	ssub.s32 s4, s30;
	s6 =	sor.u32 s6, s7  }
0xa: {  	s31 =	sshrl.u32 s28, $0x4;
	s5 =	sadd.s32 $0x3F00, s28;
	s29 =	sshrl.u32 s6, $0x3  }
0xb: {  	s4 =	sadd.s32 s2, s31;
	s6 =	sadd.s32 $0x7E00, s28;
	s8 =	sadd.s32 s29, s2  }
0xc: {  	v0 =	vimm.s32 $0x0;
	s7 =	sadd.s32 $0x7E000, s8;
	s8 =	smax.u32 s9, $0x1;
	s9 =	simm.s32 $0x1  }
.LBB2_1:
0xd: {  	s16 =	simm.s32 $0x0;
	s17 =	simm.s32 $0x200  }
.LBB2_2:
0xe: {  	p0 =	sne.s32 s17, $0x1BE00;
	[tilespmem:s16+$0x3F70] =	vst v0  }
0xf: {  	[tilespmem:s16+$0x3F00] =	vst v0  }
0x10: {  	[tilespmem:s16+$0x3F10] =	vst v0  }
.Ltmp0:
0x11: {  	[tilespmem:s16+$0x3F20] =	vst v0;
	(pc) =	sbr.rel @p0 .LBB2_2-.Ltmp0, $4  }
0x12: {  	[tilespmem:s16+$0x3F30] =	vst v0  }
0x13: {  	[tilespmem:s16+$0x3F40] =	vst v0  }
0x14: {  	[tilespmem:s16+$0x3F50] =	vst v0  }
0x15: {  	[tilespmem:s16+$0x3F60] =	vst v0;
	s16 =	sshra.s32 s17, $0x2;
	s17 =	sadd.s32 $0x200, s17  }
0x16: {  	[tilespmem:s16+$0x3F70] =	vst v0  }
0x17: {  	[tilespmem:s16+$0x3F00] =	vst v0  }
0x18: {  	[tilespmem:s16+$0x3F10] =	vst v0  }
0x19: {  	[tilespmem:s16+$0x3F20] =	vst v0  }
0x1a: {  	[tilespmem:s16+$0x3F30] =	vst v0  }
0x1b: {  	[tilespmem:s16+$0x3F40] =	vst v0  }
0x1c: {  	[tilespmem:s16+$0x3F50] =	vst v0  }
0x1d: {  	[tilespmem:s16+$0x3F60] =	vst v0;
	s16 =	simm.s32 $0x0;
	s17 =	simm.s32 $0x0  }
0x1e: {  	[tilespmem:s16], [sflag:$0x1] =	stream.linear.gather [hbm4b:s4+s16], $0x1F80, $0x38;
	[tilespmem:$0xAF00] =	vst v63  }
.LBB2_4:
0x1f: {  	s18 =	smul.u32 $0x7E00, s17;
	_ =	sdelay $0x1  }
0x20: {  	_ =	swait.ge [sflag:s9], $0x1F80;
	s19 =	sadd.s32 s18, s5  }
0x21: {  	s22 =	simm.s32 $0xA0;
	[sflag:s9] =	ssyncset.done $0x0;
	s19 =	sshrl.u32 s19, $0x4  }
0x22: {  	s20 =	simm.s32 $0x140;
	[sflag:s9] =	ssyncadd.s32 $0xFFFFE080;
	s19 =	sadd.s32 s2, s19  }
0x23: {  	[tilespmem:s10], [sflag:$0x2] =	stream.linear.gather [hbm4b:s19+s16], $0x1F80, $0x38;
	[tilespmem:$0xAF00] =	vst v63  }
0x24: {  	s20 =	sand.u32 $0xC0, s20;
	s19 =	sand.u32 $0x7F00, s22  }
0x25: {  	s19 =	sor.u32 s20, s19  }
0x26: {  	s19 =	sshrl.u32 s19, $0x1  }
0x27: {  	s23 =	sxor.u32 $0xFFFFFFFF, s16;
	s21 =	simm.s32 $0x40;
	v1 =	vld [tilespmem:s19+$0x0]  }
0x28: {  	s24 =	simm.s32 $0x0;
	s21 =	sand.u32 $0x7F00, s21;
	s20 =	sand.u32 $0x80, s23  }
0x29: {  	s22 =	simm.s32 $0x0;
	s20 =	sor.u32 s20, s21;
	s19 =	sand.u32 $0x3F00, s24  }
0x2a: {  	s25 =	sand.u32 $0x40, s22;
	s20 =	sshrl.u32 s20, $0x1;
	s19 =	sshrl.u32 s19, $0x1  }
0x2b: {  	v3 =	vld [tilespmem:s20+$0x0];
	s19 =	sor.u32 s25, s19  }
0x2c: {  	v2 =	vld [tilespmem:s19+$0x0];
	v12 =	vunpack.i.l.s16.s32 v1  }
0x2d: {  	v13 =	vunpack.i.u.s16.s32 v1;
	(xrf1) =	vunique.msk.u32 $0xffff, v12  }
0x2e: {  	s26 =	simm.s32 $0x60;
	s28 =	simm.s32 $0xC0;
	(xrf1) =	vunique.msk.u32 $0xffff, v13  }
0x2f: {  	s22 =	sand.u32 $0xC0, s28;
	s20 =	sand.u32 $0x7F00, s26  }
0x30: {  	s29 =	sor.u32 s22, s20;
	v4 =	vld [tilespmem:s19+$0x20];
	v19 =	vunpack.i.l.s16.s32 v3  }
0x31: {  	s30 =	simm.s32 $0x80;
	s19 =	sshrl.u32 s29, $0x1;
	v1 =	vunpack.i.l.s16.s32 v2;
	(xrf1) =	vunique.msk.u32 $0xffff, v19  }
0x32: {  	v7 =	vld [tilespmem:s19+$0x0];
	s19 =	sand.u32 $0x7F00, s30;
	(xrf1) =	vunique.msk.u32 $0xffff, v1  }
0x33: {  	s19 =	sshrl.u32 s19, $0x1  }
0x34: {  	s31 =	sor.u32 s25, s19;
	v6 =	vunpack.i.u.s16.s32 v2  }
0x35: {  	v9 =	vld [tilespmem:s31+$0x0];
	v5 =	vunpack.i.l.s16.s32 v4;
	(xrf1) =	vunique.msk.u32 $0xffff, v6  }
0x36: {  	s23 =	simm.s32 $0x180;
	s24 =	simm.s32 $0x2C0;
	s19 =	simm.s32 $0x160;
	v2 =	vunpack.i.u.s16.s32 v4;
	(xrf1) =	vunique.msk.u32 $0xffff, v5  }
0x37: {  	s21 =	sxor.u32 $0xFFFFFFFF, s23;
	s22 =	sand.u32 $0xC0, s24;
	v3 =	vunpack.i.u.s16.s32 v3;
	s23 =	sand.u32 $0x7F00, s19;
	(xrf1) =	vunique.msk.u32 $0xffff, v2  }
0x38: {  	s22 =	sor.u32 s22, s23;
	v4 =	vunpack.i.l.s16.s32 v7;
	(xrf1) =	vunique.msk.u32 $0xffff, v3  }
0x39: {  	s22 =	sshrl.u32 s22, $0x1;
	v7 =	vunpack.i.u.s16.s32 v7;
	(xrf1) =	vunique.msk.u32 $0xffff, v4  }
0x3a: {  	v11 =	vld [tilespmem:s22+$0x0];
	v8 =	vunpack.i.l.s16.s32 v9;
	(xrf1) =	vunique.msk.u32 $0xffff, v7  }
0x3b: {  	s26 =	simm.s32 $0x100;
	v9 =	vunpack.i.u.s16.s32 v9;
	_, v14, vm0 =	vpop (xrf1);
	(xrf1) =	vunique.msk.u32 $0xffff, v8  }
0x3c: {  	s21 =	sand.u32 $0x80, s21;
	s25 =	simm.s32 $0xC0;
	s23 =	sand.u32 $0x7F00, s26;
	_, v15, vm3 =	vpop (xrf1);
	(xrf1) =	vunique.msk.u32 $0xffff, v9  }
0x3d: {  	s28 =	simm.s32 $0xC0;
	s20 =	sand.u32 $0x3F00, s25;
	s21 =	sor.u32 s21, s23  }
0x3e: {  	s20 =	sshrl.u32 s20, $0x1;
	s22 =	sand.u32 $0x40, s28;
	s21 =	sshrl.u32 s21, $0x1  }
0x3f: {  	s29 =	simm.s32 $0x120;
	s30 =	simm.s32 $0x240;
	s20 =	sor.u32 s22, s20;
	v16 =	vld [tilespmem:s21+$0x0];
	v10 =	vunpack.i.l.s16.s32 v11;
	_, v26, vm2 =	vpop (xrf1)  }
0x40: {  	s23 =	sand.u32 $0xC0, s30;
	s21 =	sand.u32 $0x7F00, s29;
	v17 =	vld [tilespmem:s20+$0x0];
	v11 =	vunpack.i.u.s16.s32 v11;
	_, v21, vm5 =	vpop (xrf1);
	(xrf1) =	vunique.msk.u32 $0xffff, v10  }
0x41: {  	s24 =	simm.s32 $0x140;
	s21 =	sor.u32 s23, s21;
	(xrf1) =	vunique.msk.u32 $0xffff, v11  }
0x42: {  	s31 =	sand.u32 $0x7F00, s24;
	v27 =	vld [tilespmem:s20+$0x20];
	s21 =	sshrl.u32 s21, $0x1  }
0x43: {  	s20 =	sshrl.u32 s31, $0x1;
	v25 =	vld [tilespmem:s21+$0x0];
	_, v18, vm1 =	vpop (xrf1)  }
0x44: {  	s20 =	sor.u32 s22, s20;
	_, v20, vm4 =	vpop (xrf1);
	[tilespmem:v12+s11+$0x0] =	vst.idx.add.s32.msk vm0, v14;
	v12 =	vunpack.i.l.s16.s32 v16  }
0x45: {  	v24 =	vld [tilespmem:s20+$0x0];
	v23 =	vunpack.i.l.s16.s32 v17;
	_, v22, vm6 =	vpop (xrf1);
	(xrf1) =	vunique.msk.u32 $0xffff, v12  }
0x46: {  	v14 =	vunpack.i.u.s16.s32 v17;
	[tilespmem:v13+s11+$0x0] =	vst.idx.add.s32.msk vm3, v15;
	v13 =	vunpack.i.u.s16.s32 v16;
	_, v17, vm0 =	vpop (xrf1);
	(xrf1) =	vunique.msk.u32 $0xffff, v23  }
0x47: {  	s20 =	simm.s32 $0x6;
	s21 =	simm.s32 $0x300;
	v15 =	vunpack.i.u.s16.s32 v27;
	v16 =	vunpack.i.l.s16.s32 v27;
	[tilespmem:v19+s11+$0x0] =	vst.idx.add.s32.msk vm2, v26;
	_, v19, vm2 =	vpop (xrf1);
	(xrf1) =	vunique.msk.u32 $0xffff, v14  }
.LBB2_5:
0x48: {  	s22 =	sxor.u32 $0xFFFFFFFF, s21;
	s23 =	sadd.s32 $0x140, s21;
	s19 =	sadd.s32 $0xC0, s19;
	(xrf1) =	vunique.msk.u32 $0xffff, v16;
	[tilespmem:v1+s11+$0x0] =	vst.idx.add.s32.msk vm5, v21;
	_, v21, vm5 =	vpop (xrf1);
	v1 =	vmov v23  }
0x49: {  	s20 =	sadd.s32 $0x6, s20;
	s24 =	sand.u32 $0x7F00, s19;
	s23 =	sand.u32 $0xC0, s23;
	v23 =	vunpack.i.u.s16.s32 v25;
	v25 =	vunpack.i.l.s16.s32 v25;
	(xrf1) =	vunique.msk.u32 $0xffff, v15;
	[tilespmem:v6+s11+$0x0] =	vst.idx.add.s32.msk vm1, v18;
	_, v18, vm1 =	vpop (xrf1)  }
0x4a: {  	s25 =	sadd.s32 $0xFFFFFF60, s19;
	p0 =	slt.u32 s20, $0x1F2;
	s23 =	sor.u32 s23, s24;
	v26 =	vunpack.i.u.s16.s32 v24;
	v24 =	vunpack.i.l.s16.s32 v24;
	(xrf1) =	vunique.msk.u32 $0xffff, v13;
	[tilespmem:v5+s11+$0x0] =	vst.idx.add.s32.msk vm4, v20;
	_, v27, vm3 =	vpop (xrf1)  }
0x4b: {  	s26 =	sadd.s32 $0xFFFFFFC0, s19;
	v6 =	vmovc v14;
	s24 =	sadd.s32 $0xFFFFFFA0, s19;
	v5 =	vmov v16;
	s23 =	sshrl.u32 s23, $0x1;
	(xrf1) =	vunique.msk.u32 $0xffff, v25;
	[tilespmem:v2+s11+$0x0] =	vst.idx.add.s32.msk vm6, v22;
	v2 =	vmov v15  }
0x4c: {  	s28 =	sadd.s32 $0xC0, s21;
	s29 =	sadd.s32 $0xFFFFFFE0, s19;
	s25 =	sand.u32 $0x3F00, s25;
	v14 =	vld [tilespmem:s23+$0x0];
	(xrf1) =	vunique.msk.u32 $0xffff, v23  }
0x4d: {  	s22 =	sand.u32 $0x80, s22;
	s23 =	sand.u32 $0x7F00, s24;
	s24 =	sand.u32 $0x7F00, s26;
	(xrf1) =	vunique.msk.u32 $0xffff, v24;
	[tilespmem:v3+s11+$0x0] =	vst.idx.add.s32.msk vm0, v17;
	v3 =	vmov v13  }
0x4e: {  	s28 =	sand.u32 $0xC0, s28;
	s29 =	sand.u32 $0x7F00, s29;
	s26 =	sshrl.u32 s21, $0x1;
	(xrf1) =	vunique.msk.u32 $0xffff, v26;
	_, v13, vm0 =	vpop (xrf1);
	[tilespmem:v4+s11+$0x0] =	vst.idx.add.s32.msk vm2, v19;
	v4 =	vmov v25  }
0x4f: {  	s25 =	sshrl.u32 s25, $0x1;
	s22 =	sor.u32 s22, s23;
	s23 =	sor.u32 s28, s24;
	_, v15, vm2 =	vpop (xrf1);
	[tilespmem:v7+s11+$0x0] =	vst.idx.add.s32.msk vm5, v21;
	v7 =	vmov v23  }
0x50: {  	s24 =	sand.u32 $0x40, s26;
	s26 =	sshrl.u32 s29, $0x1;
	s22 =	sshrl.u32 s22, $0x1;
	[tilespmem:v8+s11+$0x0] =	vst.idx.add.s32.msk vm1, v18;
	v8 =	vmov v24  }
0x51: {  	s25 =	sor.u32 s24, s25;
	v16 =	vld [tilespmem:s22+$0x0];
	s22 =	sshrl.u32 s23, $0x1;
	s23 =	sor.u32 s24, s26;
	v17 =	vunpack.i.l.s16.s32 v14  }
0x52: {  	v14 =	vunpack.i.u.s16.s32 v14;
	v19 =	vld [tilespmem:s25+$0x0];
	(xrf1) =	vunique.msk.u32 $0xffff, v17  }
0x53: {  	v28 =	vld [tilespmem:s25+$0x20];
	(xrf1) =	vunique.msk.u32 $0xffff, v14;
	_, v29, vm7 =	vpop (xrf1)  }
0x54: {  	[tilespmem:v10+s11+$0x0] =	vst.idx.add.s32.msk vm0, v13;
	_, v21, vm5 =	vpop (xrf1);
	v10 =	vmov v17  }
.Ltmp1:
0x55: {  	[tilespmem:v11+s11+$0x0] =	vst.idx.add.s32.msk vm2, v15;
	_, v18, vm1 =	vpop (xrf1);
	v11 =	vmov v14;
	(pc) =	sbr.rel @p0 .LBB2_5-.Ltmp1, $4  }
0x56: {  	v13 =	vunpack.i.u.s16.s32 v16;
	v30 =	vunpack.i.l.s16.s32 v16;
	v25 =	vld [tilespmem:s22+$0x0];
	_, v20, vm4 =	vpop (xrf1)  }
0x57: {  	v14 =	vunpack.i.u.s16.s32 v19;
	v23 =	vunpack.i.l.s16.s32 v19;
	v24 =	vld [tilespmem:s23+$0x0];
	(xrf1) =	vunique.msk.u32 $0xffff, v30;
	_, v22, vm6 =	vpop (xrf1)  }
0x58: {  	v15 =	vunpack.i.u.s16.s32 v28;
	v16 =	vunpack.i.l.s16.s32 v28;
	(xrf1) =	vunique.msk.u32 $0xffff, v23;
	_, v17, vm0 =	vpop (xrf1);
	[tilespmem:v9+s11+$0x0] =	vst.idx.add.s32.msk vm3, v27  }
0x59: {  	s21 =	sadd.s32 $0x180, s21;
	v9 =	vmov v26;
	(xrf1) =	vunique.msk.u32 $0xffff, v14;
	[tilespmem:v12+s11+$0x0] =	vst.idx.add.s32.msk vm7, v29;
	_, v19, vm2 =	vpop (xrf1);
	v12 =	vmov v30  }
0x5a: {  	(xrf1) =	vunique.msk.u32 $0xffff, v16  }
0x5b: {  	(xrf1) =	vunique.msk.u32 $0xffff, v15  }
0x5c: {  	v26 =	vunpack.i.l.s16.s32 v25;
	(xrf1) =	vunique.msk.u32 $0xffff, v13  }
0x5d: {  	v25 =	vunpack.i.u.s16.s32 v25;
	(xrf1) =	vunique.msk.u32 $0xffff, v26  }
0x5e: {  	v27 =	vunpack.i.l.s16.s32 v24;
	(xrf1) =	vunique.msk.u32 $0xffff, v25  }
0x5f: {  	_, v28, vm3 =	vpop (xrf1);
	v24 =	vunpack.i.u.s16.s32 v24;
	(xrf1) =	vunique.msk.u32 $0xffff, v27  }
0x60: {  	[tilespmem:v1+s11+$0x0] =	vst.idx.add.s32.msk vm5, v21;
	_, v1, vm5 =	vpop (xrf1);
	(xrf1) =	vunique.msk.u32 $0xffff, v24  }
0x61: {  	[tilespmem:v6+s11+$0x0] =	vst.idx.add.s32.msk vm1, v18;
	_, v6, vm1 =	vpop (xrf1)  }
0x62: {  	[tilespmem:v5+s11+$0x0] =	vst.idx.add.s32.msk vm4, v20;
	_, v5, vm4 =	vpop (xrf1)  }
0x63: {  	[tilespmem:v2+s11+$0x0] =	vst.idx.add.s32.msk vm6, v22;
	_, v2, vm6 =	vpop (xrf1)  }
0x64: {  	[tilespmem:v3+s11+$0x0] =	vst.idx.add.s32.msk vm0, v17  }
0x65: {  	[tilespmem:v4+s11+$0x0] =	vst.idx.add.s32.msk vm2, v19;
	_, v3, vm0 =	vpop (xrf1)  }
0x66: {  	[tilespmem:v7+s11+$0x0] =	vst.idx.add.s32.msk vm3, v28;
	_, v4, vm2 =	vpop (xrf1)  }
0x67: {  	[tilespmem:v8+s11+$0x0] =	vst.idx.add.s32.msk vm5, v1;
	_, v1, vm3 =	vpop (xrf1)  }
0x68: {  	[tilespmem:v10+s11+$0x0] =	vst.idx.add.s32.msk vm4, v5;
	_, v5, vm4 =	vpop (xrf1)  }
0x69: {  	[tilespmem:v11+s11+$0x0] =	vst.idx.add.s32.msk vm6, v2;
	_, v2, vm5 =	vpop (xrf1)  }
0x6a: {  	[tilespmem:v9+s11+$0x0] =	vst.idx.add.s32.msk vm1, v6;
	_, v7, vm6 =	vpop (xrf1)  }
0x6b: {  	[tilespmem:v12+s11+$0x0] =	vst.idx.add.s32.msk vm0, v3;
	_, v3, vm0 =	vpop (xrf1)  }
0x6c: {  	[tilespmem:v23+s11+$0x0] =	vst.idx.add.s32.msk vm2, v4;
	_, v4, vm1 =	vpop (xrf1)  }
0x6d: {  	[tilespmem:v14+s11+$0x0] =	vst.idx.add.s32.msk vm3, v1;
	_, v1, vm2 =	vpop (xrf1)  }
0x6e: {  	[tilespmem:v16+s11+$0x0] =	vst.idx.add.s32.msk vm4, v5;
	_, v5, vm3 =	vpop (xrf1)  }
0x6f: {  	[tilespmem:v15+s11+$0x0] =	vst.idx.add.s32.msk vm5, v2  }
0x70: {  	[tilespmem:v13+s11+$0x0] =	vst.idx.add.s32.msk vm6, v7  }
0x71: {  	[tilespmem:v26+s11+$0x0] =	vst.idx.add.s32.msk vm0, v3  }
0x72: {  	[tilespmem:v25+s11+$0x0] =	vst.idx.add.s32.msk vm1, v4  }
0x73: {  	[tilespmem:v27+s11+$0x0] =	vst.idx.add.s32.msk vm2, v1  }
0x74: {  	p0 =	seq.s32 s17, $0x7;
	[tilespmem:v24+s11+$0x0] =	vst.idx.add.s32.msk vm3, v5  }
0x75: {  	s21 =	simm.s32 $0xA0;
	s18 =	sadd.s32 @!p0 s18, s6;
	_ =	swait.ge [sflag:s12], $0x1F80  }
0x76: {  	s22 =	simm.s32 $0x140;
	s18 =	sshrl.u32 @!p0 s18, $0x4;
	[sflag:s12] =	ssyncset.done $0x0  }
0x77: {  	s19 =	simm.s32 @!p0 $0x0;
	s18 =	sadd.s32 @!p0 s2, s18;
	[sflag:s12] =	ssyncadd.s32 $0xFFFFE080  }
0x78: {  	[tilespmem:s19], [sflag:$0x1] =	stream.linear.gather @!p0 [hbm4b:s18+s19], $0x1F80, $0x38;
	[tilespmem:$0xAF00] =	vst v63  }
0x79: {  	s18 =	sand.u32 $0x7F00, s21;
	s19 =	sand.u32 $0xC0, s22  }
0x7a: {  	s18 =	sor.u32 s19, s18  }
0x7b: {  	s18 =	sshrl.u32 s18, $0x1  }
0x7c: {  	v1 =	vld [tilespmem:s18+$0x1F80]  }
0x7d: {  	s23 =	simm.s32 $0x0  }
0x7e: {  	s20 =	simm.s32 $0x40;
	s19 =	sxor.u32 $0xFFFFFFFF, s23  }
0x7f: {  	s24 =	simm.s32 $0x0;
	s20 =	sand.u32 $0x7F00, s20;
	s19 =	sand.u32 $0x80, s19  }
0x80: {  	s21 =	simm.s32 $0x0;
	s18 =	sand.u32 $0x3F00, s24;
	s19 =	sor.u32 s19, s20  }
0x81: {  	s25 =	sand.u32 $0x40, s21;
	s18 =	sshrl.u32 s18, $0x1;
	s19 =	sshrl.u32 s19, $0x1;
	v12 =	vunpack.i.l.s16.s32 v1  }
0x82: {  	s18 =	sor.u32 s25, s18;
	v3 =	vld [tilespmem:s19+$0x1F80];
	v13 =	vunpack.i.u.s16.s32 v1;
	(xrf1) =	vunique.msk.u32 $0xffff, v12  }
0x83: {  	v2 =	vld [tilespmem:s18+$0x1F80];
	(xrf1) =	vunique.msk.u32 $0xffff, v13;
	_ =	sdelay $0x1  }
0x84: {  	s26 =	simm.s32 $0x60;
	s28 =	simm.s32 $0xC0  }
0x85: {  	s21 =	sand.u32 $0xC0, s28;
	s19 =	sand.u32 $0x7F00, s26  }
0x86: {  	v4 =	vld [tilespmem:s18+$0x1FA0];
	s29 =	sor.u32 s21, s19;
	v19 =	vunpack.i.l.s16.s32 v3  }
0x87: {  	s30 =	simm.s32 $0x80;
	s18 =	sshrl.u32 s29, $0x1;
	v1 =	vunpack.i.l.s16.s32 v2;
	(xrf1) =	vunique.msk.u32 $0xffff, v19  }
0x88: {  	v7 =	vld [tilespmem:s18+$0x1F80];
	s18 =	sand.u32 $0x7F00, s30;
	(xrf1) =	vunique.msk.u32 $0xffff, v1  }
0x89: {  	s18 =	sshrl.u32 s18, $0x1  }
0x8a: {  	s31 =	sor.u32 s25, s18;
	v6 =	vunpack.i.u.s16.s32 v2  }
0x8b: {  	v5 =	vunpack.i.l.s16.s32 v4;
	v9 =	vld [tilespmem:s31+$0x1F80];
	(xrf1) =	vunique.msk.u32 $0xffff, v6  }
0x8c: {  	s24 =	simm.s32 $0x2C0;
	s18 =	simm.s32 $0x160;
	v2 =	vunpack.i.u.s16.s32 v4;
	(xrf1) =	vunique.msk.u32 $0xffff, v5  }
0x8d: {  	s21 =	sand.u32 $0xC0, s24;
	v3 =	vunpack.i.u.s16.s32 v3;
	s22 =	sand.u32 $0x7F00, s18;
	(xrf1) =	vunique.msk.u32 $0xffff, v2  }
0x8e: {  	s21 =	sor.u32 s21, s22;
	v4 =	vunpack.i.l.s16.s32 v7;
	(xrf1) =	vunique.msk.u32 $0xffff, v3  }
0x8f: {  	s21 =	sshrl.u32 s21, $0x1;
	v7 =	vunpack.i.u.s16.s32 v7;
	(xrf1) =	vunique.msk.u32 $0xffff, v4;
	_, v14, vm0 =	vpop (xrf1)  }
0x90: {  	s23 =	simm.s32 $0x180;
	v11 =	vld [tilespmem:s21+$0x1F80];
	v8 =	vunpack.i.l.s16.s32 v9;
	_, v15, vm3 =	vpop (xrf1);
	(xrf1) =	vunique.msk.u32 $0xffff, v7  }
0x91: {  	s20 =	sxor.u32 $0xFFFFFFFF, s23;
	s26 =	simm.s32 $0x100;
	v9 =	vunpack.i.u.s16.s32 v9;
	(xrf1) =	vunique.msk.u32 $0xffff, v8  }
0x92: {  	s20 =	sand.u32 $0x80, s20;
	s25 =	simm.s32 $0xC0;
	s22 =	sand.u32 $0x7F00, s26;
	(xrf1) =	vunique.msk.u32 $0xffff, v9  }
0x93: {  	s28 =	simm.s32 $0xC0;
	s19 =	sand.u32 $0x3F00, s25;
	s20 =	sor.u32 s20, s22  }
0x94: {  	s19 =	sshrl.u32 s19, $0x1;
	s21 =	sand.u32 $0x40, s28;
	s20 =	sshrl.u32 s20, $0x1  }
0x95: {  	s29 =	simm.s32 $0x120;
	s30 =	simm.s32 $0x240;
	s19 =	sor.u32 s21, s19;
	v16 =	vld [tilespmem:s20+$0x1F80];
	v10 =	vunpack.i.l.s16.s32 v11;
	_, v26, vm2 =	vpop (xrf1)  }
0x96: {  	s22 =	sand.u32 $0xC0, s30;
	s20 =	sand.u32 $0x7F00, s29;
	v17 =	vld [tilespmem:s19+$0x1F80];
	v11 =	vunpack.i.u.s16.s32 v11;
	_, v21, vm5 =	vpop (xrf1);
	(xrf1) =	vunique.msk.u32 $0xffff, v10  }
0x97: {  	s23 =	simm.s32 $0x140;
	s20 =	sor.u32 s22, s20;
	(xrf1) =	vunique.msk.u32 $0xffff, v11  }
0x98: {  	s31 =	sand.u32 $0x7F00, s23;
	v27 =	vld [tilespmem:s19+$0x1FA0];
	s20 =	sshrl.u32 s20, $0x1  }
0x99: {  	s19 =	sshrl.u32 s31, $0x1;
	v25 =	vld [tilespmem:s20+$0x1F80];
	_, v18, vm1 =	vpop (xrf1)  }
0x9a: {  	s19 =	sor.u32 s21, s19;
	_, v20, vm4 =	vpop (xrf1);
	[tilespmem:v12+s11+$0x0] =	vst.idx.add.s32.msk vm0, v14;
	v12 =	vunpack.i.l.s16.s32 v16  }
0x9b: {  	v24 =	vld [tilespmem:s19+$0x1F80];
	v23 =	vunpack.i.l.s16.s32 v17;
	_, v22, vm6 =	vpop (xrf1);
	(xrf1) =	vunique.msk.u32 $0xffff, v12  }
0x9c: {  	v14 =	vunpack.i.u.s16.s32 v17;
	[tilespmem:v13+s11+$0x0] =	vst.idx.add.s32.msk vm3, v15;
	v13 =	vunpack.i.u.s16.s32 v16;
	_, v17, vm0 =	vpop (xrf1);
	(xrf1) =	vunique.msk.u32 $0xffff, v23  }
0x9d: {  	s19 =	simm.s32 $0x6;
	s20 =	simm.s32 $0x300;
	v15 =	vunpack.i.u.s16.s32 v27;
	v16 =	vunpack.i.l.s16.s32 v27;
	[tilespmem:v19+s11+$0x0] =	vst.idx.add.s32.msk vm2, v26;
	_, v19, vm2 =	vpop (xrf1);
	(xrf1) =	vunique.msk.u32 $0xffff, v14  }
.LBB2_7:
0x9e: {  	s21 =	sxor.u32 $0xFFFFFFFF, s20;
	s22 =	sadd.s32 $0x140, s20;
	s18 =	sadd.s32 $0xC0, s18;
	(xrf1) =	vunique.msk.u32 $0xffff, v16;
	[tilespmem:v1+s11+$0x0] =	vst.idx.add.s32.msk vm5, v21;
	_, v21, vm5 =	vpop (xrf1);
	v1 =	vmov v23  }
0x9f: {  	s19 =	sadd.s32 $0x6, s19;
	s23 =	sand.u32 $0x7F00, s18;
	s22 =	sand.u32 $0xC0, s22;
	v23 =	vunpack.i.u.s16.s32 v25;
	v25 =	vunpack.i.l.s16.s32 v25;
	(xrf1) =	vunique.msk.u32 $0xffff, v15;
	[tilespmem:v6+s11+$0x0] =	vst.idx.add.s32.msk vm1, v18;
	_, v18, vm1 =	vpop (xrf1)  }
0xa0: {  	s24 =	sadd.s32 $0xFFFFFF60, s18;
	p0 =	slt.u32 s19, $0x1F2;
	s22 =	sor.u32 s22, s23;
	v26 =	vunpack.i.u.s16.s32 v24;
	v24 =	vunpack.i.l.s16.s32 v24;
	(xrf1) =	vunique.msk.u32 $0xffff, v13;
	[tilespmem:v5+s11+$0x0] =	vst.idx.add.s32.msk vm4, v20;
	_, v27, vm3 =	vpop (xrf1)  }
0xa1: {  	s25 =	sadd.s32 $0xFFFFFFC0, s18;
	v6 =	vmovc v14;
	s23 =	sadd.s32 $0xFFFFFFA0, s18;
	v5 =	vmov v16;
	s22 =	sshrl.u32 s22, $0x1;
	(xrf1) =	vunique.msk.u32 $0xffff, v25;
	[tilespmem:v2+s11+$0x0] =	vst.idx.add.s32.msk vm6, v22;
	v2 =	vmov v15  }
0xa2: {  	s26 =	sadd.s32 $0xC0, s20;
	s28 =	sadd.s32 $0xFFFFFFE0, s18;
	s24 =	sand.u32 $0x3F00, s24;
	v14 =	vld [tilespmem:s22+$0x1F80];
	(xrf1) =	vunique.msk.u32 $0xffff, v23  }
0xa3: {  	s21 =	sand.u32 $0x80, s21;
	s22 =	sand.u32 $0x7F00, s23;
	s23 =	sand.u32 $0x7F00, s25;
	(xrf1) =	vunique.msk.u32 $0xffff, v24;
	[tilespmem:v3+s11+$0x0] =	vst.idx.add.s32.msk vm0, v17;
	v3 =	vmov v13  }
0xa4: {  	s26 =	sand.u32 $0xC0, s26;
	s28 =	sand.u32 $0x7F00, s28;
	s25 =	sshrl.u32 s20, $0x1;
	(xrf1) =	vunique.msk.u32 $0xffff, v26;
	_, v13, vm0 =	vpop (xrf1);
	[tilespmem:v4+s11+$0x0] =	vst.idx.add.s32.msk vm2, v19;
	v4 =	vmov v25  }
0xa5: {  	s24 =	sshrl.u32 s24, $0x1;
	s21 =	sor.u32 s21, s22;
	s22 =	sor.u32 s26, s23;
	_, v15, vm2 =	vpop (xrf1);
	[tilespmem:v7+s11+$0x0] =	vst.idx.add.s32.msk vm5, v21;
	v7 =	vmov v23  }
0xa6: {  	s23 =	sand.u32 $0x40, s25;
	s25 =	sshrl.u32 s28, $0x1;
	s21 =	sshrl.u32 s21, $0x1;
	[tilespmem:v8+s11+$0x0] =	vst.idx.add.s32.msk vm1, v18;
	v8 =	vmov v24  }
0xa7: {  	s24 =	sor.u32 s23, s24;
	v16 =	vld [tilespmem:s21+$0x1F80];
	s21 =	sshrl.u32 s22, $0x1;
	s22 =	sor.u32 s23, s25;
	v17 =	vunpack.i.l.s16.s32 v14  }
0xa8: {  	v14 =	vunpack.i.u.s16.s32 v14;
	v19 =	vld [tilespmem:s24+$0x1F80];
	(xrf1) =	vunique.msk.u32 $0xffff, v17  }
0xa9: {  	v28 =	vld [tilespmem:s24+$0x1FA0];
	(xrf1) =	vunique.msk.u32 $0xffff, v14;
	_, v29, vm7 =	vpop (xrf1)  }
0xaa: {  	[tilespmem:v10+s11+$0x0] =	vst.idx.add.s32.msk vm0, v13;
	_, v21, vm5 =	vpop (xrf1);
	v10 =	vmov v17  }
.Ltmp2:
0xab: {  	[tilespmem:v11+s11+$0x0] =	vst.idx.add.s32.msk vm2, v15;
	_, v18, vm1 =	vpop (xrf1);
	v11 =	vmov v14;
	(pc) =	sbr.rel @p0 .LBB2_7-.Ltmp2, $4  }
0xac: {  	v13 =	vunpack.i.u.s16.s32 v16;
	v30 =	vunpack.i.l.s16.s32 v16;
	v25 =	vld [tilespmem:s21+$0x1F80];
	_, v20, vm4 =	vpop (xrf1)  }
0xad: {  	v14 =	vunpack.i.u.s16.s32 v19;
	v23 =	vunpack.i.l.s16.s32 v19;
	v24 =	vld [tilespmem:s22+$0x1F80];
	(xrf1) =	vunique.msk.u32 $0xffff, v30;
	_, v22, vm6 =	vpop (xrf1)  }
0xae: {  	v15 =	vunpack.i.u.s16.s32 v28;
	v16 =	vunpack.i.l.s16.s32 v28;
	(xrf1) =	vunique.msk.u32 $0xffff, v23;
	_, v17, vm0 =	vpop (xrf1);
	[tilespmem:v9+s11+$0x0] =	vst.idx.add.s32.msk vm3, v27  }
0xaf: {  	s20 =	sadd.s32 $0x180, s20;
	v9 =	vmov v26;
	(xrf1) =	vunique.msk.u32 $0xffff, v14;
	[tilespmem:v12+s11+$0x0] =	vst.idx.add.s32.msk vm7, v29;
	_, v19, vm2 =	vpop (xrf1);
	v12 =	vmov v30  }
0xb0: {  	(xrf1) =	vunique.msk.u32 $0xffff, v16  }
0xb1: {  	(xrf1) =	vunique.msk.u32 $0xffff, v15  }
0xb2: {  	v26 =	vunpack.i.l.s16.s32 v25;
	(xrf1) =	vunique.msk.u32 $0xffff, v13  }
0xb3: {  	v59 =	vunpack.i.u.s16.s32 v25;
	(xrf1) =	vunique.msk.u32 $0xffff, v26  }
0xb4: {  	v27 =	vunpack.i.l.s16.s32 v24;
	(xrf1) =	vunique.msk.u32 $0xffff, v59  }
0xb5: {  	_, v28, vm3 =	vpop (xrf1);
	v60 =	vunpack.i.u.s16.s32 v24;
	(xrf1) =	vunique.msk.u32 $0xffff, v27  }
0xb6: {  	[tilespmem:v1+s11+$0x0] =	vst.idx.add.s32.msk vm5, v21;
	_, v1, vm5 =	vpop (xrf1);
	(xrf1) =	vunique.msk.u32 $0xffff, v60  }
0xb7: {  	[tilespmem:v6+s11+$0x0] =	vst.idx.add.s32.msk vm1, v18;
	_, v6, vm1 =	vpop (xrf1)  }
0xb8: {  	[tilespmem:v5+s11+$0x0] =	vst.idx.add.s32.msk vm4, v20;
	_, v5, vm4 =	vpop (xrf1)  }
0xb9: {  	[tilespmem:v2+s11+$0x0] =	vst.idx.add.s32.msk vm6, v22;
	_, v2, vm6 =	vpop (xrf1)  }
0xba: {  	[tilespmem:v3+s11+$0x0] =	vst.idx.add.s32.msk vm0, v17  }
0xbb: {  	[tilespmem:v4+s11+$0x0] =	vst.idx.add.s32.msk vm2, v19;
	_, v3, vm0 =	vpop (xrf1)  }
0xbc: {  	[tilespmem:v7+s11+$0x0] =	vst.idx.add.s32.msk vm3, v28;
	_, v4, vm2 =	vpop (xrf1)  }
0xbd: {  	[tilespmem:v8+s11+$0x0] =	vst.idx.add.s32.msk vm5, v1;
	_, v1, vm10 =	vpop (xrf1)  }
0xbe: {  	[tilespmem:v10+s11+$0x0] =	vst.idx.add.s32.msk vm4, v5;
	_, v5, vm4 =	vpop (xrf1)  }
0xbf: {  	[tilespmem:v11+s11+$0x0] =	vst.idx.add.s32.msk vm6, v2;
	_, v2, vm11 =	vpop (xrf1)  }
0xc0: {  	[tilespmem:v9+s11+$0x0] =	vst.idx.add.s32.msk vm1, v6;
	_, v61, vm12 =	vpop (xrf1)  }
0xc1: {  	[tilespmem:v12+s11+$0x0] =	vst.idx.add.s32.msk vm0, v3;
	_, v3, vm0 =	vpop (xrf1)  }
0xc2: {  	[tilespmem:v23+s11+$0x0] =	vst.idx.add.s32.msk vm2, v4;
	_, v62, vm13 =	vpop (xrf1)  }
0xc3: {  	[tilespmem:v14+s11+$0x0] =	vst.idx.add.s32.msk vm10, v1;
	_, v1, vm14 =	vpop (xrf1)  }
0xc4: {  	s17 =	sadd.s32 $0x1, s17;
	[tilespmem:v16+s11+$0x0] =	vst.idx.add.s32.msk vm4, v5;
	_, v63, vm15 =	vpop (xrf1)  }
0xc5: {  	p0 =	sne.s32 s17, $0x8;
	[tilespmem:v15+s11+$0x0] =	vst.idx.add.s32.msk vm11, v2  }
.Ltmp3:
0xc6: {  	[tilespmem:v13+s11+$0x0] =	vst.idx.add.s32.msk vm12, v61;
	(pc) =	sbr.rel @p0 .LBB2_4-.Ltmp3, $4  }
0xc7: {  	[tilespmem:v26+s11+$0x0] =	vst.idx.add.s32.msk vm0, v3  }
0xc8: {  	[tilespmem:v59+s11+$0x0] =	vst.idx.add.s32.msk vm13, v62  }
0xc9: {  	[tilespmem:v27+s11+$0x0] =	vst.idx.add.s32.msk vm14, v1  }
0xca: {  	[tilespmem:v60+s11+$0x0] =	vst.idx.add.s32.msk vm15, v63  }
0xcb: {  	s3 =	sadd.s32 $0x1, s3  }
0xcc: {  	p0 =	sne.s32 s3, s8  }
.Ltmp4:
0xcd: {  	_ = 	snop;
	(pc) =	sbr.rel @p0 .LBB2_1-.Ltmp4, $4  }
0xce: {  	[hbm4b:s7+s13] =	stream.strided.scatter [tilespmem:s11], [sflag:$0x3], $0x7000, s14, s13, $0x38;
	[tilespmem:$0xAF00] =	vst v63  }
0xcf: {  	_ =	swait.ge [sflag:s15], $0x7000  }
0xd0: {  	[sflag:s15] =	ssyncset.done $0x0  }
0xd1: {  	[sflag:s15] =	ssyncadd.s32 $0xFFFF9000  }
0xd2: {  	_ =	sfence.sel $0x180000  }
0xd3: {  	[bflag:$0x0] =	sbarrier.arrive $0xFFFF  }
0xd4: {  	p0 =	sne.s32 s0, $0x0;
	_ =	strace $0x90000047  }
0xd5: {  	s0 =	sadd.s32 @!p0 $0x100000, s1;
	[bflag:$0x2] =	sbarrier.arrive $0xFFFF  }
0xd6: {  	[sflag:s0] =	ssyncadd.tile.s32 @!p0 $0x1;
	_ =	shalt  }
.Lfunc_end2:
_tile_overlayer_lowered:
.L_overlay_start_2:
0xd7: {  	(tag) =	ssettag $0x2  }
0xd8: {  	s0 =	rddreg [dreg:$0x0];
	s2 =	stileid.u32  }
0xd9: {  	s1 =	rddreg [dreg:$0x1];
	p0 =	sne.s32 s2, $0x0  }
0xda: {  	s3 =	rddreg [dreg:$0x2];
	[bflag:$0x3] =	sbarrier.arrive $0xFFFF;
	s2 =	simm.s32 @!p0 $0x1C03  }
0xdb: {  	[timem:s3], [sflag:s2] =	dma.local @!p0 [hbm:s0], s1  }
0xdc: {  	s0 =	simm.s32 @!p0 $0x3  }
0xdd: {  	_ =	swait.ge @!p0 [sflag:s0], s1  }
0xde: {  	s1 =	ssub.s32 @!p0 $0x0, s1;
	[sflag:s0] =	ssyncset.done @!p0 $0x0  }
0xdf: {  	[sflag:s0] =	ssyncadd.s32 @!p0 s1  }
0xe0: {  	[bflag:$0x3] =	sbarrier.arrive $0xFFFF  }
0xe1: {  	_ =	shalt  }

</sc_bundles>
